<compile_context>
chip_gen: v7x
topology: tpu7x:2x2x1
jax: 0.10.2.dev20260603
libtpu: 0.0.44.dev20260713+nightly
codegen_flags: <defaults>
</compile_context>

<pallas_src>
import functools

import jax
import jax.numpy as jnp
from jax import lax
from jax.experimental import pallas as pl
from jax.experimental.pallas import tpu as pltpu
from jax.experimental.pallas import tpu_sc as plsc

B, T, H, F, S, NE, NHT = 32, 512, 128, 16, 8, 64, 128
WORD, TAG, HID, WIDTH, MAXPOS = 21128, 512, 384, 16, 4
D_IN = 768

_BM = 680
_PROWS = _BM * B


def _proj_t2t_body(w_ref, k_ref, b_ref, seq_ref, hl_ref,
                   p_ref, t2t_ref, t2h_ref):
    p_ref[...] = (
        jnp.dot(w_ref[...], k_ref[...], preferred_element_type=jnp.float32)
        + b_ref[...]
    )
    ll = lax.broadcasted_iota(jnp.int32, (1, T), 1)
    segl = jnp.zeros((1, T), jnp.int32)
    for j in range(S):
        sj = seq_ref[0, 0, j]
        segl = segl + (sj < ll).astype(jnp.int32)
    last = seq_ref[0, 0, S - 1]
    validl = (segl >= 1) & (ll <= last)
    cl = jnp.where(validl, (segl * 1024 + ll).astype(jnp.float32), 1.0e6)
    ckc = jnp.where(validl, (segl * 1024 + ll).astype(jnp.float32), -1.0e6)
    ck = jnp.transpose(ckc)
    d = jnp.abs(ck - cl)
    t2t_ref[0] = jnp.where(d <= jnp.float32(WIDTH), 0.0, 1.0)
    t2h_ref[0] = hl_ref[0] == 0


def _project_and_t2t(w_text, dense_kernel, dense_bias, sequencelist,
                     htmllist):
    return pl.pallas_call(
        _proj_t2t_body,
        grid=(B,),
        in_specs=[
            pl.BlockSpec((_BM, D_IN), lambda i: (i, 0)),
            pl.BlockSpec((D_IN, HID), lambda i: (0, 0)),
            pl.BlockSpec((1, HID), lambda i: (0, 0)),
            pl.BlockSpec((1, 1, S), lambda i: (i, 0, 0),
                         memory_space=pltpu.SMEM),
            pl.BlockSpec((1, 1, H), lambda i: (i, 0, 0)),
        ],
        out_specs=[
            pl.BlockSpec((_BM, HID), lambda i: (i, 0)),
            pl.BlockSpec((1, T, T), lambda i: (i, 0, 0)),
            pl.BlockSpec((1, 1, H), lambda i: (i, 0, 0)),
        ],
        out_shape=[
            jax.ShapeDtypeStruct((_PROWS, HID), jnp.float32),
            jax.ShapeDtypeStruct((B, T, T), jnp.float32),
            jax.ShapeDtypeStruct((B, 1, H), jnp.bool_),
        ],
    )(w_text, dense_kernel, dense_bias.reshape(1, HID),
      sequencelist.reshape(B, 1, S), htmllist.reshape(B, 1, H))


_TEXT_CHUNK = 128


def _make_gather_fh():
    mesh = plsc.VectorSubcoreMesh(core_axis_name="c", subcore_axis_name="s")

    @functools.partial(
        pl.kernel,
        out_type=(
            jax.ShapeDtypeStruct((B * F, D_IN), jnp.float32),
            jax.ShapeDtypeStruct((B * H, HID), jnp.float32),
            jax.ShapeDtypeStruct((B, H, T), jnp.float32),
            jax.ShapeDtypeStruct((B, H, H), jnp.int32),
        ),
        mesh=mesh,
        scratch_types=(
            pltpu.VMEM((F,), jnp.int32),
            pltpu.VMEM((H,), jnp.int32),
            pltpu.VMEM((F, D_IN), jnp.float32),
            pltpu.VMEM((H // 2, HID), jnp.float32),
            pltpu.VMEM((NHT,), jnp.int32),
            pltpu.VMEM((NHT,), jnp.int32),
            pltpu.VMEM((NE,), jnp.int32),
            pltpu.VMEM((NE,), jnp.int32),
            pltpu.VMEM((NE,), jnp.int32),
            pltpu.VMEM((16,), jnp.int32),
            pltpu.VMEM((H, T), jnp.float32),
            pltpu.VMEM((H, H), jnp.int32),
            pltpu.SemaphoreType.DMA,
        ),
        compiler_params=pltpu.CompilerParams(needs_layout_passes=False),
    )
    def gather_fh(wt_hbm, wh_hbm,
                  fidx_hbm, hidx_hbm, hth_hbm, htt_hbm,
                  src_hbm, dst_hbm, typ_hbm,
                  field_out, html_out, h2t_out, h2h_out,
                  fidx_v, hidx_v, frows_v, hrows_v, hth_v, htt_v,
                  src_v, dst_v, typ_v, kbuf_v, h2t_v, h2h_v, sem):
        wid = lax.axis_index("s") * 2 + lax.axis_index("c")
        lane = lax.iota(jnp.int32, 16)

        pltpu.sync_copy(fidx_hbm.at[wid], fidx_v)
        pltpu.sync_copy(hidx_hbm.at[wid], hidx_v)
        pltpu.sync_copy(hth_hbm.at[wid], hth_v)
        pltpu.sync_copy(htt_hbm.at[wid], htt_v)
        pltpu.sync_copy(src_hbm.at[wid], src_v)
        pltpu.sync_copy(dst_hbm.at[wid], dst_v)
        pltpu.sync_copy(typ_hbm.at[wid], typ_v)

        pltpu.async_copy(wt_hbm.at[fidx_v], frows_v, sem).wait()
        pltpu.sync_copy(frows_v, field_out.at[pl.ds(wid * F, F)])

        ones16 = jnp.full((16,), 1.0, jnp.float32)

        def _ones_row(i, carry):
            for j in range(T // 16):
                h2t_v[i, pl.ds(j * 16, 16)] = ones16
            return carry

        lax.fori_loop(0, H, _ones_row, 0)
        zeros16 = jnp.zeros((16,), jnp.float32)
        for g in range(NHT // 16):
            hvec = hth_v[pl.ds(g * 16, 16)]
            tvec = htt_v[pl.ds(g * 16, 16)]
            plsc.store_scatter(h2t_v, [hvec, tvec], zeros16)
        pltpu.sync_copy(h2t_v, h2t_out.at[wid])

        zi16 = jnp.zeros((16,), jnp.int32)

        def _zero_row(i, carry):
            for j in range(H // 16):
                h2h_v[i, pl.ds(j * 16, 16)] = zi16
            return carry

        lax.fori_loop(0, H, _zero_row, 0)
        for g in range(NE // 16):
            s = src_v[pl.ds(g * 16, 16)]
            d = dst_v[pl.ds(g * 16, 16)]
            key2 = (s * H + d) * 16 + lane
            sk = lax.sort(key2)
            kbuf_v[...] = sk
            knext = plsc.load_gather(kbuf_v, [jnp.minimum(lane + 1, 15)])
            keep = ((knext // 16) != (sk // 16)) | (lane == 15)
            glane = (sk % 16) + g * 16
            tv = plsc.load_gather(typ_v, [glane])
            plsc.store_scatter(h2h_v, [sk // (16 * H), (sk // 16) % H],
                               tv, mask=keep)
        pltpu.sync_copy(h2h_v, h2h_out.at[wid])

        for c in range(2):
            pltpu.async_copy(
                wh_hbm.at[hidx_v.at[pl.ds(c * (H // 2), H // 2)]],
                hrows_v, sem).wait()
            pltpu.sync_copy(
                hrows_v,
                html_out.at[pl.ds(wid * H + c * (H // 2), H // 2)])

    return gather_fh


def _make_gather_text():
    mesh = plsc.VectorSubcoreMesh(core_axis_name="c", subcore_axis_name="s")

    @functools.partial(
        pl.kernel,
        out_type=jax.ShapeDtypeStruct((B * T, HID), jnp.float32),
        mesh=mesh,
        scratch_types=(
            pltpu.VMEM((T // _TEXT_CHUNK, _TEXT_CHUNK), jnp.int32),
            pltpu.VMEM((_TEXT_CHUNK, HID), jnp.float32),
            pltpu.VMEM((_TEXT_CHUNK, HID), jnp.float32),
            pltpu.SemaphoreType.DMA,
            pltpu.SemaphoreType.DMA,
        ),
    )
    def gather_text(p_hbm, tidx_hbm, text_out,
                    tidx_v, rows0_v, rows1_v, sem0, sem1):
        wid = lax.axis_index("s") * 2 + lax.axis_index("c")
        pltpu.sync_copy(tidx_hbm.at[wid], tidx_v)
        bufs = (rows0_v, rows1_v)
        sems = (sem0, sem1)
        nch = T // _TEXT_CHUNK
        copies = []
        for j in range(nch):
            copies.append(
                pltpu.async_copy(p_hbm.at[tidx_v.at[j]], bufs[j % 2],
                                 sems[j % 2]))
            if j > 0:
                copies[j - 1].wait()
                pltpu.sync_copy(
                    bufs[(j - 1) % 2],
                    text_out.at[pl.ds(wid * T + (j - 1) * _TEXT_CHUNK,
                                      _TEXT_CHUNK)],
                )
        copies[nch - 1].wait()
        pltpu.sync_copy(
            bufs[(nch - 1) % 2],
            text_out.at[pl.ds(wid * T + (nch - 1) * _TEXT_CHUNK,
                              _TEXT_CHUNK)],
        )

    return gather_text


_gather_cache = {}


def _gather_fh_fn(*args):
    if "fh" not in _gather_cache:
        _gather_cache["fh"] = _make_gather_fh()
    return _gather_cache["fh"](*args)


def _gather_text_fn(*args):
    if "text" not in _gather_cache:
        _gather_cache["text"] = _make_gather_text()
    return _gather_cache["text"](*args)


def kernel(fieldlist, textlist, htmllist, html_edge_src, html_edge_type,
           html_edge_dst, ht_html, ht_text, sequencelist, w_html, w_text,
           position_embedding, htmledge_embedding, dense_kernel, dense_bias):
    i32 = jnp.int32
    tidx = textlist.astype(i32).reshape(B, T // _TEXT_CHUNK, _TEXT_CHUNK)
    fidx = fieldlist.astype(i32)
    hidx = htmllist.astype(i32)

    field_rows, html_rows, h2t, h2h = _gather_fh_fn(
        w_text, w_html, fidx, hidx,
        ht_html.astype(i32), ht_text.astype(i32),
        html_edge_src.astype(i32), html_edge_dst.astype(i32),
        html_edge_type.astype(i32))
    p_table, t2t, t2h3 = _project_and_t2t(
        w_text, dense_kernel, dense_bias,
        sequencelist.astype(i32), htmllist.astype(i32))
    t2h = t2h3.reshape(B, H)
    text_rows = _gather_text_fn(p_table, tidx)

    field_embeds = field_rows.reshape(B, F, D_IN)
    text_embeds = text_rows.reshape(B, T, HID)
    html_embeds = html_rows.reshape(B, H, HID)

    htmledge_complete = jnp.concatenate(
        [jnp.ones((1, HID), jnp.float32), htmledge_embedding], axis=0)

    return (field_embeds, text_embeds, html_embeds, t2t, h2h, h2t, t2h,
            position_embedding, htmledge_complete)

# --- scband reference (transcript-rebuilt; emitter-appended) ---
"""Pipeline reference for scband-myembeddinglayer-36618891165793 (READ-ONLY COPY).

The authoritative reference and input builder live on the scoring server;
editing this copy changes nothing except your own understanding.
"""

import jax, jax.numpy as jnp
import numpy as np

B, T, H, F, S, NE, NHT = 32, 512, 128, 16, 8, 64, 128
WORD, TAG, HID, WIDTH, MAXPOS = 21128, 512, 384, 16, 4


def setup_inputs(seed: int = 0) -> dict:
    key = jax.random.key(seed)
    ks = jax.random.split(key, 16)
    fieldlist = jax.random.randint(ks[0], (B, F), 0, WORD)
    textlist = jax.random.randint(ks[1], (B, T), 0, WORD)
    htmllist = jax.random.randint(ks[2], (B, H), 0, TAG)
    html_edge_src = jax.random.randint(ks[3], (B, NE), 0, H)
    html_edge_type = jax.random.randint(ks[4], (B, NE), 0, 4)
    html_edge_dst = jax.random.randint(ks[5], (B, NE), 0, H)
    ht_html = jax.random.randint(ks[6], (B, NHT), 0, H)
    ht_text = jax.random.randint(ks[7], (B, NHT), 0, T)
    sequencelist = jnp.sort(jax.random.randint(ks[8], (B, S), 0, T), axis=-1)
    w_html = jax.random.normal(ks[9], (TAG, HID), dtype=jnp.float32) * 0.02
    w_text = jax.random.normal(ks[10], (WORD, 768), dtype=jnp.float32) * 0.02
    position_embedding = jax.random.normal(ks[11], (2 * MAXPOS + 1, HID), dtype=jnp.float32) * 0.02
    htmledge_embedding = jax.random.normal(ks[12], (3, HID), dtype=jnp.float32) * 0.02
    dense_kernel = jax.random.normal(ks[13], (768, HID), dtype=jnp.float32) * (1.0 / np.sqrt(768.0))
    dense_bias = jnp.zeros((HID,), dtype=jnp.float32)
    return {
        "fieldlist": fieldlist, "textlist": textlist, "htmllist": htmllist,
        "html_edge_src": html_edge_src, "html_edge_type": html_edge_type, "html_edge_dst": html_edge_dst,
        "ht_html": ht_html, "ht_text": ht_text, "sequencelist": sequencelist,
        "w_html": w_html, "w_text": w_text,
        "position_embedding": position_embedding, "htmledge_embedding": htmledge_embedding,
        "dense_kernel": dense_kernel, "dense_bias": dense_bias,
    }


def reference(fieldlist, textlist, htmllist, html_edge_src, html_edge_type, html_edge_dst,
              ht_html, ht_text, sequencelist, w_html, w_text,
              position_embedding, htmledge_embedding, dense_kernel, dense_bias):
    # embedding gathers
    field_embeds = jnp.take(w_text, fieldlist, axis=0)                      # [B,F,768]
    text_embeds = jnp.take(w_text, textlist, axis=0)                        # [B,T,768]
    text_embeds = jnp.dot(text_embeds, dense_kernel) + dense_bias           # [B,T,HID]
    html_embeds = jnp.take(w_html, htmllist, axis=0)                        # [B,H,HID]

    # T2T mask: within each segment (seq[j-1]+1 .. seq[j]), mask=1 iff |k-l|>width; elsewhere 1
    p = jnp.arange(T)
    seg = jnp.sum(sequencelist[:, None, :] < p[None, :, None], axis=-1)     # [B,T] segment id
    valid = (seg >= 1) & (p[None, :] <= sequencelist[:, -1:])               # inside some block
    same = (seg[:, :, None] == seg[:, None, :]) & valid[:, :, None] & valid[:, None, :]
    dist = jnp.abs(p[:, None] - p[None, :])
    T2Tmask = jnp.where(same, (dist > WIDTH).astype(jnp.float32)[None, :, :], 1.0)

    # H2H mask: scatter edge types into zero matrix
    b_ne = jnp.broadcast_to(jnp.arange(B)[:, None], (B, NE))
    H2Hmask = jnp.zeros((B, H, H), dtype=jnp.int32).at[b_ne, html_edge_src, html_edge_dst].set(html_edge_type.astype(jnp.int32))

    # H2T mask: ones with zeros scattered at (html_idx, text_idx)
    b_ht = jnp.broadcast_to(jnp.arange(B)[:, None], (B, NHT))
    H2Tmask = jnp.ones((B, H, T), dtype=jnp.float32).at[b_ht, ht_html, ht_text].set(0.0)

    # T2H mask
    T2Hmask = jnp.equal(htmllist.astype(jnp.int32), 0)

    htmledge_embedding_complete = jnp.concatenate([jnp.ones((1, HID), dtype=jnp.float32), htmledge_embedding], axis=0)

    return (field_embeds, text_embeds, html_embeds, T2Tmask, H2Hmask, H2Tmask,
            T2Hmask, position_embedding, htmledge_embedding_complete)

if __name__ == "__main__":
    import jax
    _d = setup_inputs()
    print(jax.jit(kernel)(*tuple(_d.values())))

</pallas_src>

<mosaic_0001>
#map = affine_map<(d0, d1) -> (0, 0)>
#map1 = affine_map<(d0, d1) -> (0, 0, 0)>
module attributes {stable_mosaic.version = 14 : i64} {
  func.func @gather_fh(%arg0: i32, %arg1: i32, %arg2: memref<21128x768xf32, #tpu.memory_space<hbm>>, %arg3: memref<512x384xf32, #tpu.memory_space<hbm>>, %arg4: memref<32x16xi32, #tpu.memory_space<hbm>>, %arg5: memref<32x128xi32, #tpu.memory_space<hbm>>, %arg6: memref<32x128xi32, #tpu.memory_space<hbm>>, %arg7: memref<32x128xi32, #tpu.memory_space<hbm>>, %arg8: memref<32x64xi32, #tpu.memory_space<hbm>>, %arg9: memref<32x64xi32, #tpu.memory_space<hbm>>, %arg10: memref<32x64xi32, #tpu.memory_space<hbm>>, %arg11: memref<512x768xf32, #tpu.memory_space<hbm>>, %arg12: memref<4096x384xf32, #tpu.memory_space<hbm>>, %arg13: memref<32x128x512xf32, #tpu.memory_space<hbm>>, %arg14: memref<32x128x128xi32, #tpu.memory_space<hbm>>, %arg15: memref<16xi32, #tpu.memory_space<vmem>>, %arg16: memref<128xi32, #tpu.memory_space<vmem>>, %arg17: memref<16x768xf32, #tpu.memory_space<vmem>>, %arg18: memref<64x384xf32, #tpu.memory_space<vmem>>, %arg19: memref<128xi32, #tpu.memory_space<vmem>>, %arg20: memref<128xi32, #tpu.memory_space<vmem>>, %arg21: memref<64xi32, #tpu.memory_space<vmem>>, %arg22: memref<64xi32, #tpu.memory_space<vmem>>, %arg23: memref<64xi32, #tpu.memory_space<vmem>>, %arg24: memref<16xi32, #tpu.memory_space<vmem>>, %arg25: memref<128x512xf32, #tpu.memory_space<vmem>>, %arg26: memref<128x128xi32, #tpu.memory_space<vmem>>, %arg27: memref<!tpu.dma_semaphore, #tpu.memory_space<semaphore_mem>>) attributes {dimension_semantics = [#tpu.dimension_semantics<core_parallel>, #tpu.dimension_semantics<subcore_parallel>], iteration_bounds = array<i64: 2, 16>, scalar_prefetch = 0 : i64, scratch_operands = 13 : i64, tpu.core_type = #tpu.core_type<sc_vector_subcore>, window_params = [{transform_indices = #map}, {transform_indices = #map}, {transform_indices = #map}, {transform_indices = #map}, {transform_indices = #map}, {transform_indices = #map}, {transform_indices = #map}, {transform_indices = #map}, {transform_indices = #map}, {transform_indices = #map}, {transform_indices = #map}, {transform_indices = #map1}, {transform_indices = #map1}]} {
    %mul3A = arith.constant 2 : i32
    %mul3A_0 = arith.muli %arg1, %mul3A : i32
    %add3A = arith.addi %mul3A_0, %arg0 : i32
    %iota3A = tpu.iota {dimensions = array<i32: 0>} : vector<16xi32>
    "tpu.region"() ({
      %run_scoped3A = tpu.sem_alloc : memref<!tpu.dma_semaphore, #tpu.memory_space<semaphore_mem>>
      %dma_start3A_875 = arith.constant 0 : i32
      %dma_start3A_876 = tpu.memref_slice %arg4[%add3A, %dma_start3A_875] : memref<32x16xi32, #tpu.memory_space<hbm>> -> memref<1x16xi32, #tpu.memory_space<hbm>>
      %dma_start3A_877 = tpu.memref_squeeze %dma_start3A_876 : memref<1x16xi32, #tpu.memory_space<hbm>> -> memref<16xi32, #tpu.memory_space<hbm>>
      %dma_start3A_878 = arith.constant 0 : i32
      %dma_start3A_879 = tpu.memref_slice %arg4[%add3A, %dma_start3A_878] : memref<32x16xi32, #tpu.memory_space<hbm>> -> memref<1x16xi32, #tpu.memory_space<hbm>>
      %dma_start3A_880 = tpu.memref_squeeze %dma_start3A_879 : memref<1x16xi32, #tpu.memory_space<hbm>> -> memref<16xi32, #tpu.memory_space<hbm>>
      tpu.enqueue_dma source(%dma_start3A_880 : memref<16xi32, #tpu.memory_space<hbm>>) target(%arg15 : memref<16xi32, #tpu.memory_space<vmem>>) target_semaphore(%run_scoped3A : memref<!tpu.dma_semaphore, #tpu.memory_space<semaphore_mem>>)
      %dma_wait3A_881 = arith.constant 0 : i32
      %dma_wait3A_882 = tpu.memref_slice %arg4[%add3A, %dma_wait3A_881] : memref<32x16xi32, #tpu.memory_space<hbm>> -> memref<1x16xi32, #tpu.memory_space<hbm>>
      %dma_wait3A_883 = tpu.memref_squeeze %dma_wait3A_882 : memref<1x16xi32, #tpu.memory_space<hbm>> -> memref<16xi32, #tpu.memory_space<hbm>>
      %dma_wait3A_884 = arith.constant 0 : i32
      %dma_wait3A_885 = tpu.memref_slice %arg4[%add3A, %dma_wait3A_884] : memref<32x16xi32, #tpu.memory_space<hbm>> -> memref<1x16xi32, #tpu.memory_space<hbm>>
      %dma_wait3A_886 = tpu.memref_squeeze %dma_wait3A_885 : memref<1x16xi32, #tpu.memory_space<hbm>> -> memref<16xi32, #tpu.memory_space<hbm>>
      tpu.wait_dma2 semaphore(%run_scoped3A : memref<!tpu.dma_semaphore, #tpu.memory_space<semaphore_mem>>) src(%dma_wait3A_886 : memref<16xi32, #tpu.memory_space<hbm>>) dst(%arg15 : memref<16xi32, #tpu.memory_space<vmem>>)
      tpu.yield
    }) : () -> ()
    "tpu.region"() ({
      %run_scoped3A = tpu.sem_alloc : memref<!tpu.dma_semaphore, #tpu.memory_space<semaphore_mem>>
      %dma_start3A_875 = arith.constant 0 : i32
      %dma_start3A_876 = tpu.memref_slice %arg5[%add3A, %dma_start3A_875] : memref<32x128xi32, #tpu.memory_space<hbm>> -> memref<1x128xi32, #tpu.memory_space<hbm>>
      %dma_start3A_877 = tpu.memref_squeeze %dma_start3A_876 : memref<1x128xi32, #tpu.memory_space<hbm>> -> memref<128xi32, #tpu.memory_space<hbm>>
      %dma_start3A_878 = arith.constant 0 : i32
      %dma_start3A_879 = tpu.memref_slice %arg5[%add3A, %dma_start3A_878] : memref<32x128xi32, #tpu.memory_space<hbm>> -> memref<1x128xi32, #tpu.memory_space<hbm>>
      %dma_start3A_880 = tpu.memref_squeeze %dma_start3A_879 : memref<1x128xi32, #tpu.memory_space<hbm>> -> memref<128xi32, #tpu.memory_space<hbm>>
      tpu.enqueue_dma source(%dma_start3A_880 : memref<128xi32, #tpu.memory_space<hbm>>) target(%arg16 : memref<128xi32, #tpu.memory_space<vmem>>) target_semaphore(%run_scoped3A : memref<!tpu.dma_semaphore, #tpu.memory_space<semaphore_mem>>)
      %dma_wait3A_881 = arith.constant 0 : i32
      %dma_wait3A_882 = tpu.memref_slice %arg5[%add3A, %dma_wait3A_881] : memref<32x128xi32, #tpu.memory_space<hbm>> -> memref<1x128xi32, #tpu.memory_space<hbm>>
      %dma_wait3A_883 = tpu.memref_squeeze %dma_wait3A_882 : memref<1x128xi32, #tpu.memory_space<hbm>> -> memref<128xi32, #tpu.memory_space<hbm>>
      %dma_wait3A_884 = arith.constant 0 : i32
      %dma_wait3A_885 = tpu.memref_slice %arg5[%add3A, %dma_wait3A_884] : memref<32x128xi32, #tpu.memory_space<hbm>> -> memref<1x128xi32, #tpu.memory_space<hbm>>
      %dma_wait3A_886 = tpu.memref_squeeze %dma_wait3A_885 : memref<1x128xi32, #tpu.memory_space<hbm>> -> memref<128xi32, #tpu.memory_space<hbm>>
      tpu.wait_dma2 semaphore(%run_scoped3A : memref<!tpu.dma_semaphore, #tpu.memory_space<semaphore_mem>>) src(%dma_wait3A_886 : memref<128xi32, #tpu.memory_space<hbm>>) dst(%arg16 : memref<128xi32, #tpu.memory_space<vmem>>)
      tpu.yield
    }) : () -> ()
    "tpu.region"() ({
      %run_scoped3A = tpu.sem_alloc : memref<!tpu.dma_semaphore, #tpu.memory_space<semaphore_mem>>
      %dma_start3A_875 = arith.constant 0 : i32
      %dma_start3A_876 = tpu.memref_slice %arg6[%add3A, %dma_start3A_875] : memref<32x128xi32, #tpu.memory_space<hbm>> -> memref<1x128xi32, #tpu.memory_space<hbm>>
      %dma_start3A_877 = tpu.memref_squeeze %dma_start3A_876 : memref<1x128xi32, #tpu.memory_space<hbm>> -> memref<128xi32, #tpu.memory_space<hbm>>
      %dma_start3A_878 = arith.constant 0 : i32
      %dma_start3A_879 = tpu.memref_slice %arg6[%add3A, %dma_start3A_878] : memref<32x128xi32, #tpu.memory_space<hbm>> -> memref<1x128xi32, #tpu.memory_space<hbm>>
      %dma_start3A_880 = tpu.memref_squeeze %dma_start3A_879 : memref<1x128xi32, #tpu.memory_space<hbm>> -> memref<128xi32, #tpu.memory_space<hbm>>
      tpu.enqueue_dma source(%dma_start3A_880 : memref<128xi32, #tpu.memory_space<hbm>>) target(%arg19 : memref<128xi32, #tpu.memory_space<vmem>>) target_semaphore(%run_scoped3A : memref<!tpu.dma_semaphore, #tpu.memory_space<semaphore_mem>>)
      %dma_wait3A_881 = arith.constant 0 : i32
      %dma_wait3A_882 = tpu.memref_slice %arg6[%add3A, %dma_wait3A_881] : memref<32x128xi32, #tpu.memory_space<hbm>> -> memref<1x128xi32, #tpu.memory_space<hbm>>
      %dma_wait3A_883 = tpu.memref_squeeze %dma_wait3A_882 : memref<1x128xi32, #tpu.memory_space<hbm>> -> memref<128xi32, #tpu.memory_space<hbm>>
      %dma_wait3A_884 = arith.constant 0 : i32
      %dma_wait3A_885 = tpu.memref_slice %arg6[%add3A, %dma_wait3A_884] : memref<32x128xi32, #tpu.memory_space<hbm>> -> memref<1x128xi32, #tpu.memory_space<hbm>>
      %dma_wait3A_886 = tpu.memref_squeeze %dma_wait3A_885 : memref<1x128xi32, #tpu.memory_space<hbm>> -> memref<128xi32, #tpu.memory_space<hbm>>
      tpu.wait_dma2 semaphore(%run_scoped3A : memref<!tpu.dma_semaphore, #tpu.memory_space<semaphore_mem>>) src(%dma_wait3A_886 : memref<128xi32, #tpu.memory_space<hbm>>) dst(%arg19 : memref<128xi32, #tpu.memory_space<vmem>>)
      tpu.yield
    }) : () -> ()
    "tpu.region"() ({
      %run_scoped3A = tpu.sem_alloc : memref<!tpu.dma_semaphore, #tpu.memory_space<semaphore_mem>>
      %dma_start3A_875 = arith.constant 0 : i32
      %dma_start3A_876 = tpu.memref_slice %arg7[%add3A, %dma_start3A_875] : memref<32x128xi32, #tpu.memory_space<hbm>> -> memref<1x128xi32, #tpu.memory_space<hbm>>
      %dma_start3A_877 = tpu.memref_squeeze %dma_start3A_876 : memref<1x128xi32, #tpu.memory_space<hbm>> -> memref<128xi32, #tpu.memory_space<hbm>>
      %dma_start3A_878 = arith.constant 0 : i32
      %dma_start3A_879 = tpu.memref_slice %arg7[%add3A, %dma_start3A_878] : memref<32x128xi32, #tpu.memory_space<hbm>> -> memref<1x128xi32, #tpu.memory_space<hbm>>
      %dma_start3A_880 = tpu.memref_squeeze %dma_start3A_879 : memref<1x128xi32, #tpu.memory_space<hbm>> -> memref<128xi32, #tpu.memory_space<hbm>>
      tpu.enqueue_dma source(%dma_start3A_880 : memref<128xi32, #tpu.memory_space<hbm>>) target(%arg20 : memref<128xi32, #tpu.memory_space<vmem>>) target_semaphore(%run_scoped3A : memref<!tpu.dma_semaphore, #tpu.memory_space<semaphore_mem>>)
      %dma_wait3A_881 = arith.constant 0 : i32
      %dma_wait3A_882 = tpu.memref_slice %arg7[%add3A, %dma_wait3A_881] : memref<32x128xi32, #tpu.memory_space<hbm>> -> memref<1x128xi32, #tpu.memory_space<hbm>>
      %dma_wait3A_883 = tpu.memref_squeeze %dma_wait3A_882 : memref<1x128xi32, #tpu.memory_space<hbm>> -> memref<128xi32, #tpu.memory_space<hbm>>
      %dma_wait3A_884 = arith.constant 0 : i32
      %dma_wait3A_885 = tpu.memref_slice %arg7[%add3A, %dma_wait3A_884] : memref<32x128xi32, #tpu.memory_space<hbm>> -> memref<1x128xi32, #tpu.memory_space<hbm>>
      %dma_wait3A_886 = tpu.memref_squeeze %dma_wait3A_885 : memref<1x128xi32, #tpu.memory_space<hbm>> -> memref<128xi32, #tpu.memory_space<hbm>>
      tpu.wait_dma2 semaphore(%run_scoped3A : memref<!tpu.dma_semaphore, #tpu.memory_space<semaphore_mem>>) src(%dma_wait3A_886 : memref<128xi32, #tpu.memory_space<hbm>>) dst(%arg20 : memref<128xi32, #tpu.memory_space<vmem>>)
      tpu.yield
    }) : () -> ()
    "tpu.region"() ({
      %run_scoped3A = tpu.sem_alloc : memref<!tpu.dma_semaphore, #tpu.memory_space<semaphore_mem>>
      %dma_start3A_875 = arith.constant 0 : i32
      %dma_start3A_876 = tpu.memref_slice %arg8[%add3A, %dma_start3A_875] : memref<32x64xi32, #tpu.memory_space<hbm>> -> memref<1x64xi32, #tpu.memory_space<hbm>>
      %dma_start3A_877 = tpu.memref_squeeze %dma_start3A_876 : memref<1x64xi32, #tpu.memory_space<hbm>> -> memref<64xi32, #tpu.memory_space<hbm>>
      %dma_start3A_878 = arith.constant 0 : i32
      %dma_start3A_879 = tpu.memref_slice %arg8[%add3A, %dma_start3A_878] : memref<32x64xi32, #tpu.memory_space<hbm>> -> memref<1x64xi32, #tpu.memory_space<hbm>>
      %dma_start3A_880 = tpu.memref_squeeze %dma_start3A_879 : memref<1x64xi32, #tpu.memory_space<hbm>> -> memref<64xi32, #tpu.memory_space<hbm>>
      tpu.enqueue_dma source(%dma_start3A_880 : memref<64xi32, #tpu.memory_space<hbm>>) target(%arg21 : memref<64xi32, #tpu.memory_space<vmem>>) target_semaphore(%run_scoped3A : memref<!tpu.dma_semaphore, #tpu.memory_space<semaphore_mem>>)
      %dma_wait3A_881 = arith.constant 0 : i32
      %dma_wait3A_882 = tpu.memref_slice %arg8[%add3A, %dma_wait3A_881] : memref<32x64xi32, #tpu.memory_space<hbm>> -> memref<1x64xi32, #tpu.memory_space<hbm>>
      %dma_wait3A_883 = tpu.memref_squeeze %dma_wait3A_882 : memref<1x64xi32, #tpu.memory_space<hbm>> -> memref<64xi32, #tpu.memory_space<hbm>>
      %dma_wait3A_884 = arith.constant 0 : i32
      %dma_wait3A_885 = tpu.memref_slice %arg8[%add3A, %dma_wait3A_884] : memref<32x64xi32, #tpu.memory_space<hbm>> -> memref<1x64xi32, #tpu.memory_space<hbm>>
      %dma_wait3A_886 = tpu.memref_squeeze %dma_wait3A_885 : memref<1x64xi32, #tpu.memory_space<hbm>> -> memref<64xi32, #tpu.memory_space<hbm>>
      tpu.wait_dma2 semaphore(%run_scoped3A : memref<!tpu.dma_semaphore, #tpu.memory_space<semaphore_mem>>) src(%dma_wait3A_886 : memref<64xi32, #tpu.memory_space<hbm>>) dst(%arg21 : memref<64xi32, #tpu.memory_space<vmem>>)
      tpu.yield
    }) : () -> ()
    "tpu.region"() ({
      %run_scoped3A = tpu.sem_alloc : memref<!tpu.dma_semaphore, #tpu.memory_space<semaphore_mem>>
      %dma_start3A_875 = arith.constant 0 : i32
      %dma_start3A_876 = tpu.memref_slice %arg9[%add3A, %dma_start3A_875] : memref<32x64xi32, #tpu.memory_space<hbm>> -> memref<1x64xi32, #tpu.memory_space<hbm>>
      %dma_start3A_877 = tpu.memref_squeeze %dma_start3A_876 : memref<1x64xi32, #tpu.memory_space<hbm>> -> memref<64xi32, #tpu.memory_space<hbm>>
      %dma_start3A_878 = arith.constant 0 : i32
      %dma_start3A_879 = tpu.memref_slice %arg9[%add3A, %dma_start3A_878] : memref<32x64xi32, #tpu.memory_space<hbm>> -> memref<1x64xi32, #tpu.memory_space<hbm>>
      %dma_start3A_880 = tpu.memref_squeeze %dma_start3A_879 : memref<1x64xi32, #tpu.memory_space<hbm>> -> memref<64xi32, #tpu.memory_space<hbm>>
      tpu.enqueue_dma source(%dma_start3A_880 : memref<64xi32, #tpu.memory_space<hbm>>) target(%arg22 : memref<64xi32, #tpu.memory_space<vmem>>) target_semaphore(%run_scoped3A : memref<!tpu.dma_semaphore, #tpu.memory_space<semaphore_mem>>)
      %dma_wait3A_881 = arith.constant 0 : i32
      %dma_wait3A_882 = tpu.memref_slice %arg9[%add3A, %dma_wait3A_881] : memref<32x64xi32, #tpu.memory_space<hbm>> -> memref<1x64xi32, #tpu.memory_space<hbm>>
      %dma_wait3A_883 = tpu.memref_squeeze %dma_wait3A_882 : memref<1x64xi32, #tpu.memory_space<hbm>> -> memref<64xi32, #tpu.memory_space<hbm>>
      %dma_wait3A_884 = arith.constant 0 : i32
      %dma_wait3A_885 = tpu.memref_slice %arg9[%add3A, %dma_wait3A_884] : memref<32x64xi32, #tpu.memory_space<hbm>> -> memref<1x64xi32, #tpu.memory_space<hbm>>
      %dma_wait3A_886 = tpu.memref_squeeze %dma_wait3A_885 : memref<1x64xi32, #tpu.memory_space<hbm>> -> memref<64xi32, #tpu.memory_space<hbm>>
      tpu.wait_dma2 semaphore(%run_scoped3A : memref<!tpu.dma_semaphore, #tpu.memory_space<semaphore_mem>>) src(%dma_wait3A_886 : memref<64xi32, #tpu.memory_space<hbm>>) dst(%arg22 : memref<64xi32, #tpu.memory_space<vmem>>)
      tpu.yield
    }) : () -> ()
    "tpu.region"() ({
      %run_scoped3A = tpu.sem_alloc : memref<!tpu.dma_semaphore, #tpu.memory_space<semaphore_mem>>
      %dma_start3A_875 = arith.constant 0 : i32
      %dma_start3A_876 = tpu.memref_slice %arg10[%add3A, %dma_start3A_875] : memref<32x64xi32, #tpu.memory_space<hbm>> -> memref<1x64xi32, #tpu.memory_space<hbm>>
      %dma_start3A_877 = tpu.memref_squeeze %dma_start3A_876 : memref<1x64xi32, #tpu.memory_space<hbm>> -> memref<64xi32, #tpu.memory_space<hbm>>
      %dma_start3A_878 = arith.constant 0 : i32
      %dma_start3A_879 = tpu.memref_slice %arg10[%add3A, %dma_start3A_878] : memref<32x64xi32, #tpu.memory_space<hbm>> -> memref<1x64xi32, #tpu.memory_space<hbm>>
      %dma_start3A_880 = tpu.memref_squeeze %dma_start3A_879 : memref<1x64xi32, #tpu.memory_space<hbm>> -> memref<64xi32, #tpu.memory_space<hbm>>
      tpu.enqueue_dma source(%dma_start3A_880 : memref<64xi32, #tpu.memory_space<hbm>>) target(%arg23 : memref<64xi32, #tpu.memory_space<vmem>>) target_semaphore(%run_scoped3A : memref<!tpu.dma_semaphore, #tpu.memory_space<semaphore_mem>>)
      %dma_wait3A_881 = arith.constant 0 : i32
      %dma_wait3A_882 = tpu.memref_slice %arg10[%add3A, %dma_wait3A_881] : memref<32x64xi32, #tpu.memory_space<hbm>> -> memref<1x64xi32, #tpu.memory_space<hbm>>
      %dma_wait3A_883 = tpu.memref_squeeze %dma_wait3A_882 : memref<1x64xi32, #tpu.memory_space<hbm>> -> memref<64xi32, #tpu.memory_space<hbm>>
      %dma_wait3A_884 = arith.constant 0 : i32
      %dma_wait3A_885 = tpu.memref_slice %arg10[%add3A, %dma_wait3A_884] : memref<32x64xi32, #tpu.memory_space<hbm>> -> memref<1x64xi32, #tpu.memory_space<hbm>>
      %dma_wait3A_886 = tpu.memref_squeeze %dma_wait3A_885 : memref<1x64xi32, #tpu.memory_space<hbm>> -> memref<64xi32, #tpu.memory_space<hbm>>
      tpu.wait_dma2 semaphore(%run_scoped3A : memref<!tpu.dma_semaphore, #tpu.memory_space<semaphore_mem>>) src(%dma_wait3A_886 : memref<64xi32, #tpu.memory_space<hbm>>) dst(%arg23 : memref<64xi32, #tpu.memory_space<vmem>>)
      tpu.yield
    }) : () -> ()
    %dma_start3A = arith.constant 0 : i32
    %dma_start3A_1 = arith.constant 0 : i32
    %dma_start3A_2 = tpu.memref_slice %arg2[%dma_start3A, %dma_start3A_1] : memref<21128x768xf32, #tpu.memory_space<hbm>> -> memref<21128x768xf32, #tpu.memory_space<hbm>>
    tpu.enqueue_indirect_dma source(%dma_start3A_2 : memref<21128x768xf32, #tpu.memory_space<hbm>>) target(%arg17 : memref<16x768xf32, #tpu.memory_space<vmem>>) offsets(%arg15 : memref<16xi32, #tpu.memory_space<vmem>>) semaphore(%arg27 : memref<!tpu.dma_semaphore, #tpu.memory_space<semaphore_mem>>)
    %dma_wait3A = arith.constant 0 : i32
    %dma_wait3A_3 = arith.constant 0 : i32
    %dma_wait3A_4 = tpu.memref_slice %arg2[%dma_wait3A, %dma_wait3A_3] : memref<21128x768xf32, #tpu.memory_space<hbm>> -> memref<21128x768xf32, #tpu.memory_space<hbm>>
    tpu.wait_indirect_dma semaphore(%arg27 : memref<!tpu.dma_semaphore, #tpu.memory_space<semaphore_mem>>) src(%dma_wait3A_4 : memref<21128x768xf32, #tpu.memory_space<hbm>>) dst(%arg17 : memref<16x768xf32, #tpu.memory_space<vmem>>)
    %mul3A_5 = arith.constant 16 : i32
    %mul3A_6 = arith.muli %add3A, %mul3A_5 : i32
    "tpu.region"() ({
      %run_scoped3A = tpu.sem_alloc : memref<!tpu.dma_semaphore, #tpu.memory_space<semaphore_mem>>
      %dma_start3A_875 = arith.constant 0 : i32
      %dma_start3A_876 = tpu.memref_slice %arg11[%mul3A_6, %dma_start3A_875] : memref<512x768xf32, #tpu.memory_space<hbm>> -> memref<16x768xf32, #tpu.memory_space<hbm>>
      %dma_start3A_877 = arith.constant 0 : i32
      %dma_start3A_878 = tpu.memref_slice %arg11[%mul3A_6, %dma_start3A_877] : memref<512x768xf32, #tpu.memory_space<hbm>> -> memref<16x768xf32, #tpu.memory_space<hbm>>
      tpu.enqueue_dma source(%arg17 : memref<16x768xf32, #tpu.memory_space<vmem>>) target(%dma_start3A_878 : memref<16x768xf32, #tpu.memory_space<hbm>>) target_semaphore(%run_scoped3A : memref<!tpu.dma_semaphore, #tpu.memory_space<semaphore_mem>>)
      %dma_wait3A_879 = arith.constant 0 : i32
      %dma_wait3A_880 = tpu.memref_slice %arg11[%mul3A_6, %dma_wait3A_879] : memref<512x768xf32, #tpu.memory_space<hbm>> -> memref<16x768xf32, #tpu.memory_space<hbm>>
      %dma_wait3A_881 = arith.constant 0 : i32
      %dma_wait3A_882 = tpu.memref_slice %arg11[%mul3A_6, %dma_wait3A_881] : memref<512x768xf32, #tpu.memory_space<hbm>> -> memref<16x768xf32, #tpu.memory_space<hbm>>
      tpu.wait_dma2 semaphore(%run_scoped3A : memref<!tpu.dma_semaphore, #tpu.memory_space<semaphore_mem>>) src(%arg17 : memref<16x768xf32, #tpu.memory_space<vmem>>) dst(%dma_wait3A_882 : memref<16x768xf32, #tpu.memory_space<hbm>>)
      tpu.yield
    }) : () -> ()
    %broadcast_in_dim3A = arith.constant 1.000000e+00 : f32
    %broadcast_in_dim3A_7 = vector.broadcast %broadcast_in_dim3A : f32 to vector<16xf32>
    %scan3A = arith.constant 0 : i32
    %scan3A_8 = arith.constant 0 : i32
    %scan3A_9 = arith.constant 128 : i32
    %scan3A_10 = arith.addi %scan3A_8, %scan3A_9 : i32
    %scan3A_11 = arith.constant 1 : i32
    scf.for %scan3A_875 = %scan3A_8 to %scan3A_10 step %scan3A_11  : i32 {
      %swap3A_876 = arith.index_cast %scan3A_875 : i32 to index
      %swap3A_877 = arith.constant 0 : index
      %swap3A_878 = tpu.vector_load %arg25[%swap3A_876, %swap3A_877] {strides = array<i32>} : memref<128x512xf32, #tpu.memory_space<vmem>>, vector<16xf32>,
      tpu.vector_store %arg25[%swap3A_876, %swap3A_877], %broadcast_in_dim3A_7 {strides = array<i32>} : memref<128x512xf32, #tpu.memory_space<vmem>>, vector<16xf32>,
      %swap3A_879 = arith.index_cast %scan3A_875 : i32 to index
      %swap3A_880 = arith.constant 16 : index
      %swap3A_881 = tpu.vector_load %arg25[%swap3A_879, %swap3A_880] {strides = array<i32>} : memref<128x512xf32, #tpu.memory_space<vmem>>, vector<16xf32>,
      tpu.vector_store %arg25[%swap3A_879, %swap3A_880], %broadcast_in_dim3A_7 {strides = array<i32>} : memref<128x512xf32, #tpu.memory_space<vmem>>, vector<16xf32>,
      %swap3A_882 = arith.index_cast %scan3A_875 : i32 to index
      %swap3A_883 = arith.constant 32 : index
      %swap3A_884 = tpu.vector_load %arg25[%swap3A_882, %swap3A_883] {strides = array<i32>} : memref<128x512xf32, #tpu.memory_space<vmem>>, vector<16xf32>,
      tpu.vector_store %arg25[%swap3A_882, %swap3A_883], %broadcast_in_dim3A_7 {strides = array<i32>} : memref<128x512xf32, #tpu.memory_space<vmem>>, vector<16xf32>,
      %swap3A_885 = arith.index_cast %scan3A_875 : i32 to index
      %swap3A_886 = arith.constant 48 : index
      %swap3A_887 = tpu.vector_load %arg25[%swap3A_885, %swap3A_886] {strides = array<i32>} : memref<128x512xf32, #tpu.memory_space<vmem>>, vector<16xf32>,
      tpu.vector_store %arg25[%swap3A_885, %swap3A_886], %broadcast_in_dim3A_7 {strides = array<i32>} : memref<128x512xf32, #tpu.memory_space<vmem>>, vector<16xf32>,
      %swap3A_888 = arith.index_cast %scan3A_875 : i32 to index
      %swap3A_889 = arith.constant 64 : index
      %swap3A_890 = tpu.vector_load %arg25[%swap3A_888, %swap3A_889] {strides = array<i32>} : memref<128x512xf32, #tpu.memory_space<vmem>>, vector<16xf32>,
      tpu.vector_store %arg25[%swap3A_888, %swap3A_889], %broadcast_in_dim3A_7 {strides = array<i32>} : memref<128x512xf32, #tpu.memory_space<vmem>>, vector<16xf32>,
      %swap3A_891 = arith.index_cast %scan3A_875 : i32 to index
      %swap3A_892 = arith.constant 80 : index
      %swap3A_893 = tpu.vector_load %arg25[%swap3A_891, %swap3A_892] {strides = array<i32>} : memref<128x512xf32, #tpu.memory_space<vmem>>, vector<16xf32>,
      tpu.vector_store %arg25[%swap3A_891, %swap3A_892], %broadcast_in_dim3A_7 {strides = array<i32>} : memref<128x512xf32, #tpu.memory_space<vmem>>, vector<16xf32>,
      %swap3A_894 = arith.index_cast %scan3A_875 : i32 to index
      %swap3A_895 = arith.constant 96 : index
      %swap3A_896 = tpu.vector_load %arg25[%swap3A_894, %swap3A_895] {strides = array<i32>} : memref<128x512xf32, #tpu.memory_space<vmem>>, vector<16xf32>,
      tpu.vector_store %arg25[%swap3A_894, %swap3A_895], %broadcast_in_dim3A_7 {strides = array<i32>} : memref<128x512xf32, #tpu.memory_space<vmem>>, vector<16xf32>,
      %swap3A_897 = arith.index_cast %scan3A_875 : i32 to index
      %swap3A_898 = arith.constant 112 : index
      %swap3A_899 = tpu.vector_load %arg25[%swap3A_897, %swap3A_898] {strides = array<i32>} : memref<128x512xf32, #tpu.memory_space<vmem>>, vector<16xf32>,
      tpu.vector_store %arg25[%swap3A_897, %swap3A_898], %broadcast_in_dim3A_7 {strides = array<i32>} : memref<128x512xf32, #tpu.memory_space<vmem>>, vector<16xf32>,
      %swap3A_900 = arith.index_cast %scan3A_875 : i32 to index
      %swap3A_901 = arith.constant 128 : index
      %swap3A_902 = tpu.vector_load %arg25[%swap3A_900, %swap3A_901] {strides = array<i32>} : memref<128x512xf32, #tpu.memory_space<vmem>>, vector<16xf32>,
      tpu.vector_store %arg25[%swap3A_900, %swap3A_901], %broadcast_in_dim3A_7 {strides = array<i32>} : memref<128x512xf32, #tpu.memory_space<vmem>>, vector<16xf32>,
      %swap3A_903 = arith.index_cast %scan3A_875 : i32 to index
      %swap3A_904 = arith.constant 144 : index
      %swap3A_905 = tpu.vector_load %arg25[%swap3A_903, %swap3A_904] {strides = array<i32>} : memref<128x512xf32, #tpu.memory_space<vmem>>, vector<16xf32>,
      tpu.vector_store %arg25[%swap3A_903, %swap3A_904], %broadcast_in_dim3A_7 {strides = array<i32>} : memref<128x512xf32, #tpu.memory_space<vmem>>, vector<16xf32>,
      %swap3A_906 = arith.index_cast %scan3A_875 : i32 to index
      %swap3A_907 = arith.constant 160 : index
      %swap3A_908 = tpu.vector_load %arg25[%swap3A_906, %swap3A_907] {strides = array<i32>} : memref<128x512xf32, #tpu.memory_space<vmem>>, vector<16xf32>,
      tpu.vector_store %arg25[%swap3A_906, %swap3A_907], %broadcast_in_dim3A_7 {strides = array<i32>} : memref<128x512xf32, #tpu.memory_space<vmem>>, vector<16xf32>,
      %swap3A_909 = arith.index_cast %scan3A_875 : i32 to index
      %swap3A_910 = arith.constant 176 : index
      %swap3A_911 = tpu.vector_load %arg25[%swap3A_909, %swap3A_910] {strides = array<i32>} : memref<128x512xf32, #tpu.memory_space<vmem>>, vector<16xf32>,
      tpu.vector_store %arg25[%swap3A_909, %swap3A_910], %broadcast_in_dim3A_7 {strides = array<i32>} : memref<128x512xf32, #tpu.memory_space<vmem>>, vector<16xf32>,
      %swap3A_912 = arith.index_cast %scan3A_875 : i32 to index
      %swap3A_913 = arith.constant 192 : index
      %swap3A_914 = tpu.vector_load %arg25[%swap3A_912, %swap3A_913] {strides = array<i32>} : memref<128x512xf32, #tpu.memory_space<vmem>>, vector<16xf32>,
      tpu.vector_store %arg25[%swap3A_912, %swap3A_913], %broadcast_in_dim3A_7 {strides = array<i32>} : memref<128x512xf32, #tpu.memory_space<vmem>>, vector<16xf32>,
      %swap3A_915 = arith.index_cast %scan3A_875 : i32 to index
      %swap3A_916 = arith.constant 208 : index
      %swap3A_917 = tpu.vector_load %arg25[%swap3A_915, %swap3A_916] {strides = array<i32>} : memref<128x512xf32, #tpu.memory_space<vmem>>, vector<16xf32>,
      tpu.vector_store %arg25[%swap3A_915, %swap3A_916], %broadcast_in_dim3A_7 {strides = array<i32>} : memref<128x512xf32, #tpu.memory_space<vmem>>, vector<16xf32>,
      %swap3A_918 = arith.index_cast %scan3A_875 : i32 to index
      %swap3A_919 = arith.constant 224 : index
      %swap3A_920 = tpu.vector_load %arg25[%swap3A_918, %swap3A_919] {strides = array<i32>} : memref<128x512xf32, #tpu.memory_space<vmem>>, vector<16xf32>,
      tpu.vector_store %arg25[%swap3A_918, %swap3A_919], %broadcast_in_dim3A_7 {strides = array<i32>} : memref<128x512xf32, #tpu.memory_space<vmem>>, vector<16xf32>,
      %swap3A_921 = arith.index_cast %scan3A_875 : i32 to index
      %swap3A_922 = arith.constant 240 : index
      %swap3A_923 = tpu.vector_load %arg25[%swap3A_921, %swap3A_922] {strides = array<i32>} : memref<128x512xf32, #tpu.memory_space<vmem>>, vector<16xf32>,
      tpu.vector_store %arg25[%swap3A_921, %swap3A_922], %broadcast_in_dim3A_7 {strides = array<i32>} : memref<128x512xf32, #tpu.memory_space<vmem>>, vector<16xf32>,
      %swap3A_924 = arith.index_cast %scan3A_875 : i32 to index
      %swap3A_925 = arith.constant 256 : index
      %swap3A_926 = tpu.vector_load %arg25[%swap3A_924, %swap3A_925] {strides = array<i32>} : memref<128x512xf32, #tpu.memory_space<vmem>>, vector<16xf32>,
      tpu.vector_store %arg25[%swap3A_924, %swap3A_925], %broadcast_in_dim3A_7 {strides = array<i32>} : memref<128x512xf32, #tpu.memory_space<vmem>>, vector<16xf32>,
      %swap3A_927 = arith.index_cast %scan3A_875 : i32 to index
      %swap3A_928 = arith.constant 272 : index
      %swap3A_929 = tpu.vector_load %arg25[%swap3A_927, %swap3A_928] {strides = array<i32>} : memref<128x512xf32, #tpu.memory_space<vmem>>, vector<16xf32>,
      tpu.vector_store %arg25[%swap3A_927, %swap3A_928], %broadcast_in_dim3A_7 {strides = array<i32>} : memref<128x512xf32, #tpu.memory_space<vmem>>, vector<16xf32>,
      %swap3A_930 = arith.index_cast %scan3A_875 : i32 to index
      %swap3A_931 = arith.constant 288 : index
      %swap3A_932 = tpu.vector_load %arg25[%swap3A_930, %swap3A_931] {strides = array<i32>} : memref<128x512xf32, #tpu.memory_space<vmem>>, vector<16xf32>,
      tpu.vector_store %arg25[%swap3A_930, %swap3A_931], %broadcast_in_dim3A_7 {strides = array<i32>} : memref<128x512xf32, #tpu.memory_space<vmem>>, vector<16xf32>,
      %swap3A_933 = arith.index_cast %scan3A_875 : i32 to index
      %swap3A_934 = arith.constant 304 : index
      %swap3A_935 = tpu.vector_load %arg25[%swap3A_933, %swap3A_934] {strides = array<i32>} : memref<128x512xf32, #tpu.memory_space<vmem>>, vector<16xf32>,
      tpu.vector_store %arg25[%swap3A_933, %swap3A_934], %broadcast_in_dim3A_7 {strides = array<i32>} : memref<128x512xf32, #tpu.memory_space<vmem>>, vector<16xf32>,
      %swap3A_936 = arith.index_cast %scan3A_875 : i32 to index
      %swap3A_937 = arith.constant 320 : index
      %swap3A_938 = tpu.vector_load %arg25[%swap3A_936, %swap3A_937] {strides = array<i32>} : memref<128x512xf32, #tpu.memory_space<vmem>>, vector<16xf32>,
      tpu.vector_store %arg25[%swap3A_936, %swap3A_937], %broadcast_in_dim3A_7 {strides = array<i32>} : memref<128x512xf32, #tpu.memory_space<vmem>>, vector<16xf32>,
      %swap3A_939 = arith.index_cast %scan3A_875 : i32 to index
      %swap3A_940 = arith.constant 336 : index
      %swap3A_941 = tpu.vector_load %arg25[%swap3A_939, %swap3A_940] {strides = array<i32>} : memref<128x512xf32, #tpu.memory_space<vmem>>, vector<16xf32>,
      tpu.vector_store %arg25[%swap3A_939, %swap3A_940], %broadcast_in_dim3A_7 {strides = array<i32>} : memref<128x512xf32, #tpu.memory_space<vmem>>, vector<16xf32>,
      %swap3A_942 = arith.index_cast %scan3A_875 : i32 to index
      %swap3A_943 = arith.constant 352 : index
      %swap3A_944 = tpu.vector_load %arg25[%swap3A_942, %swap3A_943] {strides = array<i32>} : memref<128x512xf32, #tpu.memory_space<vmem>>, vector<16xf32>,
      tpu.vector_store %arg25[%swap3A_942, %swap3A_943], %broadcast_in_dim3A_7 {strides = array<i32>} : memref<128x512xf32, #tpu.memory_space<vmem>>, vector<16xf32>,
      %swap3A_945 = arith.index_cast %scan3A_875 : i32 to index
      %swap3A_946 = arith.constant 368 : index
      %swap3A_947 = tpu.vector_load %arg25[%swap3A_945, %swap3A_946] {strides = array<i32>} : memref<128x512xf32, #tpu.memory_space<vmem>>, vector<16xf32>,
      tpu.vector_store %arg25[%swap3A_945, %swap3A_946], %broadcast_in_dim3A_7 {strides = array<i32>} : memref<128x512xf32, #tpu.memory_space<vmem>>, vector<16xf32>,
      %swap3A_948 = arith.index_cast %scan3A_875 : i32 to index
      %swap3A_949 = arith.constant 384 : index
      %swap3A_950 = tpu.vector_load %arg25[%swap3A_948, %swap3A_949] {strides = array<i32>} : memref<128x512xf32, #tpu.memory_space<vmem>>, vector<16xf32>,
      tpu.vector_store %arg25[%swap3A_948, %swap3A_949], %broadcast_in_dim3A_7 {strides = array<i32>} : memref<128x512xf32, #tpu.memory_space<vmem>>, vector<16xf32>,
      %swap3A_951 = arith.index_cast %scan3A_875 : i32 to index
      %swap3A_952 = arith.constant 400 : index
      %swap3A_953 = tpu.vector_load %arg25[%swap3A_951, %swap3A_952] {strides = array<i32>} : memref<128x512xf32, #tpu.memory_space<vmem>>, vector<16xf32>,
      tpu.vector_store %arg25[%swap3A_951, %swap3A_952], %broadcast_in_dim3A_7 {strides = array<i32>} : memref<128x512xf32, #tpu.memory_space<vmem>>, vector<16xf32>,
      %swap3A_954 = arith.index_cast %scan3A_875 : i32 to index
      %swap3A_955 = arith.constant 416 : index
      %swap3A_956 = tpu.vector_load %arg25[%swap3A_954, %swap3A_955] {strides = array<i32>} : memref<128x512xf32, #tpu.memory_space<vmem>>, vector<16xf32>,
      tpu.vector_store %arg25[%swap3A_954, %swap3A_955], %broadcast_in_dim3A_7 {strides = array<i32>} : memref<128x512xf32, #tpu.memory_space<vmem>>, vector<16xf32>,
      %swap3A_957 = arith.index_cast %scan3A_875 : i32 to index
      %swap3A_958 = arith.constant 432 : index
      %swap3A_959 = tpu.vector_load %arg25[%swap3A_957, %swap3A_958] {strides = array<i32>} : memref<128x512xf32, #tpu.memory_space<vmem>>, vector<16xf32>,
      tpu.vector_store %arg25[%swap3A_957, %swap3A_958], %broadcast_in_dim3A_7 {strides = array<i32>} : memref<128x512xf32, #tpu.memory_space<vmem>>, vector<16xf32>,
      %swap3A_960 = arith.index_cast %scan3A_875 : i32 to index
      %swap3A_961 = arith.constant 448 : index
      %swap3A_962 = tpu.vector_load %arg25[%swap3A_960, %swap3A_961] {strides = array<i32>} : memref<128x512xf32, #tpu.memory_space<vmem>>, vector<16xf32>,
      tpu.vector_store %arg25[%swap3A_960, %swap3A_961], %broadcast_in_dim3A_7 {strides = array<i32>} : memref<128x512xf32, #tpu.memory_space<vmem>>, vector<16xf32>,
      %swap3A_963 = arith.index_cast %scan3A_875 : i32 to index
      %swap3A_964 = arith.constant 464 : index
      %swap3A_965 = tpu.vector_load %arg25[%swap3A_963, %swap3A_964] {strides = array<i32>} : memref<128x512xf32, #tpu.memory_space<vmem>>, vector<16xf32>,
      tpu.vector_store %arg25[%swap3A_963, %swap3A_964], %broadcast_in_dim3A_7 {strides = array<i32>} : memref<128x512xf32, #tpu.memory_space<vmem>>, vector<16xf32>,
      %swap3A_966 = arith.index_cast %scan3A_875 : i32 to index
      %swap3A_967 = arith.constant 480 : index
      %swap3A_968 = tpu.vector_load %arg25[%swap3A_966, %swap3A_967] {strides = array<i32>} : memref<128x512xf32, #tpu.memory_space<vmem>>, vector<16xf32>,
      tpu.vector_store %arg25[%swap3A_966, %swap3A_967], %broadcast_in_dim3A_7 {strides = array<i32>} : memref<128x512xf32, #tpu.memory_space<vmem>>, vector<16xf32>,
      %swap3A_969 = arith.index_cast %scan3A_875 : i32 to index
      %swap3A_970 = arith.constant 496 : index
      %swap3A_971 = tpu.vector_load %arg25[%swap3A_969, %swap3A_970] {strides = array<i32>} : memref<128x512xf32, #tpu.memory_space<vmem>>, vector<16xf32>,
      tpu.vector_store %arg25[%swap3A_969, %swap3A_970], %broadcast_in_dim3A_7 {strides = array<i32>} : memref<128x512xf32, #tpu.memory_space<vmem>>, vector<16xf32>,
    }
    %scan3A_12 = arith.constant 128 : i32
    %broadcast_in_dim3A_13 = arith.constant 0.000000e+00 : f32
    %broadcast_in_dim3A_14 = vector.broadcast %broadcast_in_dim3A_13 : f32 to vector<16xf32>
    %get3A = arith.constant 0 : index
    %get3A_15 = tpu.vector_load %arg19[%get3A] {strides = array<i32>} : memref<128xi32, #tpu.memory_space<vmem>>, vector<16xi32>,
    %get3A_16 = arith.constant 0 : index
    %get3A_17 = tpu.vector_load %arg20[%get3A_16] {strides = array<i32>} : memref<128xi32, #tpu.memory_space<vmem>>, vector<16xi32>,
    tpu.vector_store_idx %arg25[%get3A_15, %get3A_17], %broadcast_in_dim3A_14 : memref<128x512xf32, #tpu.memory_space<vmem>>[vector<16xi32>, vector<16xi32>], vector<16xf32>,
    %get3A_18 = arith.constant 16 : index
    %get3A_19 = tpu.vector_load %arg19[%get3A_18] {strides = array<i32>} : memref<128xi32, #tpu.memory_space<vmem>>, vector<16xi32>,
    %get3A_20 = arith.constant 16 : index
    %get3A_21 = tpu.vector_load %arg20[%get3A_20] {strides = array<i32>} : memref<128xi32, #tpu.memory_space<vmem>>, vector<16xi32>,
    tpu.vector_store_idx %arg25[%get3A_19, %get3A_21], %broadcast_in_dim3A_14 : memref<128x512xf32, #tpu.memory_space<vmem>>[vector<16xi32>, vector<16xi32>], vector<16xf32>,
    %get3A_22 = arith.constant 32 : index
    %get3A_23 = tpu.vector_load %arg19[%get3A_22] {strides = array<i32>} : memref<128xi32, #tpu.memory_space<vmem>>, vector<16xi32>,
    %get3A_24 = arith.constant 32 : index
    %get3A_25 = tpu.vector_load %arg20[%get3A_24] {strides = array<i32>} : memref<128xi32, #tpu.memory_space<vmem>>, vector<16xi32>,
    tpu.vector_store_idx %arg25[%get3A_23, %get3A_25], %broadcast_in_dim3A_14 : memref<128x512xf32, #tpu.memory_space<vmem>>[vector<16xi32>, vector<16xi32>], vector<16xf32>,
    %get3A_26 = arith.constant 48 : index
    %get3A_27 = tpu.vector_load %arg19[%get3A_26] {strides = array<i32>} : memref<128xi32, #tpu.memory_space<vmem>>, vector<16xi32>,
    %get3A_28 = arith.constant 48 : index
    %get3A_29 = tpu.vector_load %arg20[%get3A_28] {strides = array<i32>} : memref<128xi32, #tpu.memory_space<vmem>>, vector<16xi32>,
    tpu.vector_store_idx %arg25[%get3A_27, %get3A_29], %broadcast_in_dim3A_14 : memref<128x512xf32, #tpu.memory_space<vmem>>[vector<16xi32>, vector<16xi32>], vector<16xf32>,
    %get3A_30 = arith.constant 64 : index
    %get3A_31 = tpu.vector_load %arg19[%get3A_30] {strides = array<i32>} : memref<128xi32, #tpu.memory_space<vmem>>, vector<16xi32>,
    %get3A_32 = arith.constant 64 : index
    %get3A_33 = tpu.vector_load %arg20[%get3A_32] {strides = array<i32>} : memref<128xi32, #tpu.memory_space<vmem>>, vector<16xi32>,
    tpu.vector_store_idx %arg25[%get3A_31, %get3A_33], %broadcast_in_dim3A_14 : memref<128x512xf32, #tpu.memory_space<vmem>>[vector<16xi32>, vector<16xi32>], vector<16xf32>,
    %get3A_34 = arith.constant 80 : index
    %get3A_35 = tpu.vector_load %arg19[%get3A_34] {strides = array<i32>} : memref<128xi32, #tpu.memory_space<vmem>>, vector<16xi32>,
    %get3A_36 = arith.constant 80 : index
    %get3A_37 = tpu.vector_load %arg20[%get3A_36] {strides = array<i32>} : memref<128xi32, #tpu.memory_space<vmem>>, vector<16xi32>,
    tpu.vector_store_idx %arg25[%get3A_35, %get3A_37], %broadcast_in_dim3A_14 : memref<128x512xf32, #tpu.memory_space<vmem>>[vector<16xi32>, vector<16xi32>], vector<16xf32>,
    %get3A_38 = arith.constant 96 : index
    %get3A_39 = tpu.vector_load %arg19[%get3A_38] {strides = array<i32>} : memref<128xi32, #tpu.memory_space<vmem>>, vector<16xi32>,
    %get3A_40 = arith.constant 96 : index
    %get3A_41 = tpu.vector_load %arg20[%get3A_40] {strides = array<i32>} : memref<128xi32, #tpu.memory_space<vmem>>, vector<16xi32>,
    tpu.vector_store_idx %arg25[%get3A_39, %get3A_41], %broadcast_in_dim3A_14 : memref<128x512xf32, #tpu.memory_space<vmem>>[vector<16xi32>, vector<16xi32>], vector<16xf32>,
    %get3A_42 = arith.constant 112 : index
    %get3A_43 = tpu.vector_load %arg19[%get3A_42] {strides = array<i32>} : memref<128xi32, #tpu.memory_space<vmem>>, vector<16xi32>,
    %get3A_44 = arith.constant 112 : index
    %get3A_45 = tpu.vector_load %arg20[%get3A_44] {strides = array<i32>} : memref<128xi32, #tpu.memory_space<vmem>>, vector<16xi32>,
    tpu.vector_store_idx %arg25[%get3A_43, %get3A_45], %broadcast_in_dim3A_14 : memref<128x512xf32, #tpu.memory_space<vmem>>[vector<16xi32>, vector<16xi32>], vector<16xf32>,
    "tpu.region"() ({
      %run_scoped3A = tpu.sem_alloc : memref<!tpu.dma_semaphore, #tpu.memory_space<semaphore_mem>>
      %dma_start3A_875 = arith.constant 0 : i32
      %dma_start3A_876 = arith.constant 0 : i32
      %dma_start3A_877 = tpu.memref_slice %arg13[%add3A, %dma_start3A_875, %dma_start3A_876] : memref<32x128x512xf32, #tpu.memory_space<hbm>> -> memref<1x128x512xf32, #tpu.memory_space<hbm>>
      %dma_start3A_878 = tpu.memref_squeeze %dma_start3A_877 : memref<1x128x512xf32, #tpu.memory_space<hbm>> -> memref<128x512xf32, #tpu.memory_space<hbm>>
      %dma_start3A_879 = arith.constant 0 : i32
      %dma_start3A_880 = arith.constant 0 : i32
      %dma_start3A_881 = tpu.memref_slice %arg13[%add3A, %dma_start3A_879, %dma_start3A_880] : memref<32x128x512xf32, #tpu.memory_space<hbm>> -> memref<1x128x512xf32, #tpu.memory_space<hbm>>
      %dma_start3A_882 = tpu.memref_squeeze %dma_start3A_881 : memref<1x128x512xf32, #tpu.memory_space<hbm>> -> memref<128x512xf32, #tpu.memory_space<hbm>>
      tpu.enqueue_dma source(%arg25 : memref<128x512xf32, #tpu.memory_space<vmem>>) target(%dma_start3A_882 : memref<128x512xf32, #tpu.memory_space<hbm>>) target_semaphore(%run_scoped3A : memref<!tpu.dma_semaphore, #tpu.memory_space<semaphore_mem>>)
      %dma_wait3A_883 = arith.constant 0 : i32
      %dma_wait3A_884 = arith.constant 0 : i32
      %dma_wait3A_885 = tpu.memref_slice %arg13[%add3A, %dma_wait3A_883, %dma_wait3A_884] : memref<32x128x512xf32, #tpu.memory_space<hbm>> -> memref<1x128x512xf32, #tpu.memory_space<hbm>>
      %dma_wait3A_886 = tpu.memref_squeeze %dma_wait3A_885 : memref<1x128x512xf32, #tpu.memory_space<hbm>> -> memref<128x512xf32, #tpu.memory_space<hbm>>
      %dma_wait3A_887 = arith.constant 0 : i32
      %dma_wait3A_888 = arith.constant 0 : i32
      %dma_wait3A_889 = tpu.memref_slice %arg13[%add3A, %dma_wait3A_887, %dma_wait3A_888] : memref<32x128x512xf32, #tpu.memory_space<hbm>> -> memref<1x128x512xf32, #tpu.memory_space<hbm>>
      %dma_wait3A_890 = tpu.memref_squeeze %dma_wait3A_889 : memref<1x128x512xf32, #tpu.memory_space<hbm>> -> memref<128x512xf32, #tpu.memory_space<hbm>>
      tpu.wait_dma2 semaphore(%run_scoped3A : memref<!tpu.dma_semaphore, #tpu.memory_space<semaphore_mem>>) src(%arg25 : memref<128x512xf32, #tpu.memory_space<vmem>>) dst(%dma_wait3A_890 : memref<128x512xf32, #tpu.memory_space<hbm>>)
      tpu.yield
    }) : () -> ()
    %broadcast_in_dim3A_46 = arith.constant 0 : i32
    %broadcast_in_dim3A_47 = vector.broadcast %broadcast_in_dim3A_46 : i32 to vector<16xi32>
    %scan3A_48 = arith.constant 0 : i32
    %scan3A_49 = arith.constant 0 : i32
    %scan3A_50 = arith.constant 128 : i32
    %scan3A_51 = arith.addi %scan3A_49, %scan3A_50 : i32
    %scan3A_52 = arith.constant 1 : i32
    scf.for %scan3A_875 = %scan3A_49 to %scan3A_51 step %scan3A_52  : i32 {
      %swap3A_876 = arith.index_cast %scan3A_875 : i32 to index
      %swap3A_877 = arith.constant 0 : index
      %swap3A_878 = tpu.vector_load %arg26[%swap3A_876, %swap3A_877] {strides = array<i32>} : memref<128x128xi32, #tpu.memory_space<vmem>>, vector<16xi32>,
      tpu.vector_store %arg26[%swap3A_876, %swap3A_877], %broadcast_in_dim3A_47 {strides = array<i32>} : memref<128x128xi32, #tpu.memory_space<vmem>>, vector<16xi32>,
      %swap3A_879 = arith.index_cast %scan3A_875 : i32 to index
      %swap3A_880 = arith.constant 16 : index
      %swap3A_881 = tpu.vector_load %arg26[%swap3A_879, %swap3A_880] {strides = array<i32>} : memref<128x128xi32, #tpu.memory_space<vmem>>, vector<16xi32>,
      tpu.vector_store %arg26[%swap3A_879, %swap3A_880], %broadcast_in_dim3A_47 {strides = array<i32>} : memref<128x128xi32, #tpu.memory_space<vmem>>, vector<16xi32>,
      %swap3A_882 = arith.index_cast %scan3A_875 : i32 to index
      %swap3A_883 = arith.constant 32 : index
      %swap3A_884 = tpu.vector_load %arg26[%swap3A_882, %swap3A_883] {strides = array<i32>} : memref<128x128xi32, #tpu.memory_space<vmem>>, vector<16xi32>,
      tpu.vector_store %arg26[%swap3A_882, %swap3A_883], %broadcast_in_dim3A_47 {strides = array<i32>} : memref<128x128xi32, #tpu.memory_space<vmem>>, vector<16xi32>,
      %swap3A_885 = arith.index_cast %scan3A_875 : i32 to index
      %swap3A_886 = arith.constant 48 : index
      %swap3A_887 = tpu.vector_load %arg26[%swap3A_885, %swap3A_886] {strides = array<i32>} : memref<128x128xi32, #tpu.memory_space<vmem>>, vector<16xi32>,
      tpu.vector_store %arg26[%swap3A_885, %swap3A_886], %broadcast_in_dim3A_47 {strides = array<i32>} : memref<128x128xi32, #tpu.memory_space<vmem>>, vector<16xi32>,
      %swap3A_888 = arith.index_cast %scan3A_875 : i32 to index
      %swap3A_889 = arith.constant 64 : index
      %swap3A_890 = tpu.vector_load %arg26[%swap3A_888, %swap3A_889] {strides = array<i32>} : memref<128x128xi32, #tpu.memory_space<vmem>>, vector<16xi32>,
      tpu.vector_store %arg26[%swap3A_888, %swap3A_889], %broadcast_in_dim3A_47 {strides = array<i32>} : memref<128x128xi32, #tpu.memory_space<vmem>>, vector<16xi32>,
      %swap3A_891 = arith.index_cast %scan3A_875 : i32 to index
      %swap3A_892 = arith.constant 80 : index
      %swap3A_893 = tpu.vector_load %arg26[%swap3A_891, %swap3A_892] {strides = array<i32>} : memref<128x128xi32, #tpu.memory_space<vmem>>, vector<16xi32>,
      tpu.vector_store %arg26[%swap3A_891, %swap3A_892], %broadcast_in_dim3A_47 {strides = array<i32>} : memref<128x128xi32, #tpu.memory_space<vmem>>, vector<16xi32>,
      %swap3A_894 = arith.index_cast %scan3A_875 : i32 to index
      %swap3A_895 = arith.constant 96 : index
      %swap3A_896 = tpu.vector_load %arg26[%swap3A_894, %swap3A_895] {strides = array<i32>} : memref<128x128xi32, #tpu.memory_space<vmem>>, vector<16xi32>,
      tpu.vector_store %arg26[%swap3A_894, %swap3A_895], %broadcast_in_dim3A_47 {strides = array<i32>} : memref<128x128xi32, #tpu.memory_space<vmem>>, vector<16xi32>,
      %swap3A_897 = arith.index_cast %scan3A_875 : i32 to index
      %swap3A_898 = arith.constant 112 : index
      %swap3A_899 = tpu.vector_load %arg26[%swap3A_897, %swap3A_898] {strides = array<i32>} : memref<128x128xi32, #tpu.memory_space<vmem>>, vector<16xi32>,
      tpu.vector_store %arg26[%swap3A_897, %swap3A_898], %broadcast_in_dim3A_47 {strides = array<i32>} : memref<128x128xi32, #tpu.memory_space<vmem>>, vector<16xi32>,
    }
    %scan3A_53 = arith.constant 128 : i32
    %get3A_54 = arith.constant 0 : index
    %get3A_55 = tpu.vector_load %arg21[%get3A_54] {strides = array<i32>} : memref<64xi32, #tpu.memory_space<vmem>>, vector<16xi32>,
    %get3A_56 = arith.constant 0 : index
    %get3A_57 = tpu.vector_load %arg22[%get3A_56] {strides = array<i32>} : memref<64xi32, #tpu.memory_space<vmem>>, vector<16xi32>,
    %mul3A_58 = arith.constant 128 : i32
    %mul3A_59 = vector.broadcast %mul3A_58 : i32 to vector<16xi32>
    %mul3A_60 = arith.muli %get3A_55, %mul3A_59 : vector<16xi32>
    %add3A_61 = arith.addi %mul3A_60, %get3A_57 : vector<16xi32>
    %mul3A_62 = arith.constant 16 : i32
    %mul3A_63 = vector.broadcast %mul3A_62 : i32 to vector<16xi32>
    %mul3A_64 = arith.muli %add3A_61, %mul3A_63 : vector<16xi32>
    %add3A_65 = arith.addi %mul3A_64, %iota3A : vector<16xi32>
    %sort3A = arith.constant dense<true> : vector<16xi1>
    %sort3A_66, %sort3A_67, %sort3A_68 = tpu.sort %add3A_65, %add3A_65 masked %sort3A : (vector<16xi32>, vector<16xi32>, vector<16xi1>) -> (vector<16xi1>, vector<16xi32>, vector<16xi32>)
    %swap3A = arith.constant 0 : index
    %swap3A_69 = tpu.vector_load %arg24[%swap3A] {strides = array<i32>} : memref<16xi32, #tpu.memory_space<vmem>>, vector<16xi32>,
    tpu.vector_store %arg24[%swap3A], %sort3A_67 {strides = array<i32>} : memref<16xi32, #tpu.memory_space<vmem>>, vector<16xi32>,
    %add3A_70 = arith.constant 1 : i32
    %add3A_71 = vector.broadcast %add3A_70 : i32 to vector<16xi32>
    %add3A_72 = arith.addi %iota3A, %add3A_71 : vector<16xi32>
    %min3A = arith.constant 15 : i32
    %min3A_73 = vector.broadcast %min3A : i32 to vector<16xi32>
    %min3A_74 = arith.minsi %add3A_72, %min3A_73 : vector<16xi32>
    %gather3A = tpu.vector_load_idx %arg24[%min3A_74] : memref<16xi32, #tpu.memory_space<vmem>>[vector<16xi32>], vector<16xi32>,
    %jit3A = arith.constant 16 : i32
    %div3A = vector.broadcast %jit3A : i32 to vector<16xi32>
    %div3A_75 = arith.divsi %gather3A, %div3A : vector<16xi32>
    %sign3A = arith.constant 0 : i32
    %sign3A_76 = vector.broadcast %sign3A : i32 to vector<16xi32>
    %sign3A_77 = arith.cmpi sgt, %gather3A, %sign3A_76 : vector<16xi32>
    %sign3A_78 = arith.extui %sign3A_77 : vector<16xi1> to vector<16xi32>
    %sign3A_79 = arith.constant 0 : i32
    %sign3A_80 = vector.broadcast %sign3A_79 : i32 to vector<16xi32>
    %sign3A_81 = arith.cmpi slt, %gather3A, %sign3A_80 : vector<16xi32>
    %sign3A_82 = arith.extui %sign3A_81 : vector<16xi1> to vector<16xi32>
    %sign3A_83 = arith.subi %sign3A_78, %sign3A_82 : vector<16xi32>
    %sign3A_84 = arith.constant 0 : i32
    %sign3A_85 = arith.cmpi sgt, %jit3A, %sign3A_84 : i32
    %sign3A_86 = arith.extui %sign3A_85 : i1 to i32
    %sign3A_87 = arith.constant 0 : i32
    %sign3A_88 = arith.cmpi slt, %jit3A, %sign3A_87 : i32
    %sign3A_89 = arith.extui %sign3A_88 : i1 to i32
    %sign3A_90 = arith.subi %sign3A_86, %sign3A_89 : i32
    %ne3A = vector.broadcast %sign3A_90 : i32 to vector<16xi32>
    %ne3A_91 = arith.cmpi ne, %sign3A_83, %ne3A : vector<16xi32>
    %rem3A = vector.broadcast %jit3A : i32 to vector<16xi32>
    %rem3A_92 = arith.remsi %gather3A, %rem3A : vector<16xi32>
    %ne3A_93 = arith.constant 0 : i32
    %ne3A_94 = vector.broadcast %ne3A_93 : i32 to vector<16xi32>
    %ne3A_95 = arith.cmpi ne, %rem3A_92, %ne3A_94 : vector<16xi32>
    %and3A = arith.andi %ne3A_91, %ne3A_95 : vector<16xi1>
    %sub3A = arith.constant 1 : i32
    %sub3A_96 = vector.broadcast %sub3A : i32 to vector<16xi32>
    %sub3A_97 = arith.subi %div3A_75, %sub3A_96 : vector<16xi32>
    %select_n3A = arith.select %and3A, %sub3A_97, %div3A_75 : vector<16xi1>, vector<16xi32>
    %jit3A_98 = arith.constant 16 : i32
    %div3A_99 = vector.broadcast %jit3A_98 : i32 to vector<16xi32>
    %div3A_100 = arith.divsi %sort3A_67, %div3A_99 : vector<16xi32>
    %sign3A_101 = arith.constant 0 : i32
    %sign3A_102 = vector.broadcast %sign3A_101 : i32 to vector<16xi32>
    %sign3A_103 = arith.cmpi sgt, %sort3A_67, %sign3A_102 : vector<16xi32>
    %sign3A_104 = arith.extui %sign3A_103 : vector<16xi1> to vector<16xi32>
    %sign3A_105 = arith.constant 0 : i32
    %sign3A_106 = vector.broadcast %sign3A_105 : i32 to vector<16xi32>
    %sign3A_107 = arith.cmpi slt, %sort3A_67, %sign3A_106 : vector<16xi32>
    %sign3A_108 = arith.extui %sign3A_107 : vector<16xi1> to vector<16xi32>
    %sign3A_109 = arith.subi %sign3A_104, %sign3A_108 : vector<16xi32>
    %sign3A_110 = arith.constant 0 : i32
    %sign3A_111 = arith.cmpi sgt, %jit3A_98, %sign3A_110 : i32
    %sign3A_112 = arith.extui %sign3A_111 : i1 to i32
    %sign3A_113 = arith.constant 0 : i32
    %sign3A_114 = arith.cmpi slt, %jit3A_98, %sign3A_113 : i32
    %sign3A_115 = arith.extui %sign3A_114 : i1 to i32
    %sign3A_116 = arith.subi %sign3A_112, %sign3A_115 : i32
    %ne3A_117 = vector.broadcast %sign3A_116 : i32 to vector<16xi32>
    %ne3A_118 = arith.cmpi ne, %sign3A_109, %ne3A_117 : vector<16xi32>
    %rem3A_119 = vector.broadcast %jit3A_98 : i32 to vector<16xi32>
    %rem3A_120 = arith.remsi %sort3A_67, %rem3A_119 : vector<16xi32>
    %ne3A_121 = arith.constant 0 : i32
    %ne3A_122 = vector.broadcast %ne3A_121 : i32 to vector<16xi32>
    %ne3A_123 = arith.cmpi ne, %rem3A_120, %ne3A_122 : vector<16xi32>
    %and3A_124 = arith.andi %ne3A_118, %ne3A_123 : vector<16xi1>
    %sub3A_125 = arith.constant 1 : i32
    %sub3A_126 = vector.broadcast %sub3A_125 : i32 to vector<16xi32>
    %sub3A_127 = arith.subi %div3A_100, %sub3A_126 : vector<16xi32>
    %select_n3A_128 = arith.select %and3A_124, %sub3A_127, %div3A_100 : vector<16xi1>, vector<16xi32>
    %ne3A_129 = arith.cmpi ne, %select_n3A, %select_n3A_128 : vector<16xi32>
    %eq3A = arith.constant 15 : i32
    %eq3A_130 = vector.broadcast %eq3A : i32 to vector<16xi32>
    %eq3A_131 = arith.cmpi eq, %iota3A, %eq3A_130 : vector<16xi32>
    %or3A = arith.ori %ne3A_129, %eq3A_131 : vector<16xi1>
    %jit3A_132 = arith.constant 16 : i32
    %eq3A_133 = arith.constant 0 : i32
    %eq3A_134 = arith.cmpi eq, %jit3A_132, %eq3A_133 : i32
    %jit3A_135 = arith.constant 1 : i32
    %select_n3A_136 = arith.select %eq3A_134, %jit3A_135, %jit3A_132 : i32
    %rem3A_137 = vector.broadcast %select_n3A_136 : i32 to vector<16xi32>
    %rem3A_138 = arith.remsi %sort3A_67, %rem3A_137 : vector<16xi32>
    %ne3A_139 = arith.constant 0 : i32
    %ne3A_140 = vector.broadcast %ne3A_139 : i32 to vector<16xi32>
    %ne3A_141 = arith.cmpi ne, %rem3A_138, %ne3A_140 : vector<16xi32>
    %lt3A = arith.constant 0 : i32
    %lt3A_142 = vector.broadcast %lt3A : i32 to vector<16xi32>
    %lt3A_143 = arith.cmpi slt, %rem3A_138, %lt3A_142 : vector<16xi32>
    %lt3A_144 = arith.constant 0 : i32
    %lt3A_145 = arith.cmpi slt, %select_n3A_136, %lt3A_144 : i32
    %ne3A_146 = vector.broadcast %lt3A_145 : i1 to vector<16xi1>
    %ne3A_147 = vector.broadcast %ne3A_146 : vector<16xi1> to vector<16xi1>
    %ne3A_148 = arith.xori %lt3A_143, %ne3A_147 : vector<16xi1>
    %and3A_149 = arith.andi %ne3A_148, %ne3A_141 : vector<16xi1>
    %add3A_150 = vector.broadcast %select_n3A_136 : i32 to vector<16xi32>
    %add3A_151 = arith.addi %rem3A_138, %add3A_150 : vector<16xi32>
    %select_n3A_152 = arith.select %and3A_149, %add3A_151, %rem3A_138 : vector<16xi1>, vector<16xi32>
    %add3A_153 = arith.constant 0 : i32
    %add3A_154 = vector.broadcast %add3A_153 : i32 to vector<16xi32>
    %add3A_155 = arith.addi %select_n3A_152, %add3A_154 : vector<16xi32>
    %gather3A_156 = tpu.vector_load_idx %arg23[%add3A_155] : memref<64xi32, #tpu.memory_space<vmem>>[vector<16xi32>], vector<16xi32>,
    %jit3A_157 = arith.constant 2048 : i32
    %div3A_158 = vector.broadcast %jit3A_157 : i32 to vector<16xi32>
    %div3A_159 = arith.divsi %sort3A_67, %div3A_158 : vector<16xi32>
    %sign3A_160 = arith.constant 0 : i32
    %sign3A_161 = vector.broadcast %sign3A_160 : i32 to vector<16xi32>
    %sign3A_162 = arith.cmpi sgt, %sort3A_67, %sign3A_161 : vector<16xi32>
    %sign3A_163 = arith.extui %sign3A_162 : vector<16xi1> to vector<16xi32>
    %sign3A_164 = arith.constant 0 : i32
    %sign3A_165 = vector.broadcast %sign3A_164 : i32 to vector<16xi32>
    %sign3A_166 = arith.cmpi slt, %sort3A_67, %sign3A_165 : vector<16xi32>
    %sign3A_167 = arith.extui %sign3A_166 : vector<16xi1> to vector<16xi32>
    %sign3A_168 = arith.subi %sign3A_163, %sign3A_167 : vector<16xi32>
    %sign3A_169 = arith.constant 0 : i32
    %sign3A_170 = arith.cmpi sgt, %jit3A_157, %sign3A_169 : i32
    %sign3A_171 = arith.extui %sign3A_170 : i1 to i32
    %sign3A_172 = arith.constant 0 : i32
    %sign3A_173 = arith.cmpi slt, %jit3A_157, %sign3A_172 : i32
    %sign3A_174 = arith.extui %sign3A_173 : i1 to i32
    %sign3A_175 = arith.subi %sign3A_171, %sign3A_174 : i32
    %ne3A_176 = vector.broadcast %sign3A_175 : i32 to vector<16xi32>
    %ne3A_177 = arith.cmpi ne, %sign3A_168, %ne3A_176 : vector<16xi32>
    %rem3A_178 = vector.broadcast %jit3A_157 : i32 to vector<16xi32>
    %rem3A_179 = arith.remsi %sort3A_67, %rem3A_178 : vector<16xi32>
    %ne3A_180 = arith.constant 0 : i32
    %ne3A_181 = vector.broadcast %ne3A_180 : i32 to vector<16xi32>
    %ne3A_182 = arith.cmpi ne, %rem3A_179, %ne3A_181 : vector<16xi32>
    %and3A_183 = arith.andi %ne3A_177, %ne3A_182 : vector<16xi1>
    %sub3A_184 = arith.constant 1 : i32
    %sub3A_185 = vector.broadcast %sub3A_184 : i32 to vector<16xi32>
    %sub3A_186 = arith.subi %div3A_159, %sub3A_185 : vector<16xi32>
    %select_n3A_187 = arith.select %and3A_183, %sub3A_186, %div3A_159 : vector<16xi1>, vector<16xi32>
    %jit3A_188 = arith.constant 16 : i32
    %div3A_189 = vector.broadcast %jit3A_188 : i32 to vector<16xi32>
    %div3A_190 = arith.divsi %sort3A_67, %div3A_189 : vector<16xi32>
    %sign3A_191 = arith.constant 0 : i32
    %sign3A_192 = vector.broadcast %sign3A_191 : i32 to vector<16xi32>
    %sign3A_193 = arith.cmpi sgt, %sort3A_67, %sign3A_192 : vector<16xi32>
    %sign3A_194 = arith.extui %sign3A_193 : vector<16xi1> to vector<16xi32>
    %sign3A_195 = arith.constant 0 : i32
    %sign3A_196 = vector.broadcast %sign3A_195 : i32 to vector<16xi32>
    %sign3A_197 = arith.cmpi slt, %sort3A_67, %sign3A_196 : vector<16xi32>
    %sign3A_198 = arith.extui %sign3A_197 : vector<16xi1> to vector<16xi32>
    %sign3A_199 = arith.subi %sign3A_194, %sign3A_198 : vector<16xi32>
    %sign3A_200 = arith.constant 0 : i32
    %sign3A_201 = arith.cmpi sgt, %jit3A_188, %sign3A_200 : i32
    %sign3A_202 = arith.extui %sign3A_201 : i1 to i32
    %sign3A_203 = arith.constant 0 : i32
    %sign3A_204 = arith.cmpi slt, %jit3A_188, %sign3A_203 : i32
    %sign3A_205 = arith.extui %sign3A_204 : i1 to i32
    %sign3A_206 = arith.subi %sign3A_202, %sign3A_205 : i32
    %ne3A_207 = vector.broadcast %sign3A_206 : i32 to vector<16xi32>
    %ne3A_208 = arith.cmpi ne, %sign3A_199, %ne3A_207 : vector<16xi32>
    %rem3A_209 = vector.broadcast %jit3A_188 : i32 to vector<16xi32>
    %rem3A_210 = arith.remsi %sort3A_67, %rem3A_209 : vector<16xi32>
    %ne3A_211 = arith.constant 0 : i32
    %ne3A_212 = vector.broadcast %ne3A_211 : i32 to vector<16xi32>
    %ne3A_213 = arith.cmpi ne, %rem3A_210, %ne3A_212 : vector<16xi32>
    %and3A_214 = arith.andi %ne3A_208, %ne3A_213 : vector<16xi1>
    %sub3A_215 = arith.constant 1 : i32
    %sub3A_216 = vector.broadcast %sub3A_215 : i32 to vector<16xi32>
    %sub3A_217 = arith.subi %div3A_190, %sub3A_216 : vector<16xi32>
    %select_n3A_218 = arith.select %and3A_214, %sub3A_217, %div3A_190 : vector<16xi1>, vector<16xi32>
    %jit3A_219 = arith.constant 128 : i32
    %eq3A_220 = arith.constant 0 : i32
    %eq3A_221 = arith.cmpi eq, %jit3A_219, %eq3A_220 : i32
    %jit3A_222 = arith.constant 1 : i32
    %select_n3A_223 = arith.select %eq3A_221, %jit3A_222, %jit3A_219 : i32
    %rem3A_224 = vector.broadcast %select_n3A_223 : i32 to vector<16xi32>
    %rem3A_225 = arith.remsi %select_n3A_218, %rem3A_224 : vector<16xi32>
    %ne3A_226 = arith.constant 0 : i32
    %ne3A_227 = vector.broadcast %ne3A_226 : i32 to vector<16xi32>
    %ne3A_228 = arith.cmpi ne, %rem3A_225, %ne3A_227 : vector<16xi32>
    %lt3A_229 = arith.constant 0 : i32
    %lt3A_230 = vector.broadcast %lt3A_229 : i32 to vector<16xi32>
    %lt3A_231 = arith.cmpi slt, %rem3A_225, %lt3A_230 : vector<16xi32>
    %lt3A_232 = arith.constant 0 : i32
    %lt3A_233 = arith.cmpi slt, %select_n3A_223, %lt3A_232 : i32
    %ne3A_234 = vector.broadcast %lt3A_233 : i1 to vector<16xi1>
    %ne3A_235 = vector.broadcast %ne3A_234 : vector<16xi1> to vector<16xi1>
    %ne3A_236 = arith.xori %lt3A_231, %ne3A_235 : vector<16xi1>
    %and3A_237 = arith.andi %ne3A_236, %ne3A_228 : vector<16xi1>
    %add3A_238 = vector.broadcast %select_n3A_223 : i32 to vector<16xi32>
    %add3A_239 = arith.addi %rem3A_225, %add3A_238 : vector<16xi32>
    %select_n3A_240 = arith.select %and3A_237, %add3A_239, %rem3A_225 : vector<16xi1>, vector<16xi32>
    tpu.vector_store_idx %arg26[%select_n3A_187, %select_n3A_240], %gather3A_156 masked %or3A : memref<128x128xi32, #tpu.memory_space<vmem>>[vector<16xi32>, vector<16xi32>], vector<16xi32>, vector<16xi1>
    %get3A_241 = arith.constant 16 : index
    %get3A_242 = tpu.vector_load %arg21[%get3A_241] {strides = array<i32>} : memref<64xi32, #tpu.memory_space<vmem>>, vector<16xi32>,
    %get3A_243 = arith.constant 16 : index
    %get3A_244 = tpu.vector_load %arg22[%get3A_243] {strides = array<i32>} : memref<64xi32, #tpu.memory_space<vmem>>, vector<16xi32>,
    %mul3A_245 = arith.constant 128 : i32
    %mul3A_246 = vector.broadcast %mul3A_245 : i32 to vector<16xi32>
    %mul3A_247 = arith.muli %get3A_242, %mul3A_246 : vector<16xi32>
    %add3A_248 = arith.addi %mul3A_247, %get3A_244 : vector<16xi32>
    %mul3A_249 = arith.constant 16 : i32
    %mul3A_250 = vector.broadcast %mul3A_249 : i32 to vector<16xi32>
    %mul3A_251 = arith.muli %add3A_248, %mul3A_250 : vector<16xi32>
    %add3A_252 = arith.addi %mul3A_251, %iota3A : vector<16xi32>
    %sort3A_253 = arith.constant dense<true> : vector<16xi1>
    %sort3A_254, %sort3A_255, %sort3A_256 = tpu.sort %add3A_252, %add3A_252 masked %sort3A_253 : (vector<16xi32>, vector<16xi32>, vector<16xi1>) -> (vector<16xi1>, vector<16xi32>, vector<16xi32>)
    %swap3A_257 = arith.constant 0 : index
    %swap3A_258 = tpu.vector_load %arg24[%swap3A_257] {strides = array<i32>} : memref<16xi32, #tpu.memory_space<vmem>>, vector<16xi32>,
    tpu.vector_store %arg24[%swap3A_257], %sort3A_255 {strides = array<i32>} : memref<16xi32, #tpu.memory_space<vmem>>, vector<16xi32>,
    %add3A_259 = arith.constant 1 : i32
    %add3A_260 = vector.broadcast %add3A_259 : i32 to vector<16xi32>
    %add3A_261 = arith.addi %iota3A, %add3A_260 : vector<16xi32>
    %min3A_262 = arith.constant 15 : i32
    %min3A_263 = vector.broadcast %min3A_262 : i32 to vector<16xi32>
    %min3A_264 = arith.minsi %add3A_261, %min3A_263 : vector<16xi32>
    %gather3A_265 = tpu.vector_load_idx %arg24[%min3A_264] : memref<16xi32, #tpu.memory_space<vmem>>[vector<16xi32>], vector<16xi32>,
    %jit3A_266 = arith.constant 16 : i32
    %div3A_267 = vector.broadcast %jit3A_266 : i32 to vector<16xi32>
    %div3A_268 = arith.divsi %gather3A_265, %div3A_267 : vector<16xi32>
    %sign3A_269 = arith.constant 0 : i32
    %sign3A_270 = vector.broadcast %sign3A_269 : i32 to vector<16xi32>
    %sign3A_271 = arith.cmpi sgt, %gather3A_265, %sign3A_270 : vector<16xi32>
    %sign3A_272 = arith.extui %sign3A_271 : vector<16xi1> to vector<16xi32>
    %sign3A_273 = arith.constant 0 : i32
    %sign3A_274 = vector.broadcast %sign3A_273 : i32 to vector<16xi32>
    %sign3A_275 = arith.cmpi slt, %gather3A_265, %sign3A_274 : vector<16xi32>
    %sign3A_276 = arith.extui %sign3A_275 : vector<16xi1> to vector<16xi32>
    %sign3A_277 = arith.subi %sign3A_272, %sign3A_276 : vector<16xi32>
    %sign3A_278 = arith.constant 0 : i32
    %sign3A_279 = arith.cmpi sgt, %jit3A_266, %sign3A_278 : i32
    %sign3A_280 = arith.extui %sign3A_279 : i1 to i32
    %sign3A_281 = arith.constant 0 : i32
    %sign3A_282 = arith.cmpi slt, %jit3A_266, %sign3A_281 : i32
    %sign3A_283 = arith.extui %sign3A_282 : i1 to i32
    %sign3A_284 = arith.subi %sign3A_280, %sign3A_283 : i32
    %ne3A_285 = vector.broadcast %sign3A_284 : i32 to vector<16xi32>
    %ne3A_286 = arith.cmpi ne, %sign3A_277, %ne3A_285 : vector<16xi32>
    %rem3A_287 = vector.broadcast %jit3A_266 : i32 to vector<16xi32>
    %rem3A_288 = arith.remsi %gather3A_265, %rem3A_287 : vector<16xi32>
    %ne3A_289 = arith.constant 0 : i32
    %ne3A_290 = vector.broadcast %ne3A_289 : i32 to vector<16xi32>
    %ne3A_291 = arith.cmpi ne, %rem3A_288, %ne3A_290 : vector<16xi32>
    %and3A_292 = arith.andi %ne3A_286, %ne3A_291 : vector<16xi1>
    %sub3A_293 = arith.constant 1 : i32
    %sub3A_294 = vector.broadcast %sub3A_293 : i32 to vector<16xi32>
    %sub3A_295 = arith.subi %div3A_268, %sub3A_294 : vector<16xi32>
    %select_n3A_296 = arith.select %and3A_292, %sub3A_295, %div3A_268 : vector<16xi1>, vector<16xi32>
    %jit3A_297 = arith.constant 16 : i32
    %div3A_298 = vector.broadcast %jit3A_297 : i32 to vector<16xi32>
    %div3A_299 = arith.divsi %sort3A_255, %div3A_298 : vector<16xi32>
    %sign3A_300 = arith.constant 0 : i32
    %sign3A_301 = vector.broadcast %sign3A_300 : i32 to vector<16xi32>
    %sign3A_302 = arith.cmpi sgt, %sort3A_255, %sign3A_301 : vector<16xi32>
    %sign3A_303 = arith.extui %sign3A_302 : vector<16xi1> to vector<16xi32>
    %sign3A_304 = arith.constant 0 : i32
    %sign3A_305 = vector.broadcast %sign3A_304 : i32 to vector<16xi32>
    %sign3A_306 = arith.cmpi slt, %sort3A_255, %sign3A_305 : vector<16xi32>
    %sign3A_307 = arith.extui %sign3A_306 : vector<16xi1> to vector<16xi32>
    %sign3A_308 = arith.subi %sign3A_303, %sign3A_307 : vector<16xi32>
    %sign3A_309 = arith.constant 0 : i32
    %sign3A_310 = arith.cmpi sgt, %jit3A_297, %sign3A_309 : i32
    %sign3A_311 = arith.extui %sign3A_310 : i1 to i32
    %sign3A_312 = arith.constant 0 : i32
    %sign3A_313 = arith.cmpi slt, %jit3A_297, %sign3A_312 : i32
    %sign3A_314 = arith.extui %sign3A_313 : i1 to i32
    %sign3A_315 = arith.subi %sign3A_311, %sign3A_314 : i32
    %ne3A_316 = vector.broadcast %sign3A_315 : i32 to vector<16xi32>
    %ne3A_317 = arith.cmpi ne, %sign3A_308, %ne3A_316 : vector<16xi32>
    %rem3A_318 = vector.broadcast %jit3A_297 : i32 to vector<16xi32>
    %rem3A_319 = arith.remsi %sort3A_255, %rem3A_318 : vector<16xi32>
    %ne3A_320 = arith.constant 0 : i32
    %ne3A_321 = vector.broadcast %ne3A_320 : i32 to vector<16xi32>
    %ne3A_322 = arith.cmpi ne, %rem3A_319, %ne3A_321 : vector<16xi32>
    %and3A_323 = arith.andi %ne3A_317, %ne3A_322 : vector<16xi1>
    %sub3A_324 = arith.constant 1 : i32
    %sub3A_325 = vector.broadcast %sub3A_324 : i32 to vector<16xi32>
    %sub3A_326 = arith.subi %div3A_299, %sub3A_325 : vector<16xi32>
    %select_n3A_327 = arith.select %and3A_323, %sub3A_326, %div3A_299 : vector<16xi1>, vector<16xi32>
    %ne3A_328 = arith.cmpi ne, %select_n3A_296, %select_n3A_327 : vector<16xi32>
    %eq3A_329 = arith.constant 15 : i32
    %eq3A_330 = vector.broadcast %eq3A_329 : i32 to vector<16xi32>
    %eq3A_331 = arith.cmpi eq, %iota3A, %eq3A_330 : vector<16xi32>
    %or3A_332 = arith.ori %ne3A_328, %eq3A_331 : vector<16xi1>
    %jit3A_333 = arith.constant 16 : i32
    %eq3A_334 = arith.constant 0 : i32
    %eq3A_335 = arith.cmpi eq, %jit3A_333, %eq3A_334 : i32
    %jit3A_336 = arith.constant 1 : i32
    %select_n3A_337 = arith.select %eq3A_335, %jit3A_336, %jit3A_333 : i32
    %rem3A_338 = vector.broadcast %select_n3A_337 : i32 to vector<16xi32>
    %rem3A_339 = arith.remsi %sort3A_255, %rem3A_338 : vector<16xi32>
    %ne3A_340 = arith.constant 0 : i32
    %ne3A_341 = vector.broadcast %ne3A_340 : i32 to vector<16xi32>
    %ne3A_342 = arith.cmpi ne, %rem3A_339, %ne3A_341 : vector<16xi32>
    %lt3A_343 = arith.constant 0 : i32
    %lt3A_344 = vector.broadcast %lt3A_343 : i32 to vector<16xi32>
    %lt3A_345 = arith.cmpi slt, %rem3A_339, %lt3A_344 : vector<16xi32>
    %lt3A_346 = arith.constant 0 : i32
    %lt3A_347 = arith.cmpi slt, %select_n3A_337, %lt3A_346 : i32
    %ne3A_348 = vector.broadcast %lt3A_347 : i1 to vector<16xi1>
    %ne3A_349 = vector.broadcast %ne3A_348 : vector<16xi1> to vector<16xi1>
    %ne3A_350 = arith.xori %lt3A_345, %ne3A_349 : vector<16xi1>
    %and3A_351 = arith.andi %ne3A_350, %ne3A_342 : vector<16xi1>
    %add3A_352 = vector.broadcast %select_n3A_337 : i32 to vector<16xi32>
    %add3A_353 = arith.addi %rem3A_339, %add3A_352 : vector<16xi32>
    %select_n3A_354 = arith.select %and3A_351, %add3A_353, %rem3A_339 : vector<16xi1>, vector<16xi32>
    %add3A_355 = arith.constant 16 : i32
    %add3A_356 = vector.broadcast %add3A_355 : i32 to vector<16xi32>
    %add3A_357 = arith.addi %select_n3A_354, %add3A_356 : vector<16xi32>
    %gather3A_358 = tpu.vector_load_idx %arg23[%add3A_357] : memref<64xi32, #tpu.memory_space<vmem>>[vector<16xi32>], vector<16xi32>,
    %jit3A_359 = arith.constant 2048 : i32
    %div3A_360 = vector.broadcast %jit3A_359 : i32 to vector<16xi32>
    %div3A_361 = arith.divsi %sort3A_255, %div3A_360 : vector<16xi32>
    %sign3A_362 = arith.constant 0 : i32
    %sign3A_363 = vector.broadcast %sign3A_362 : i32 to vector<16xi32>
    %sign3A_364 = arith.cmpi sgt, %sort3A_255, %sign3A_363 : vector<16xi32>
    %sign3A_365 = arith.extui %sign3A_364 : vector<16xi1> to vector<16xi32>
    %sign3A_366 = arith.constant 0 : i32
    %sign3A_367 = vector.broadcast %sign3A_366 : i32 to vector<16xi32>
    %sign3A_368 = arith.cmpi slt, %sort3A_255, %sign3A_367 : vector<16xi32>
    %sign3A_369 = arith.extui %sign3A_368 : vector<16xi1> to vector<16xi32>
    %sign3A_370 = arith.subi %sign3A_365, %sign3A_369 : vector<16xi32>
    %sign3A_371 = arith.constant 0 : i32
    %sign3A_372 = arith.cmpi sgt, %jit3A_359, %sign3A_371 : i32
    %sign3A_373 = arith.extui %sign3A_372 : i1 to i32
    %sign3A_374 = arith.constant 0 : i32
    %sign3A_375 = arith.cmpi slt, %jit3A_359, %sign3A_374 : i32
    %sign3A_376 = arith.extui %sign3A_375 : i1 to i32
    %sign3A_377 = arith.subi %sign3A_373, %sign3A_376 : i32
    %ne3A_378 = vector.broadcast %sign3A_377 : i32 to vector<16xi32>
    %ne3A_379 = arith.cmpi ne, %sign3A_370, %ne3A_378 : vector<16xi32>
    %rem3A_380 = vector.broadcast %jit3A_359 : i32 to vector<16xi32>
    %rem3A_381 = arith.remsi %sort3A_255, %rem3A_380 : vector<16xi32>
    %ne3A_382 = arith.constant 0 : i32
    %ne3A_383 = vector.broadcast %ne3A_382 : i32 to vector<16xi32>
    %ne3A_384 = arith.cmpi ne, %rem3A_381, %ne3A_383 : vector<16xi32>
    %and3A_385 = arith.andi %ne3A_379, %ne3A_384 : vector<16xi1>
    %sub3A_386 = arith.constant 1 : i32
    %sub3A_387 = vector.broadcast %sub3A_386 : i32 to vector<16xi32>
    %sub3A_388 = arith.subi %div3A_361, %sub3A_387 : vector<16xi32>
    %select_n3A_389 = arith.select %and3A_385, %sub3A_388, %div3A_361 : vector<16xi1>, vector<16xi32>
    %jit3A_390 = arith.constant 16 : i32
    %div3A_391 = vector.broadcast %jit3A_390 : i32 to vector<16xi32>
    %div3A_392 = arith.divsi %sort3A_255, %div3A_391 : vector<16xi32>
    %sign3A_393 = arith.constant 0 : i32
    %sign3A_394 = vector.broadcast %sign3A_393 : i32 to vector<16xi32>
    %sign3A_395 = arith.cmpi sgt, %sort3A_255, %sign3A_394 : vector<16xi32>
    %sign3A_396 = arith.extui %sign3A_395 : vector<16xi1> to vector<16xi32>
    %sign3A_397 = arith.constant 0 : i32
    %sign3A_398 = vector.broadcast %sign3A_397 : i32 to vector<16xi32>
    %sign3A_399 = arith.cmpi slt, %sort3A_255, %sign3A_398 : vector<16xi32>
    %sign3A_400 = arith.extui %sign3A_399 : vector<16xi1> to vector<16xi32>
    %sign3A_401 = arith.subi %sign3A_396, %sign3A_400 : vector<16xi32>
    %sign3A_402 = arith.constant 0 : i32
    %sign3A_403 = arith.cmpi sgt, %jit3A_390, %sign3A_402 : i32
    %sign3A_404 = arith.extui %sign3A_403 : i1 to i32
    %sign3A_405 = arith.constant 0 : i32
    %sign3A_406 = arith.cmpi slt, %jit3A_390, %sign3A_405 : i32
    %sign3A_407 = arith.extui %sign3A_406 : i1 to i32
    %sign3A_408 = arith.subi %sign3A_404, %sign3A_407 : i32
    %ne3A_409 = vector.broadcast %sign3A_408 : i32 to vector<16xi32>
    %ne3A_410 = arith.cmpi ne, %sign3A_401, %ne3A_409 : vector<16xi32>
    %rem3A_411 = vector.broadcast %jit3A_390 : i32 to vector<16xi32>
    %rem3A_412 = arith.remsi %sort3A_255, %rem3A_411 : vector<16xi32>
    %ne3A_413 = arith.constant 0 : i32
    %ne3A_414 = vector.broadcast %ne3A_413 : i32 to vector<16xi32>
    %ne3A_415 = arith.cmpi ne, %rem3A_412, %ne3A_414 : vector<16xi32>
    %and3A_416 = arith.andi %ne3A_410, %ne3A_415 : vector<16xi1>
    %sub3A_417 = arith.constant 1 : i32
    %sub3A_418 = vector.broadcast %sub3A_417 : i32 to vector<16xi32>
    %sub3A_419 = arith.subi %div3A_392, %sub3A_418 : vector<16xi32>
    %select_n3A_420 = arith.select %and3A_416, %sub3A_419, %div3A_392 : vector<16xi1>, vector<16xi32>
    %jit3A_421 = arith.constant 128 : i32
    %eq3A_422 = arith.constant 0 : i32
    %eq3A_423 = arith.cmpi eq, %jit3A_421, %eq3A_422 : i32
    %jit3A_424 = arith.constant 1 : i32
    %select_n3A_425 = arith.select %eq3A_423, %jit3A_424, %jit3A_421 : i32
    %rem3A_426 = vector.broadcast %select_n3A_425 : i32 to vector<16xi32>
    %rem3A_427 = arith.remsi %select_n3A_420, %rem3A_426 : vector<16xi32>
    %ne3A_428 = arith.constant 0 : i32
    %ne3A_429 = vector.broadcast %ne3A_428 : i32 to vector<16xi32>
    %ne3A_430 = arith.cmpi ne, %rem3A_427, %ne3A_429 : vector<16xi32>
    %lt3A_431 = arith.constant 0 : i32
    %lt3A_432 = vector.broadcast %lt3A_431 : i32 to vector<16xi32>
    %lt3A_433 = arith.cmpi slt, %rem3A_427, %lt3A_432 : vector<16xi32>
    %lt3A_434 = arith.constant 0 : i32
    %lt3A_435 = arith.cmpi slt, %select_n3A_425, %lt3A_434 : i32
    %ne3A_436 = vector.broadcast %lt3A_435 : i1 to vector<16xi1>
    %ne3A_437 = vector.broadcast %ne3A_436 : vector<16xi1> to vector<16xi1>
    %ne3A_438 = arith.xori %lt3A_433, %ne3A_437 : vector<16xi1>
    %and3A_439 = arith.andi %ne3A_438, %ne3A_430 : vector<16xi1>
    %add3A_440 = vector.broadcast %select_n3A_425 : i32 to vector<16xi32>
    %add3A_441 = arith.addi %rem3A_427, %add3A_440 : vector<16xi32>
    %select_n3A_442 = arith.select %and3A_439, %add3A_441, %rem3A_427 : vector<16xi1>, vector<16xi32>
    tpu.vector_store_idx %arg26[%select_n3A_389, %select_n3A_442], %gather3A_358 masked %or3A_332 : memref<128x128xi32, #tpu.memory_space<vmem>>[vector<16xi32>, vector<16xi32>], vector<16xi32>, vector<16xi1>
    %get3A_443 = arith.constant 32 : index
    %get3A_444 = tpu.vector_load %arg21[%get3A_443] {strides = array<i32>} : memref<64xi32, #tpu.memory_space<vmem>>, vector<16xi32>,
    %get3A_445 = arith.constant 32 : index
    %get3A_446 = tpu.vector_load %arg22[%get3A_445] {strides = array<i32>} : memref<64xi32, #tpu.memory_space<vmem>>, vector<16xi32>,
    %mul3A_447 = arith.constant 128 : i32
    %mul3A_448 = vector.broadcast %mul3A_447 : i32 to vector<16xi32>
    %mul3A_449 = arith.muli %get3A_444, %mul3A_448 : vector<16xi32>
    %add3A_450 = arith.addi %mul3A_449, %get3A_446 : vector<16xi32>
    %mul3A_451 = arith.constant 16 : i32
    %mul3A_452 = vector.broadcast %mul3A_451 : i32 to vector<16xi32>
    %mul3A_453 = arith.muli %add3A_450, %mul3A_452 : vector<16xi32>
    %add3A_454 = arith.addi %mul3A_453, %iota3A : vector<16xi32>
    %sort3A_455 = arith.constant dense<true> : vector<16xi1>
    %sort3A_456, %sort3A_457, %sort3A_458 = tpu.sort %add3A_454, %add3A_454 masked %sort3A_455 : (vector<16xi32>, vector<16xi32>, vector<16xi1>) -> (vector<16xi1>, vector<16xi32>, vector<16xi32>)
    %swap3A_459 = arith.constant 0 : index
    %swap3A_460 = tpu.vector_load %arg24[%swap3A_459] {strides = array<i32>} : memref<16xi32, #tpu.memory_space<vmem>>, vector<16xi32>,
    tpu.vector_store %arg24[%swap3A_459], %sort3A_457 {strides = array<i32>} : memref<16xi32, #tpu.memory_space<vmem>>, vector<16xi32>,
    %add3A_461 = arith.constant 1 : i32
    %add3A_462 = vector.broadcast %add3A_461 : i32 to vector<16xi32>
    %add3A_463 = arith.addi %iota3A, %add3A_462 : vector<16xi32>
    %min3A_464 = arith.constant 15 : i32
    %min3A_465 = vector.broadcast %min3A_464 : i32 to vector<16xi32>
    %min3A_466 = arith.minsi %add3A_463, %min3A_465 : vector<16xi32>
    %gather3A_467 = tpu.vector_load_idx %arg24[%min3A_466] : memref<16xi32, #tpu.memory_space<vmem>>[vector<16xi32>], vector<16xi32>,
    %jit3A_468 = arith.constant 16 : i32
    %div3A_469 = vector.broadcast %jit3A_468 : i32 to vector<16xi32>
    %div3A_470 = arith.divsi %gather3A_467, %div3A_469 : vector<16xi32>
    %sign3A_471 = arith.constant 0 : i32
    %sign3A_472 = vector.broadcast %sign3A_471 : i32 to vector<16xi32>
    %sign3A_473 = arith.cmpi sgt, %gather3A_467, %sign3A_472 : vector<16xi32>
    %sign3A_474 = arith.extui %sign3A_473 : vector<16xi1> to vector<16xi32>
    %sign3A_475 = arith.constant 0 : i32
    %sign3A_476 = vector.broadcast %sign3A_475 : i32 to vector<16xi32>
    %sign3A_477 = arith.cmpi slt, %gather3A_467, %sign3A_476 : vector<16xi32>
    %sign3A_478 = arith.extui %sign3A_477 : vector<16xi1> to vector<16xi32>
    %sign3A_479 = arith.subi %sign3A_474, %sign3A_478 : vector<16xi32>
    %sign3A_480 = arith.constant 0 : i32
    %sign3A_481 = arith.cmpi sgt, %jit3A_468, %sign3A_480 : i32
    %sign3A_482 = arith.extui %sign3A_481 : i1 to i32
    %sign3A_483 = arith.constant 0 : i32
    %sign3A_484 = arith.cmpi slt, %jit3A_468, %sign3A_483 : i32
    %sign3A_485 = arith.extui %sign3A_484 : i1 to i32
    %sign3A_486 = arith.subi %sign3A_482, %sign3A_485 : i32
    %ne3A_487 = vector.broadcast %sign3A_486 : i32 to vector<16xi32>
    %ne3A_488 = arith.cmpi ne, %sign3A_479, %ne3A_487 : vector<16xi32>
    %rem3A_489 = vector.broadcast %jit3A_468 : i32 to vector<16xi32>
    %rem3A_490 = arith.remsi %gather3A_467, %rem3A_489 : vector<16xi32>
    %ne3A_491 = arith.constant 0 : i32
    %ne3A_492 = vector.broadcast %ne3A_491 : i32 to vector<16xi32>
    %ne3A_493 = arith.cmpi ne, %rem3A_490, %ne3A_492 : vector<16xi32>
    %and3A_494 = arith.andi %ne3A_488, %ne3A_493 : vector<16xi1>
    %sub3A_495 = arith.constant 1 : i32
    %sub3A_496 = vector.broadcast %sub3A_495 : i32 to vector<16xi32>
    %sub3A_497 = arith.subi %div3A_470, %sub3A_496 : vector<16xi32>
    %select_n3A_498 = arith.select %and3A_494, %sub3A_497, %div3A_470 : vector<16xi1>, vector<16xi32>
    %jit3A_499 = arith.constant 16 : i32
    %div3A_500 = vector.broadcast %jit3A_499 : i32 to vector<16xi32>
    %div3A_501 = arith.divsi %sort3A_457, %div3A_500 : vector<16xi32>
    %sign3A_502 = arith.constant 0 : i32
    %sign3A_503 = vector.broadcast %sign3A_502 : i32 to vector<16xi32>
    %sign3A_504 = arith.cmpi sgt, %sort3A_457, %sign3A_503 : vector<16xi32>
    %sign3A_505 = arith.extui %sign3A_504 : vector<16xi1> to vector<16xi32>
    %sign3A_506 = arith.constant 0 : i32
    %sign3A_507 = vector.broadcast %sign3A_506 : i32 to vector<16xi32>
    %sign3A_508 = arith.cmpi slt, %sort3A_457, %sign3A_507 : vector<16xi32>
    %sign3A_509 = arith.extui %sign3A_508 : vector<16xi1> to vector<16xi32>
    %sign3A_510 = arith.subi %sign3A_505, %sign3A_509 : vector<16xi32>
    %sign3A_511 = arith.constant 0 : i32
    %sign3A_512 = arith.cmpi sgt, %jit3A_499, %sign3A_511 : i32
    %sign3A_513 = arith.extui %sign3A_512 : i1 to i32
    %sign3A_514 = arith.constant 0 : i32
    %sign3A_515 = arith.cmpi slt, %jit3A_499, %sign3A_514 : i32
    %sign3A_516 = arith.extui %sign3A_515 : i1 to i32
    %sign3A_517 = arith.subi %sign3A_513, %sign3A_516 : i32
    %ne3A_518 = vector.broadcast %sign3A_517 : i32 to vector<16xi32>
    %ne3A_519 = arith.cmpi ne, %sign3A_510, %ne3A_518 : vector<16xi32>
    %rem3A_520 = vector.broadcast %jit3A_499 : i32 to vector<16xi32>
    %rem3A_521 = arith.remsi %sort3A_457, %rem3A_520 : vector<16xi32>
    %ne3A_522 = arith.constant 0 : i32
    %ne3A_523 = vector.broadcast %ne3A_522 : i32 to vector<16xi32>
    %ne3A_524 = arith.cmpi ne, %rem3A_521, %ne3A_523 : vector<16xi32>
    %and3A_525 = arith.andi %ne3A_519, %ne3A_524 : vector<16xi1>
    %sub3A_526 = arith.constant 1 : i32
    %sub3A_527 = vector.broadcast %sub3A_526 : i32 to vector<16xi32>
    %sub3A_528 = arith.subi %div3A_501, %sub3A_527 : vector<16xi32>
    %select_n3A_529 = arith.select %and3A_525, %sub3A_528, %div3A_501 : vector<16xi1>, vector<16xi32>
    %ne3A_530 = arith.cmpi ne, %select_n3A_498, %select_n3A_529 : vector<16xi32>
    %eq3A_531 = arith.constant 15 : i32
    %eq3A_532 = vector.broadcast %eq3A_531 : i32 to vector<16xi32>
    %eq3A_533 = arith.cmpi eq, %iota3A, %eq3A_532 : vector<16xi32>
    %or3A_534 = arith.ori %ne3A_530, %eq3A_533 : vector<16xi1>
    %jit3A_535 = arith.constant 16 : i32
    %eq3A_536 = arith.constant 0 : i32
    %eq3A_537 = arith.cmpi eq, %jit3A_535, %eq3A_536 : i32
    %jit3A_538 = arith.constant 1 : i32
    %select_n3A_539 = arith.select %eq3A_537, %jit3A_538, %jit3A_535 : i32
    %rem3A_540 = vector.broadcast %select_n3A_539 : i32 to vector<16xi32>
    %rem3A_541 = arith.remsi %sort3A_457, %rem3A_540 : vector<16xi32>
    %ne3A_542 = arith.constant 0 : i32
    %ne3A_543 = vector.broadcast %ne3A_542 : i32 to vector<16xi32>
    %ne3A_544 = arith.cmpi ne, %rem3A_541, %ne3A_543 : vector<16xi32>
    %lt3A_545 = arith.constant 0 : i32
    %lt3A_546 = vector.broadcast %lt3A_545 : i32 to vector<16xi32>
    %lt3A_547 = arith.cmpi slt, %rem3A_541, %lt3A_546 : vector<16xi32>
    %lt3A_548 = arith.constant 0 : i32
    %lt3A_549 = arith.cmpi slt, %select_n3A_539, %lt3A_548 : i32
    %ne3A_550 = vector.broadcast %lt3A_549 : i1 to vector<16xi1>
    %ne3A_551 = vector.broadcast %ne3A_550 : vector<16xi1> to vector<16xi1>
    %ne3A_552 = arith.xori %lt3A_547, %ne3A_551 : vector<16xi1>
    %and3A_553 = arith.andi %ne3A_552, %ne3A_544 : vector<16xi1>
    %add3A_554 = vector.broadcast %select_n3A_539 : i32 to vector<16xi32>
    %add3A_555 = arith.addi %rem3A_541, %add3A_554 : vector<16xi32>
    %select_n3A_556 = arith.select %and3A_553, %add3A_555, %rem3A_541 : vector<16xi1>, vector<16xi32>
    %add3A_557 = arith.constant 32 : i32
    %add3A_558 = vector.broadcast %add3A_557 : i32 to vector<16xi32>
    %add3A_559 = arith.addi %select_n3A_556, %add3A_558 : vector<16xi32>
    %gather3A_560 = tpu.vector_load_idx %arg23[%add3A_559] : memref<64xi32, #tpu.memory_space<vmem>>[vector<16xi32>], vector<16xi32>,
    %jit3A_561 = arith.constant 2048 : i32
    %div3A_562 = vector.broadcast %jit3A_561 : i32 to vector<16xi32>
    %div3A_563 = arith.divsi %sort3A_457, %div3A_562 : vector<16xi32>
    %sign3A_564 = arith.constant 0 : i32
    %sign3A_565 = vector.broadcast %sign3A_564 : i32 to vector<16xi32>
    %sign3A_566 = arith.cmpi sgt, %sort3A_457, %sign3A_565 : vector<16xi32>
    %sign3A_567 = arith.extui %sign3A_566 : vector<16xi1> to vector<16xi32>
    %sign3A_568 = arith.constant 0 : i32
    %sign3A_569 = vector.broadcast %sign3A_568 : i32 to vector<16xi32>
    %sign3A_570 = arith.cmpi slt, %sort3A_457, %sign3A_569 : vector<16xi32>
    %sign3A_571 = arith.extui %sign3A_570 : vector<16xi1> to vector<16xi32>
    %sign3A_572 = arith.subi %sign3A_567, %sign3A_571 : vector<16xi32>
    %sign3A_573 = arith.constant 0 : i32
    %sign3A_574 = arith.cmpi sgt, %jit3A_561, %sign3A_573 : i32
    %sign3A_575 = arith.extui %sign3A_574 : i1 to i32
    %sign3A_576 = arith.constant 0 : i32
    %sign3A_577 = arith.cmpi slt, %jit3A_561, %sign3A_576 : i32
    %sign3A_578 = arith.extui %sign3A_577 : i1 to i32
    %sign3A_579 = arith.subi %sign3A_575, %sign3A_578 : i32
    %ne3A_580 = vector.broadcast %sign3A_579 : i32 to vector<16xi32>
    %ne3A_581 = arith.cmpi ne, %sign3A_572, %ne3A_580 : vector<16xi32>
    %rem3A_582 = vector.broadcast %jit3A_561 : i32 to vector<16xi32>
    %rem3A_583 = arith.remsi %sort3A_457, %rem3A_582 : vector<16xi32>
    %ne3A_584 = arith.constant 0 : i32
    %ne3A_585 = vector.broadcast %ne3A_584 : i32 to vector<16xi32>
    %ne3A_586 = arith.cmpi ne, %rem3A_583, %ne3A_585 : vector<16xi32>
    %and3A_587 = arith.andi %ne3A_581, %ne3A_586 : vector<16xi1>
    %sub3A_588 = arith.constant 1 : i32
    %sub3A_589 = vector.broadcast %sub3A_588 : i32 to vector<16xi32>
    %sub3A_590 = arith.subi %div3A_563, %sub3A_589 : vector<16xi32>
    %select_n3A_591 = arith.select %and3A_587, %sub3A_590, %div3A_563 : vector<16xi1>, vector<16xi32>
    %jit3A_592 = arith.constant 16 : i32
    %div3A_593 = vector.broadcast %jit3A_592 : i32 to vector<16xi32>
    %div3A_594 = arith.divsi %sort3A_457, %div3A_593 : vector<16xi32>
    %sign3A_595 = arith.constant 0 : i32
    %sign3A_596 = vector.broadcast %sign3A_595 : i32 to vector<16xi32>
    %sign3A_597 = arith.cmpi sgt, %sort3A_457, %sign3A_596 : vector<16xi32>
    %sign3A_598 = arith.extui %sign3A_597 : vector<16xi1> to vector<16xi32>
    %sign3A_599 = arith.constant 0 : i32
    %sign3A_600 = vector.broadcast %sign3A_599 : i32 to vector<16xi32>
    %sign3A_601 = arith.cmpi slt, %sort3A_457, %sign3A_600 : vector<16xi32>
    %sign3A_602 = arith.extui %sign3A_601 : vector<16xi1> to vector<16xi32>
    %sign3A_603 = arith.subi %sign3A_598, %sign3A_602 : vector<16xi32>
    %sign3A_604 = arith.constant 0 : i32
    %sign3A_605 = arith.cmpi sgt, %jit3A_592, %sign3A_604 : i32
    %sign3A_606 = arith.extui %sign3A_605 : i1 to i32
    %sign3A_607 = arith.constant 0 : i32
    %sign3A_608 = arith.cmpi slt, %jit3A_592, %sign3A_607 : i32
    %sign3A_609 = arith.extui %sign3A_608 : i1 to i32
    %sign3A_610 = arith.subi %sign3A_606, %sign3A_609 : i32
    %ne3A_611 = vector.broadcast %sign3A_610 : i32 to vector<16xi32>
    %ne3A_612 = arith.cmpi ne, %sign3A_603, %ne3A_611 : vector<16xi32>
    %rem3A_613 = vector.broadcast %jit3A_592 : i32 to vector<16xi32>
    %rem3A_614 = arith.remsi %sort3A_457, %rem3A_613 : vector<16xi32>
    %ne3A_615 = arith.constant 0 : i32
    %ne3A_616 = vector.broadcast %ne3A_615 : i32 to vector<16xi32>
    %ne3A_617 = arith.cmpi ne, %rem3A_614, %ne3A_616 : vector<16xi32>
    %and3A_618 = arith.andi %ne3A_612, %ne3A_617 : vector<16xi1>
    %sub3A_619 = arith.constant 1 : i32
    %sub3A_620 = vector.broadcast %sub3A_619 : i32 to vector<16xi32>
    %sub3A_621 = arith.subi %div3A_594, %sub3A_620 : vector<16xi32>
    %select_n3A_622 = arith.select %and3A_618, %sub3A_621, %div3A_594 : vector<16xi1>, vector<16xi32>
    %jit3A_623 = arith.constant 128 : i32
    %eq3A_624 = arith.constant 0 : i32
    %eq3A_625 = arith.cmpi eq, %jit3A_623, %eq3A_624 : i32
    %jit3A_626 = arith.constant 1 : i32
    %select_n3A_627 = arith.select %eq3A_625, %jit3A_626, %jit3A_623 : i32
    %rem3A_628 = vector.broadcast %select_n3A_627 : i32 to vector<16xi32>
    %rem3A_629 = arith.remsi %select_n3A_622, %rem3A_628 : vector<16xi32>
    %ne3A_630 = arith.constant 0 : i32
    %ne3A_631 = vector.broadcast %ne3A_630 : i32 to vector<16xi32>
    %ne3A_632 = arith.cmpi ne, %rem3A_629, %ne3A_631 : vector<16xi32>
    %lt3A_633 = arith.constant 0 : i32
    %lt3A_634 = vector.broadcast %lt3A_633 : i32 to vector<16xi32>
    %lt3A_635 = arith.cmpi slt, %rem3A_629, %lt3A_634 : vector<16xi32>
    %lt3A_636 = arith.constant 0 : i32
    %lt3A_637 = arith.cmpi slt, %select_n3A_627, %lt3A_636 : i32
    %ne3A_638 = vector.broadcast %lt3A_637 : i1 to vector<16xi1>
    %ne3A_639 = vector.broadcast %ne3A_638 : vector<16xi1> to vector<16xi1>
    %ne3A_640 = arith.xori %lt3A_635, %ne3A_639 : vector<16xi1>
    %and3A_641 = arith.andi %ne3A_640, %ne3A_632 : vector<16xi1>
    %add3A_642 = vector.broadcast %select_n3A_627 : i32 to vector<16xi32>
    %add3A_643 = arith.addi %rem3A_629, %add3A_642 : vector<16xi32>
    %select_n3A_644 = arith.select %and3A_641, %add3A_643, %rem3A_629 : vector<16xi1>, vector<16xi32>
    tpu.vector_store_idx %arg26[%select_n3A_591, %select_n3A_644], %gather3A_560 masked %or3A_534 : memref<128x128xi32, #tpu.memory_space<vmem>>[vector<16xi32>, vector<16xi32>], vector<16xi32>, vector<16xi1>
    %get3A_645 = arith.constant 48 : index
    %get3A_646 = tpu.vector_load %arg21[%get3A_645] {strides = array<i32>} : memref<64xi32, #tpu.memory_space<vmem>>, vector<16xi32>,
    %get3A_647 = arith.constant 48 : index
    %get3A_648 = tpu.vector_load %arg22[%get3A_647] {strides = array<i32>} : memref<64xi32, #tpu.memory_space<vmem>>, vector<16xi32>,
    %mul3A_649 = arith.constant 128 : i32
    %mul3A_650 = vector.broadcast %mul3A_649 : i32 to vector<16xi32>
    %mul3A_651 = arith.muli %get3A_646, %mul3A_650 : vector<16xi32>
    %add3A_652 = arith.addi %mul3A_651, %get3A_648 : vector<16xi32>
    %mul3A_653 = arith.constant 16 : i32
    %mul3A_654 = vector.broadcast %mul3A_653 : i32 to vector<16xi32>
    %mul3A_655 = arith.muli %add3A_652, %mul3A_654 : vector<16xi32>
    %add3A_656 = arith.addi %mul3A_655, %iota3A : vector<16xi32>
    %sort3A_657 = arith.constant dense<true> : vector<16xi1>
    %sort3A_658, %sort3A_659, %sort3A_660 = tpu.sort %add3A_656, %add3A_656 masked %sort3A_657 : (vector<16xi32>, vector<16xi32>, vector<16xi1>) -> (vector<16xi1>, vector<16xi32>, vector<16xi32>)
    %swap3A_661 = arith.constant 0 : index
    %swap3A_662 = tpu.vector_load %arg24[%swap3A_661] {strides = array<i32>} : memref<16xi32, #tpu.memory_space<vmem>>, vector<16xi32>,
    tpu.vector_store %arg24[%swap3A_661], %sort3A_659 {strides = array<i32>} : memref<16xi32, #tpu.memory_space<vmem>>, vector<16xi32>,
    %add3A_663 = arith.constant 1 : i32
    %add3A_664 = vector.broadcast %add3A_663 : i32 to vector<16xi32>
    %add3A_665 = arith.addi %iota3A, %add3A_664 : vector<16xi32>
    %min3A_666 = arith.constant 15 : i32
    %min3A_667 = vector.broadcast %min3A_666 : i32 to vector<16xi32>
    %min3A_668 = arith.minsi %add3A_665, %min3A_667 : vector<16xi32>
    %gather3A_669 = tpu.vector_load_idx %arg24[%min3A_668] : memref<16xi32, #tpu.memory_space<vmem>>[vector<16xi32>], vector<16xi32>,
    %jit3A_670 = arith.constant 16 : i32
    %div3A_671 = vector.broadcast %jit3A_670 : i32 to vector<16xi32>
    %div3A_672 = arith.divsi %gather3A_669, %div3A_671 : vector<16xi32>
    %sign3A_673 = arith.constant 0 : i32
    %sign3A_674 = vector.broadcast %sign3A_673 : i32 to vector<16xi32>
    %sign3A_675 = arith.cmpi sgt, %gather3A_669, %sign3A_674 : vector<16xi32>
    %sign3A_676 = arith.extui %sign3A_675 : vector<16xi1> to vector<16xi32>
    %sign3A_677 = arith.constant 0 : i32
    %sign3A_678 = vector.broadcast %sign3A_677 : i32 to vector<16xi32>
    %sign3A_679 = arith.cmpi slt, %gather3A_669, %sign3A_678 : vector<16xi32>
    %sign3A_680 = arith.extui %sign3A_679 : vector<16xi1> to vector<16xi32>
    %sign3A_681 = arith.subi %sign3A_676, %sign3A_680 : vector<16xi32>
    %sign3A_682 = arith.constant 0 : i32
    %sign3A_683 = arith.cmpi sgt, %jit3A_670, %sign3A_682 : i32
    %sign3A_684 = arith.extui %sign3A_683 : i1 to i32
    %sign3A_685 = arith.constant 0 : i32
    %sign3A_686 = arith.cmpi slt, %jit3A_670, %sign3A_685 : i32
    %sign3A_687 = arith.extui %sign3A_686 : i1 to i32
    %sign3A_688 = arith.subi %sign3A_684, %sign3A_687 : i32
    %ne3A_689 = vector.broadcast %sign3A_688 : i32 to vector<16xi32>
    %ne3A_690 = arith.cmpi ne, %sign3A_681, %ne3A_689 : vector<16xi32>
    %rem3A_691 = vector.broadcast %jit3A_670 : i32 to vector<16xi32>
    %rem3A_692 = arith.remsi %gather3A_669, %rem3A_691 : vector<16xi32>
    %ne3A_693 = arith.constant 0 : i32
    %ne3A_694 = vector.broadcast %ne3A_693 : i32 to vector<16xi32>
    %ne3A_695 = arith.cmpi ne, %rem3A_692, %ne3A_694 : vector<16xi32>
    %and3A_696 = arith.andi %ne3A_690, %ne3A_695 : vector<16xi1>
    %sub3A_697 = arith.constant 1 : i32
    %sub3A_698 = vector.broadcast %sub3A_697 : i32 to vector<16xi32>
    %sub3A_699 = arith.subi %div3A_672, %sub3A_698 : vector<16xi32>
    %select_n3A_700 = arith.select %and3A_696, %sub3A_699, %div3A_672 : vector<16xi1>, vector<16xi32>
    %jit3A_701 = arith.constant 16 : i32
    %div3A_702 = vector.broadcast %jit3A_701 : i32 to vector<16xi32>
    %div3A_703 = arith.divsi %sort3A_659, %div3A_702 : vector<16xi32>
    %sign3A_704 = arith.constant 0 : i32
    %sign3A_705 = vector.broadcast %sign3A_704 : i32 to vector<16xi32>
    %sign3A_706 = arith.cmpi sgt, %sort3A_659, %sign3A_705 : vector<16xi32>
    %sign3A_707 = arith.extui %sign3A_706 : vector<16xi1> to vector<16xi32>
    %sign3A_708 = arith.constant 0 : i32
    %sign3A_709 = vector.broadcast %sign3A_708 : i32 to vector<16xi32>
    %sign3A_710 = arith.cmpi slt, %sort3A_659, %sign3A_709 : vector<16xi32>
    %sign3A_711 = arith.extui %sign3A_710 : vector<16xi1> to vector<16xi32>
    %sign3A_712 = arith.subi %sign3A_707, %sign3A_711 : vector<16xi32>
    %sign3A_713 = arith.constant 0 : i32
    %sign3A_714 = arith.cmpi sgt, %jit3A_701, %sign3A_713 : i32
    %sign3A_715 = arith.extui %sign3A_714 : i1 to i32
    %sign3A_716 = arith.constant 0 : i32
    %sign3A_717 = arith.cmpi slt, %jit3A_701, %sign3A_716 : i32
    %sign3A_718 = arith.extui %sign3A_717 : i1 to i32
    %sign3A_719 = arith.subi %sign3A_715, %sign3A_718 : i32
    %ne3A_720 = vector.broadcast %sign3A_719 : i32 to vector<16xi32>
    %ne3A_721 = arith.cmpi ne, %sign3A_712, %ne3A_720 : vector<16xi32>
    %rem3A_722 = vector.broadcast %jit3A_701 : i32 to vector<16xi32>
    %rem3A_723 = arith.remsi %sort3A_659, %rem3A_722 : vector<16xi32>
    %ne3A_724 = arith.constant 0 : i32
    %ne3A_725 = vector.broadcast %ne3A_724 : i32 to vector<16xi32>
    %ne3A_726 = arith.cmpi ne, %rem3A_723, %ne3A_725 : vector<16xi32>
    %and3A_727 = arith.andi %ne3A_721, %ne3A_726 : vector<16xi1>
    %sub3A_728 = arith.constant 1 : i32
    %sub3A_729 = vector.broadcast %sub3A_728 : i32 to vector<16xi32>
    %sub3A_730 = arith.subi %div3A_703, %sub3A_729 : vector<16xi32>
    %select_n3A_731 = arith.select %and3A_727, %sub3A_730, %div3A_703 : vector<16xi1>, vector<16xi32>
    %ne3A_732 = arith.cmpi ne, %select_n3A_700, %select_n3A_731 : vector<16xi32>
    %eq3A_733 = arith.constant 15 : i32
    %eq3A_734 = vector.broadcast %eq3A_733 : i32 to vector<16xi32>
    %eq3A_735 = arith.cmpi eq, %iota3A, %eq3A_734 : vector<16xi32>
    %or3A_736 = arith.ori %ne3A_732, %eq3A_735 : vector<16xi1>
    %jit3A_737 = arith.constant 16 : i32
    %eq3A_738 = arith.constant 0 : i32
    %eq3A_739 = arith.cmpi eq, %jit3A_737, %eq3A_738 : i32
    %jit3A_740 = arith.constant 1 : i32
    %select_n3A_741 = arith.select %eq3A_739, %jit3A_740, %jit3A_737 : i32
    %rem3A_742 = vector.broadcast %select_n3A_741 : i32 to vector<16xi32>
    %rem3A_743 = arith.remsi %sort3A_659, %rem3A_742 : vector<16xi32>
    %ne3A_744 = arith.constant 0 : i32
    %ne3A_745 = vector.broadcast %ne3A_744 : i32 to vector<16xi32>
    %ne3A_746 = arith.cmpi ne, %rem3A_743, %ne3A_745 : vector<16xi32>
    %lt3A_747 = arith.constant 0 : i32
    %lt3A_748 = vector.broadcast %lt3A_747 : i32 to vector<16xi32>
    %lt3A_749 = arith.cmpi slt, %rem3A_743, %lt3A_748 : vector<16xi32>
    %lt3A_750 = arith.constant 0 : i32
    %lt3A_751 = arith.cmpi slt, %select_n3A_741, %lt3A_750 : i32
    %ne3A_752 = vector.broadcast %lt3A_751 : i1 to vector<16xi1>
    %ne3A_753 = vector.broadcast %ne3A_752 : vector<16xi1> to vector<16xi1>
    %ne3A_754 = arith.xori %lt3A_749, %ne3A_753 : vector<16xi1>
    %and3A_755 = arith.andi %ne3A_754, %ne3A_746 : vector<16xi1>
    %add3A_756 = vector.broadcast %select_n3A_741 : i32 to vector<16xi32>
    %add3A_757 = arith.addi %rem3A_743, %add3A_756 : vector<16xi32>
    %select_n3A_758 = arith.select %and3A_755, %add3A_757, %rem3A_743 : vector<16xi1>, vector<16xi32>
    %add3A_759 = arith.constant 48 : i32
    %add3A_760 = vector.broadcast %add3A_759 : i32 to vector<16xi32>
    %add3A_761 = arith.addi %select_n3A_758, %add3A_760 : vector<16xi32>
    %gather3A_762 = tpu.vector_load_idx %arg23[%add3A_761] : memref<64xi32, #tpu.memory_space<vmem>>[vector<16xi32>], vector<16xi32>,
    %jit3A_763 = arith.constant 2048 : i32
    %div3A_764 = vector.broadcast %jit3A_763 : i32 to vector<16xi32>
    %div3A_765 = arith.divsi %sort3A_659, %div3A_764 : vector<16xi32>
    %sign3A_766 = arith.constant 0 : i32
    %sign3A_767 = vector.broadcast %sign3A_766 : i32 to vector<16xi32>
    %sign3A_768 = arith.cmpi sgt, %sort3A_659, %sign3A_767 : vector<16xi32>
    %sign3A_769 = arith.extui %sign3A_768 : vector<16xi1> to vector<16xi32>
    %sign3A_770 = arith.constant 0 : i32
    %sign3A_771 = vector.broadcast %sign3A_770 : i32 to vector<16xi32>
    %sign3A_772 = arith.cmpi slt, %sort3A_659, %sign3A_771 : vector<16xi32>
    %sign3A_773 = arith.extui %sign3A_772 : vector<16xi1> to vector<16xi32>
    %sign3A_774 = arith.subi %sign3A_769, %sign3A_773 : vector<16xi32>
    %sign3A_775 = arith.constant 0 : i32
    %sign3A_776 = arith.cmpi sgt, %jit3A_763, %sign3A_775 : i32
    %sign3A_777 = arith.extui %sign3A_776 : i1 to i32
    %sign3A_778 = arith.constant 0 : i32
    %sign3A_779 = arith.cmpi slt, %jit3A_763, %sign3A_778 : i32
    %sign3A_780 = arith.extui %sign3A_779 : i1 to i32
    %sign3A_781 = arith.subi %sign3A_777, %sign3A_780 : i32
    %ne3A_782 = vector.broadcast %sign3A_781 : i32 to vector<16xi32>
    %ne3A_783 = arith.cmpi ne, %sign3A_774, %ne3A_782 : vector<16xi32>
    %rem3A_784 = vector.broadcast %jit3A_763 : i32 to vector<16xi32>
    %rem3A_785 = arith.remsi %sort3A_659, %rem3A_784 : vector<16xi32>
    %ne3A_786 = arith.constant 0 : i32
    %ne3A_787 = vector.broadcast %ne3A_786 : i32 to vector<16xi32>
    %ne3A_788 = arith.cmpi ne, %rem3A_785, %ne3A_787 : vector<16xi32>
    %and3A_789 = arith.andi %ne3A_783, %ne3A_788 : vector<16xi1>
    %sub3A_790 = arith.constant 1 : i32
    %sub3A_791 = vector.broadcast %sub3A_790 : i32 to vector<16xi32>
    %sub3A_792 = arith.subi %div3A_765, %sub3A_791 : vector<16xi32>
    %select_n3A_793 = arith.select %and3A_789, %sub3A_792, %div3A_765 : vector<16xi1>, vector<16xi32>
    %jit3A_794 = arith.constant 16 : i32
    %div3A_795 = vector.broadcast %jit3A_794 : i32 to vector<16xi32>
    %div3A_796 = arith.divsi %sort3A_659, %div3A_795 : vector<16xi32>
    %sign3A_797 = arith.constant 0 : i32
    %sign3A_798 = vector.broadcast %sign3A_797 : i32 to vector<16xi32>
    %sign3A_799 = arith.cmpi sgt, %sort3A_659, %sign3A_798 : vector<16xi32>
    %sign3A_800 = arith.extui %sign3A_799 : vector<16xi1> to vector<16xi32>
    %sign3A_801 = arith.constant 0 : i32
    %sign3A_802 = vector.broadcast %sign3A_801 : i32 to vector<16xi32>
    %sign3A_803 = arith.cmpi slt, %sort3A_659, %sign3A_802 : vector<16xi32>
    %sign3A_804 = arith.extui %sign3A_803 : vector<16xi1> to vector<16xi32>
    %sign3A_805 = arith.subi %sign3A_800, %sign3A_804 : vector<16xi32>
    %sign3A_806 = arith.constant 0 : i32
    %sign3A_807 = arith.cmpi sgt, %jit3A_794, %sign3A_806 : i32
    %sign3A_808 = arith.extui %sign3A_807 : i1 to i32
    %sign3A_809 = arith.constant 0 : i32
    %sign3A_810 = arith.cmpi slt, %jit3A_794, %sign3A_809 : i32
    %sign3A_811 = arith.extui %sign3A_810 : i1 to i32
    %sign3A_812 = arith.subi %sign3A_808, %sign3A_811 : i32
    %ne3A_813 = vector.broadcast %sign3A_812 : i32 to vector<16xi32>
    %ne3A_814 = arith.cmpi ne, %sign3A_805, %ne3A_813 : vector<16xi32>
    %rem3A_815 = vector.broadcast %jit3A_794 : i32 to vector<16xi32>
    %rem3A_816 = arith.remsi %sort3A_659, %rem3A_815 : vector<16xi32>
    %ne3A_817 = arith.constant 0 : i32
    %ne3A_818 = vector.broadcast %ne3A_817 : i32 to vector<16xi32>
    %ne3A_819 = arith.cmpi ne, %rem3A_816, %ne3A_818 : vector<16xi32>
    %and3A_820 = arith.andi %ne3A_814, %ne3A_819 : vector<16xi1>
    %sub3A_821 = arith.constant 1 : i32
    %sub3A_822 = vector.broadcast %sub3A_821 : i32 to vector<16xi32>
    %sub3A_823 = arith.subi %div3A_796, %sub3A_822 : vector<16xi32>
    %select_n3A_824 = arith.select %and3A_820, %sub3A_823, %div3A_796 : vector<16xi1>, vector<16xi32>
    %jit3A_825 = arith.constant 128 : i32
    %eq3A_826 = arith.constant 0 : i32
    %eq3A_827 = arith.cmpi eq, %jit3A_825, %eq3A_826 : i32
    %jit3A_828 = arith.constant 1 : i32
    %select_n3A_829 = arith.select %eq3A_827, %jit3A_828, %jit3A_825 : i32
    %rem3A_830 = vector.broadcast %select_n3A_829 : i32 to vector<16xi32>
    %rem3A_831 = arith.remsi %select_n3A_824, %rem3A_830 : vector<16xi32>
    %ne3A_832 = arith.constant 0 : i32
    %ne3A_833 = vector.broadcast %ne3A_832 : i32 to vector<16xi32>
    %ne3A_834 = arith.cmpi ne, %rem3A_831, %ne3A_833 : vector<16xi32>
    %lt3A_835 = arith.constant 0 : i32
    %lt3A_836 = vector.broadcast %lt3A_835 : i32 to vector<16xi32>
    %lt3A_837 = arith.cmpi slt, %rem3A_831, %lt3A_836 : vector<16xi32>
    %lt3A_838 = arith.constant 0 : i32
    %lt3A_839 = arith.cmpi slt, %select_n3A_829, %lt3A_838 : i32
    %ne3A_840 = vector.broadcast %lt3A_839 : i1 to vector<16xi1>
    %ne3A_841 = vector.broadcast %ne3A_840 : vector<16xi1> to vector<16xi1>
    %ne3A_842 = arith.xori %lt3A_837, %ne3A_841 : vector<16xi1>
    %and3A_843 = arith.andi %ne3A_842, %ne3A_834 : vector<16xi1>
    %add3A_844 = vector.broadcast %select_n3A_829 : i32 to vector<16xi32>
    %add3A_845 = arith.addi %rem3A_831, %add3A_844 : vector<16xi32>
    %select_n3A_846 = arith.select %and3A_843, %add3A_845, %rem3A_831 : vector<16xi1>, vector<16xi32>
    tpu.vector_store_idx %arg26[%select_n3A_793, %select_n3A_846], %gather3A_762 masked %or3A_736 : memref<128x128xi32, #tpu.memory_space<vmem>>[vector<16xi32>, vector<16xi32>], vector<16xi32>, vector<16xi1>
    "tpu.region"() ({
      %run_scoped3A = tpu.sem_alloc : memref<!tpu.dma_semaphore, #tpu.memory_space<semaphore_mem>>
      %dma_start3A_875 = arith.constant 0 : i32
      %dma_start3A_876 = arith.constant 0 : i32
      %dma_start3A_877 = tpu.memref_slice %arg14[%add3A, %dma_start3A_875, %dma_start3A_876] : memref<32x128x128xi32, #tpu.memory_space<hbm>> -> memref<1x128x128xi32, #tpu.memory_space<hbm>>
      %dma_start3A_878 = tpu.memref_squeeze %dma_start3A_877 : memref<1x128x128xi32, #tpu.memory_space<hbm>> -> memref<128x128xi32, #tpu.memory_space<hbm>>
      %dma_start3A_879 = arith.constant 0 : i32
      %dma_start3A_880 = arith.constant 0 : i32
      %dma_start3A_881 = tpu.memref_slice %arg14[%add3A, %dma_start3A_879, %dma_start3A_880] : memref<32x128x128xi32, #tpu.memory_space<hbm>> -> memref<1x128x128xi32, #tpu.memory_space<hbm>>
      %dma_start3A_882 = tpu.memref_squeeze %dma_start3A_881 : memref<1x128x128xi32, #tpu.memory_space<hbm>> -> memref<128x128xi32, #tpu.memory_space<hbm>>
      tpu.enqueue_dma source(%arg26 : memref<128x128xi32, #tpu.memory_space<vmem>>) target(%dma_start3A_882 : memref<128x128xi32, #tpu.memory_space<hbm>>) target_semaphore(%run_scoped3A : memref<!tpu.dma_semaphore, #tpu.memory_space<semaphore_mem>>)
      %dma_wait3A_883 = arith.constant 0 : i32
      %dma_wait3A_884 = arith.constant 0 : i32
      %dma_wait3A_885 = tpu.memref_slice %arg14[%add3A, %dma_wait3A_883, %dma_wait3A_884] : memref<32x128x128xi32, #tpu.memory_space<hbm>> -> memref<1x128x128xi32, #tpu.memory_space<hbm>>
      %dma_wait3A_886 = tpu.memref_squeeze %dma_wait3A_885 : memref<1x128x128xi32, #tpu.memory_space<hbm>> -> memref<128x128xi32, #tpu.memory_space<hbm>>
      %dma_wait3A_887 = arith.constant 0 : i32
      %dma_wait3A_888 = arith.constant 0 : i32
      %dma_wait3A_889 = tpu.memref_slice %arg14[%add3A, %dma_wait3A_887, %dma_wait3A_888] : memref<32x128x128xi32, #tpu.memory_space<hbm>> -> memref<1x128x128xi32, #tpu.memory_space<hbm>>
      %dma_wait3A_890 = tpu.memref_squeeze %dma_wait3A_889 : memref<1x128x128xi32, #tpu.memory_space<hbm>> -> memref<128x128xi32, #tpu.memory_space<hbm>>
      tpu.wait_dma2 semaphore(%run_scoped3A : memref<!tpu.dma_semaphore, #tpu.memory_space<semaphore_mem>>) src(%arg26 : memref<128x128xi32, #tpu.memory_space<vmem>>) dst(%dma_wait3A_890 : memref<128x128xi32, #tpu.memory_space<hbm>>)
      tpu.yield
    }) : () -> ()
    %dma_start3A_847 = arith.constant 0 : i32
    %dma_start3A_848 = tpu.memref_slice %arg16[%dma_start3A_847] : memref<128xi32, #tpu.memory_space<vmem>> -> memref<64xi32, #tpu.memory_space<vmem>>
    %dma_start3A_849 = arith.constant 0 : i32
    %dma_start3A_850 = arith.constant 0 : i32
    %dma_start3A_851 = tpu.memref_slice %arg3[%dma_start3A_849, %dma_start3A_850] : memref<512x384xf32, #tpu.memory_space<hbm>> -> memref<512x384xf32, #tpu.memory_space<hbm>>
    tpu.enqueue_indirect_dma source(%dma_start3A_851 : memref<512x384xf32, #tpu.memory_space<hbm>>) target(%arg18 : memref<64x384xf32, #tpu.memory_space<vmem>>) offsets(%dma_start3A_848 : memref<64xi32, #tpu.memory_space<vmem>>) semaphore(%arg27 : memref<!tpu.dma_semaphore, #tpu.memory_space<semaphore_mem>>)
    %dma_wait3A_852 = arith.constant 0 : i32
    %dma_wait3A_853 = tpu.memref_slice %arg16[%dma_wait3A_852] : memref<128xi32, #tpu.memory_space<vmem>> -> memref<64xi32, #tpu.memory_space<vmem>>
    %dma_wait3A_854 = arith.constant 0 : i32
    %dma_wait3A_855 = arith.constant 0 : i32
    %dma_wait3A_856 = tpu.memref_slice %arg3[%dma_wait3A_854, %dma_wait3A_855] : memref<512x384xf32, #tpu.memory_space<hbm>> -> memref<512x384xf32, #tpu.memory_space<hbm>>
    tpu.wait_indirect_dma semaphore(%arg27 : memref<!tpu.dma_semaphore, #tpu.memory_space<semaphore_mem>>) src(%dma_wait3A_856 : memref<512x384xf32, #tpu.memory_space<hbm>>) dst(%arg18 : memref<64x384xf32, #tpu.memory_space<vmem>>)
    %mul3A_857 = arith.constant 128 : i32
    %mul3A_858 = arith.muli %add3A, %mul3A_857 : i32
    %add3A_859 = arith.constant 0 : i32
    %add3A_860 = arith.addi %mul3A_858, %add3A_859 : i32
    "tpu.region"() ({
      %run_scoped3A = tpu.sem_alloc : memref<!tpu.dma_semaphore, #tpu.memory_space<semaphore_mem>>
      %dma_start3A_875 = arith.constant 0 : i32
      %dma_start3A_876 = tpu.memref_slice %arg12[%add3A_860, %dma_start3A_875] : memref<4096x384xf32, #tpu.memory_space<hbm>> -> memref<64x384xf32, #tpu.memory_space<hbm>>
      %dma_start3A_877 = arith.constant 0 : i32
      %dma_start3A_878 = tpu.memref_slice %arg12[%add3A_860, %dma_start3A_877] : memref<4096x384xf32, #tpu.memory_space<hbm>> -> memref<64x384xf32, #tpu.memory_space<hbm>>
      tpu.enqueue_dma source(%arg18 : memref<64x384xf32, #tpu.memory_space<vmem>>) target(%dma_start3A_878 : memref<64x384xf32, #tpu.memory_space<hbm>>) target_semaphore(%run_scoped3A : memref<!tpu.dma_semaphore, #tpu.memory_space<semaphore_mem>>)
      %dma_wait3A_879 = arith.constant 0 : i32
      %dma_wait3A_880 = tpu.memref_slice %arg12[%add3A_860, %dma_wait3A_879] : memref<4096x384xf32, #tpu.memory_space<hbm>> -> memref<64x384xf32, #tpu.memory_space<hbm>>
      %dma_wait3A_881 = arith.constant 0 : i32
      %dma_wait3A_882 = tpu.memref_slice %arg12[%add3A_860, %dma_wait3A_881] : memref<4096x384xf32, #tpu.memory_space<hbm>> -> memref<64x384xf32, #tpu.memory_space<hbm>>
      tpu.wait_dma2 semaphore(%run_scoped3A : memref<!tpu.dma_semaphore, #tpu.memory_space<semaphore_mem>>) src(%arg18 : memref<64x384xf32, #tpu.memory_space<vmem>>) dst(%dma_wait3A_882 : memref<64x384xf32, #tpu.memory_space<hbm>>)
      tpu.yield
    }) : () -> ()
    %dma_start3A_861 = arith.constant 64 : i32
    %dma_start3A_862 = tpu.memref_slice %arg16[%dma_start3A_861] : memref<128xi32, #tpu.memory_space<vmem>> -> memref<64xi32, #tpu.memory_space<vmem>>
    %dma_start3A_863 = arith.constant 0 : i32
    %dma_start3A_864 = arith.constant 0 : i32
    %dma_start3A_865 = tpu.memref_slice %arg3[%dma_start3A_863, %dma_start3A_864] : memref<512x384xf32, #tpu.memory_space<hbm>> -> memref<512x384xf32, #tpu.memory_space<hbm>>
    tpu.enqueue_indirect_dma source(%dma_start3A_865 : memref<512x384xf32, #tpu.memory_space<hbm>>) target(%arg18 : memref<64x384xf32, #tpu.memory_space<vmem>>) offsets(%dma_start3A_862 : memref<64xi32, #tpu.memory_space<vmem>>) semaphore(%arg27 : memref<!tpu.dma_semaphore, #tpu.memory_space<semaphore_mem>>)
    %dma_wait3A_866 = arith.constant 64 : i32
    %dma_wait3A_867 = tpu.memref_slice %arg16[%dma_wait3A_866] : memref<128xi32, #tpu.memory_space<vmem>> -> memref<64xi32, #tpu.memory_space<vmem>>
    %dma_wait3A_868 = arith.constant 0 : i32
    %dma_wait3A_869 = arith.constant 0 : i32
    %dma_wait3A_870 = tpu.memref_slice %arg3[%dma_wait3A_868, %dma_wait3A_869] : memref<512x384xf32, #tpu.memory_space<hbm>> -> memref<512x384xf32, #tpu.memory_space<hbm>>
    tpu.wait_indirect_dma semaphore(%arg27 : memref<!tpu.dma_semaphore, #tpu.memory_space<semaphore_mem>>) src(%dma_wait3A_870 : memref<512x384xf32, #tpu.memory_space<hbm>>) dst(%arg18 : memref<64x384xf32, #tpu.memory_space<vmem>>)
    %mul3A_871 = arith.constant 128 : i32
    %mul3A_872 = arith.muli %add3A, %mul3A_871 : i32
    %add3A_873 = arith.constant 64 : i32
    %add3A_874 = arith.addi %mul3A_872, %add3A_873 : i32
    "tpu.region"() ({
      %run_scoped3A = tpu.sem_alloc : memref<!tpu.dma_semaphore, #tpu.memory_space<semaphore_mem>>
      %dma_start3A_875 = arith.constant 0 : i32
      %dma_start3A_876 = tpu.memref_slice %arg12[%add3A_874, %dma_start3A_875] : memref<4096x384xf32, #tpu.memory_space<hbm>> -> memref<64x384xf32, #tpu.memory_space<hbm>>
      %dma_start3A_877 = arith.constant 0 : i32
      %dma_start3A_878 = tpu.memref_slice %arg12[%add3A_874, %dma_start3A_877] : memref<4096x384xf32, #tpu.memory_space<hbm>> -> memref<64x384xf32, #tpu.memory_space<hbm>>
      tpu.enqueue_dma source(%arg18 : memref<64x384xf32, #tpu.memory_space<vmem>>) target(%dma_start3A_878 : memref<64x384xf32, #tpu.memory_space<hbm>>) target_semaphore(%run_scoped3A : memref<!tpu.dma_semaphore, #tpu.memory_space<semaphore_mem>>)
      %dma_wait3A_879 = arith.constant 0 : i32
      %dma_wait3A_880 = tpu.memref_slice %arg12[%add3A_874, %dma_wait3A_879] : memref<4096x384xf32, #tpu.memory_space<hbm>> -> memref<64x384xf32, #tpu.memory_space<hbm>>
      %dma_wait3A_881 = arith.constant 0 : i32
      %dma_wait3A_882 = tpu.memref_slice %arg12[%add3A_874, %dma_wait3A_881] : memref<4096x384xf32, #tpu.memory_space<hbm>> -> memref<64x384xf32, #tpu.memory_space<hbm>>
      tpu.wait_dma2 semaphore(%run_scoped3A : memref<!tpu.dma_semaphore, #tpu.memory_space<semaphore_mem>>) src(%arg18 : memref<64x384xf32, #tpu.memory_space<vmem>>) dst(%dma_wait3A_882 : memref<64x384xf32, #tpu.memory_space<hbm>>)
      tpu.yield
    }) : () -> ()
    return
  }
}

#map = affine_map<(d0, d1) -> (0, 0)>
#map1 = affine_map<(d0, d1) -> (0, 0, 0)>
module attributes {stable_mosaic.version = 14 : i64} {
  func.func @gather_text(%arg0: i32, %arg1: i32, %arg2: memref<21760x384xf32, #tpu.memory_space<hbm>>, %arg3: memref<32x4x128xi32, #tpu.memory_space<hbm>>, %arg4: memref<16384x384xf32, #tpu.memory_space<hbm>>, %arg5: memref<4x128xi32, #tpu.memory_space<vmem>>, %arg6: memref<128x384xf32, #tpu.memory_space<vmem>>, %arg7: memref<128x384xf32, #tpu.memory_space<vmem>>, %arg8: memref<!tpu.dma_semaphore, #tpu.memory_space<semaphore_mem>>, %arg9: memref<!tpu.dma_semaphore, #tpu.memory_space<semaphore_mem>>) attributes {dimension_semantics = [#tpu.dimension_semantics<core_parallel>, #tpu.dimension_semantics<subcore_parallel>], iteration_bounds = array<i64: 2, 16>, scalar_prefetch = 0 : i64, scratch_operands = 5 : i64, tpu.core_type = #tpu.core_type<sc_vector_subcore>, window_params = [{transform_indices = #map}, {transform_indices = #map1}, {transform_indices = #map}]} {
    %mul3A = arith.constant 2 : i32
    %mul3A_0 = arith.muli %arg1, %mul3A : i32
    %add3A = arith.addi %mul3A_0, %arg0 : i32
    "tpu.region"() ({
      %run_scoped3A = tpu.sem_alloc : memref<!tpu.dma_semaphore, #tpu.memory_space<semaphore_mem>>
      %dma_start3A_71 = arith.constant 0 : i32
      %dma_start3A_72 = arith.constant 0 : i32
      %dma_start3A_73 = tpu.memref_slice %arg3[%add3A, %dma_start3A_71, %dma_start3A_72] : memref<32x4x128xi32, #tpu.memory_space<hbm>> -> memref<1x4x128xi32, #tpu.memory_space<hbm>>
      %dma_start3A_74 = tpu.memref_squeeze %dma_start3A_73 : memref<1x4x128xi32, #tpu.memory_space<hbm>> -> memref<4x128xi32, #tpu.memory_space<hbm>>
      %dma_start3A_75 = arith.constant 0 : i32
      %dma_start3A_76 = arith.constant 0 : i32
      %dma_start3A_77 = tpu.memref_slice %arg3[%add3A, %dma_start3A_75, %dma_start3A_76] : memref<32x4x128xi32, #tpu.memory_space<hbm>> -> memref<1x4x128xi32, #tpu.memory_space<hbm>>
      %dma_start3A_78 = tpu.memref_squeeze %dma_start3A_77 : memref<1x4x128xi32, #tpu.memory_space<hbm>> -> memref<4x128xi32, #tpu.memory_space<hbm>>
      tpu.enqueue_dma source(%dma_start3A_78 : memref<4x128xi32, #tpu.memory_space<hbm>>) target(%arg5 : memref<4x128xi32, #tpu.memory_space<vmem>>) target_semaphore(%run_scoped3A : memref<!tpu.dma_semaphore, #tpu.memory_space<semaphore_mem>>)
      %dma_wait3A_79 = arith.constant 0 : i32
      %dma_wait3A_80 = arith.constant 0 : i32
      %dma_wait3A_81 = tpu.memref_slice %arg3[%add3A, %dma_wait3A_79, %dma_wait3A_80] : memref<32x4x128xi32, #tpu.memory_space<hbm>> -> memref<1x4x128xi32, #tpu.memory_space<hbm>>
      %dma_wait3A_82 = tpu.memref_squeeze %dma_wait3A_81 : memref<1x4x128xi32, #tpu.memory_space<hbm>> -> memref<4x128xi32, #tpu.memory_space<hbm>>
      %dma_wait3A_83 = arith.constant 0 : i32
      %dma_wait3A_84 = arith.constant 0 : i32
      %dma_wait3A_85 = tpu.memref_slice %arg3[%add3A, %dma_wait3A_83, %dma_wait3A_84] : memref<32x4x128xi32, #tpu.memory_space<hbm>> -> memref<1x4x128xi32, #tpu.memory_space<hbm>>
      %dma_wait3A_86 = tpu.memref_squeeze %dma_wait3A_85 : memref<1x4x128xi32, #tpu.memory_space<hbm>> -> memref<4x128xi32, #tpu.memory_space<hbm>>
      tpu.wait_dma2 semaphore(%run_scoped3A : memref<!tpu.dma_semaphore, #tpu.memory_space<semaphore_mem>>) src(%dma_wait3A_86 : memref<4x128xi32, #tpu.memory_space<hbm>>) dst(%arg5 : memref<4x128xi32, #tpu.memory_space<vmem>>)
      tpu.yield
    }) : () -> ()
    %dma_start3A = arith.constant 0 : i32
    %dma_start3A_1 = arith.constant 0 : i32
    %dma_start3A_2 = tpu.memref_slice %arg5[%dma_start3A, %dma_start3A_1] : memref<4x128xi32, #tpu.memory_space<vmem>> -> memref<1x128xi32, #tpu.memory_space<vmem>>
    %dma_start3A_3 = tpu.memref_squeeze %dma_start3A_2 : memref<1x128xi32, #tpu.memory_space<vmem>> -> memref<128xi32, #tpu.memory_space<vmem>>
    %dma_start3A_4 = arith.constant 0 : i32
    %dma_start3A_5 = arith.constant 0 : i32
    %dma_start3A_6 = tpu.memref_slice %arg2[%dma_start3A_4, %dma_start3A_5] : memref<21760x384xf32, #tpu.memory_space<hbm>> -> memref<21760x384xf32, #tpu.memory_space<hbm>>
    tpu.enqueue_indirect_dma source(%dma_start3A_6 : memref<21760x384xf32, #tpu.memory_space<hbm>>) target(%arg6 : memref<128x384xf32, #tpu.memory_space<vmem>>) offsets(%dma_start3A_3 : memref<128xi32, #tpu.memory_space<vmem>>) semaphore(%arg8 : memref<!tpu.dma_semaphore, #tpu.memory_space<semaphore_mem>>)
    %dma_start3A_7 = arith.constant 1 : i32
    %dma_start3A_8 = arith.constant 0 : i32
    %dma_start3A_9 = tpu.memref_slice %arg5[%dma_start3A_7, %dma_start3A_8] : memref<4x128xi32, #tpu.memory_space<vmem>> -> memref<1x128xi32, #tpu.memory_space<vmem>>
    %dma_start3A_10 = tpu.memref_squeeze %dma_start3A_9 : memref<1x128xi32, #tpu.memory_space<vmem>> -> memref<128xi32, #tpu.memory_space<vmem>>
    %dma_start3A_11 = arith.constant 0 : i32
    %dma_start3A_12 = arith.constant 0 : i32
    %dma_start3A_13 = tpu.memref_slice %arg2[%dma_start3A_11, %dma_start3A_12] : memref<21760x384xf32, #tpu.memory_space<hbm>> -> memref<21760x384xf32, #tpu.memory_space<hbm>>
    tpu.enqueue_indirect_dma source(%dma_start3A_13 : memref<21760x384xf32, #tpu.memory_space<hbm>>) target(%arg7 : memref<128x384xf32, #tpu.memory_space<vmem>>) offsets(%dma_start3A_10 : memref<128xi32, #tpu.memory_space<vmem>>) semaphore(%arg9 : memref<!tpu.dma_semaphore, #tpu.memory_space<semaphore_mem>>)
    %dma_wait3A = arith.constant 0 : i32
    %dma_wait3A_14 = arith.constant 0 : i32
    %dma_wait3A_15 = tpu.memref_slice %arg5[%dma_wait3A, %dma_wait3A_14] : memref<4x128xi32, #tpu.memory_space<vmem>> -> memref<1x128xi32, #tpu.memory_space<vmem>>
    %dma_wait3A_16 = tpu.memref_squeeze %dma_wait3A_15 : memref<1x128xi32, #tpu.memory_space<vmem>> -> memref<128xi32, #tpu.memory_space<vmem>>
    %dma_wait3A_17 = arith.constant 0 : i32
    %dma_wait3A_18 = arith.constant 0 : i32
    %dma_wait3A_19 = tpu.memref_slice %arg2[%dma_wait3A_17, %dma_wait3A_18] : memref<21760x384xf32, #tpu.memory_space<hbm>> -> memref<21760x384xf32, #tpu.memory_space<hbm>>
    tpu.wait_indirect_dma semaphore(%arg8 : memref<!tpu.dma_semaphore, #tpu.memory_space<semaphore_mem>>) src(%dma_wait3A_19 : memref<21760x384xf32, #tpu.memory_space<hbm>>) dst(%arg6 : memref<128x384xf32, #tpu.memory_space<vmem>>)
    %mul3A_20 = arith.constant 512 : i32
    %mul3A_21 = arith.muli %add3A, %mul3A_20 : i32
    %add3A_22 = arith.constant 0 : i32
    %add3A_23 = arith.addi %mul3A_21, %add3A_22 : i32
    "tpu.region"() ({
      %run_scoped3A = tpu.sem_alloc : memref<!tpu.dma_semaphore, #tpu.memory_space<semaphore_mem>>
      %dma_start3A_71 = arith.constant 0 : i32
      %dma_start3A_72 = tpu.memref_slice %arg4[%add3A_23, %dma_start3A_71] : memref<16384x384xf32, #tpu.memory_space<hbm>> -> memref<128x384xf32, #tpu.memory_space<hbm>>
      %dma_start3A_73 = arith.constant 0 : i32
      %dma_start3A_74 = tpu.memref_slice %arg4[%add3A_23, %dma_start3A_73] : memref<16384x384xf32, #tpu.memory_space<hbm>> -> memref<128x384xf32, #tpu.memory_space<hbm>>
      tpu.enqueue_dma source(%arg6 : memref<128x384xf32, #tpu.memory_space<vmem>>) target(%dma_start3A_74 : memref<128x384xf32, #tpu.memory_space<hbm>>) target_semaphore(%run_scoped3A : memref<!tpu.dma_semaphore, #tpu.memory_space<semaphore_mem>>)
      %dma_wait3A_75 = arith.constant 0 : i32
      %dma_wait3A_76 = tpu.memref_slice %arg4[%add3A_23, %dma_wait3A_75] : memref<16384x384xf32, #tpu.memory_space<hbm>> -> memref<128x384xf32, #tpu.memory_space<hbm>>
      %dma_wait3A_77 = arith.constant 0 : i32
      %dma_wait3A_78 = tpu.memref_slice %arg4[%add3A_23, %dma_wait3A_77] : memref<16384x384xf32, #tpu.memory_space<hbm>> -> memref<128x384xf32, #tpu.memory_space<hbm>>
      tpu.wait_dma2 semaphore(%run_scoped3A : memref<!tpu.dma_semaphore, #tpu.memory_space<semaphore_mem>>) src(%arg6 : memref<128x384xf32, #tpu.memory_space<vmem>>) dst(%dma_wait3A_78 : memref<128x384xf32, #tpu.memory_space<hbm>>)
      tpu.yield
    }) : () -> ()
    %dma_start3A_24 = arith.constant 2 : i32
    %dma_start3A_25 = arith.constant 0 : i32
    %dma_start3A_26 = tpu.memref_slice %arg5[%dma_start3A_24, %dma_start3A_25] : memref<4x128xi32, #tpu.memory_space<vmem>> -> memref<1x128xi32, #tpu.memory_space<vmem>>
    %dma_start3A_27 = tpu.memref_squeeze %dma_start3A_26 : memref<1x128xi32, #tpu.memory_space<vmem>> -> memref<128xi32, #tpu.memory_space<vmem>>
    %dma_start3A_28 = arith.constant 0 : i32
    %dma_start3A_29 = arith.constant 0 : i32
    %dma_start3A_30 = tpu.memref_slice %arg2[%dma_start3A_28, %dma_start3A_29] : memref<21760x384xf32, #tpu.memory_space<hbm>> -> memref<21760x384xf32, #tpu.memory_space<hbm>>
    tpu.enqueue_indirect_dma source(%dma_start3A_30 : memref<21760x384xf32, #tpu.memory_space<hbm>>) target(%arg6 : memref<128x384xf32, #tpu.memory_space<vmem>>) offsets(%dma_start3A_27 : memref<128xi32, #tpu.memory_space<vmem>>) semaphore(%arg8 : memref<!tpu.dma_semaphore, #tpu.memory_space<semaphore_mem>>)
    %dma_wait3A_31 = arith.constant 1 : i32
    %dma_wait3A_32 = arith.constant 0 : i32
    %dma_wait3A_33 = tpu.memref_slice %arg5[%dma_wait3A_31, %dma_wait3A_32] : memref<4x128xi32, #tpu.memory_space<vmem>> -> memref<1x128xi32, #tpu.memory_space<vmem>>
    %dma_wait3A_34 = tpu.memref_squeeze %dma_wait3A_33 : memref<1x128xi32, #tpu.memory_space<vmem>> -> memref<128xi32, #tpu.memory_space<vmem>>
    %dma_wait3A_35 = arith.constant 0 : i32
    %dma_wait3A_36 = arith.constant 0 : i32
    %dma_wait3A_37 = tpu.memref_slice %arg2[%dma_wait3A_35, %dma_wait3A_36] : memref<21760x384xf32, #tpu.memory_space<hbm>> -> memref<21760x384xf32, #tpu.memory_space<hbm>>
    tpu.wait_indirect_dma semaphore(%arg9 : memref<!tpu.dma_semaphore, #tpu.memory_space<semaphore_mem>>) src(%dma_wait3A_37 : memref<21760x384xf32, #tpu.memory_space<hbm>>) dst(%arg7 : memref<128x384xf32, #tpu.memory_space<vmem>>)
    %mul3A_38 = arith.constant 512 : i32
    %mul3A_39 = arith.muli %add3A, %mul3A_38 : i32
    %add3A_40 = arith.constant 128 : i32
    %add3A_41 = arith.addi %mul3A_39, %add3A_40 : i32
    "tpu.region"() ({
      %run_scoped3A = tpu.sem_alloc : memref<!tpu.dma_semaphore, #tpu.memory_space<semaphore_mem>>
      %dma_start3A_71 = arith.constant 0 : i32
      %dma_start3A_72 = tpu.memref_slice %arg4[%add3A_41, %dma_start3A_71] : memref<16384x384xf32, #tpu.memory_space<hbm>> -> memref<128x384xf32, #tpu.memory_space<hbm>>
      %dma_start3A_73 = arith.constant 0 : i32
      %dma_start3A_74 = tpu.memref_slice %arg4[%add3A_41, %dma_start3A_73] : memref<16384x384xf32, #tpu.memory_space<hbm>> -> memref<128x384xf32, #tpu.memory_space<hbm>>
      tpu.enqueue_dma source(%arg7 : memref<128x384xf32, #tpu.memory_space<vmem>>) target(%dma_start3A_74 : memref<128x384xf32, #tpu.memory_space<hbm>>) target_semaphore(%run_scoped3A : memref<!tpu.dma_semaphore, #tpu.memory_space<semaphore_mem>>)
      %dma_wait3A_75 = arith.constant 0 : i32
      %dma_wait3A_76 = tpu.memref_slice %arg4[%add3A_41, %dma_wait3A_75] : memref<16384x384xf32, #tpu.memory_space<hbm>> -> memref<128x384xf32, #tpu.memory_space<hbm>>
      %dma_wait3A_77 = arith.constant 0 : i32
      %dma_wait3A_78 = tpu.memref_slice %arg4[%add3A_41, %dma_wait3A_77] : memref<16384x384xf32, #tpu.memory_space<hbm>> -> memref<128x384xf32, #tpu.memory_space<hbm>>
      tpu.wait_dma2 semaphore(%run_scoped3A : memref<!tpu.dma_semaphore, #tpu.memory_space<semaphore_mem>>) src(%arg7 : memref<128x384xf32, #tpu.memory_space<vmem>>) dst(%dma_wait3A_78 : memref<128x384xf32, #tpu.memory_space<hbm>>)
      tpu.yield
    }) : () -> ()
    %dma_start3A_42 = arith.constant 3 : i32
    %dma_start3A_43 = arith.constant 0 : i32
    %dma_start3A_44 = tpu.memref_slice %arg5[%dma_start3A_42, %dma_start3A_43] : memref<4x128xi32, #tpu.memory_space<vmem>> -> memref<1x128xi32, #tpu.memory_space<vmem>>
    %dma_start3A_45 = tpu.memref_squeeze %dma_start3A_44 : memref<1x128xi32, #tpu.memory_space<vmem>> -> memref<128xi32, #tpu.memory_space<vmem>>
    %dma_start3A_46 = arith.constant 0 : i32
    %dma_start3A_47 = arith.constant 0 : i32
    %dma_start3A_48 = tpu.memref_slice %arg2[%dma_start3A_46, %dma_start3A_47] : memref<21760x384xf32, #tpu.memory_space<hbm>> -> memref<21760x384xf32, #tpu.memory_space<hbm>>
    tpu.enqueue_indirect_dma source(%dma_start3A_48 : memref<21760x384xf32, #tpu.memory_space<hbm>>) target(%arg7 : memref<128x384xf32, #tpu.memory_space<vmem>>) offsets(%dma_start3A_45 : memref<128xi32, #tpu.memory_space<vmem>>) semaphore(%arg9 : memref<!tpu.dma_semaphore, #tpu.memory_space<semaphore_mem>>)
    %dma_wait3A_49 = arith.constant 2 : i32
    %dma_wait3A_50 = arith.constant 0 : i32
    %dma_wait3A_51 = tpu.memref_slice %arg5[%dma_wait3A_49, %dma_wait3A_50] : memref<4x128xi32, #tpu.memory_space<vmem>> -> memref<1x128xi32, #tpu.memory_space<vmem>>
    %dma_wait3A_52 = tpu.memref_squeeze %dma_wait3A_51 : memref<1x128xi32, #tpu.memory_space<vmem>> -> memref<128xi32, #tpu.memory_space<vmem>>
    %dma_wait3A_53 = arith.constant 0 : i32
    %dma_wait3A_54 = arith.constant 0 : i32
    %dma_wait3A_55 = tpu.memref_slice %arg2[%dma_wait3A_53, %dma_wait3A_54] : memref<21760x384xf32, #tpu.memory_space<hbm>> -> memref<21760x384xf32, #tpu.memory_space<hbm>>
    tpu.wait_indirect_dma semaphore(%arg8 : memref<!tpu.dma_semaphore, #tpu.memory_space<semaphore_mem>>) src(%dma_wait3A_55 : memref<21760x384xf32, #tpu.memory_space<hbm>>) dst(%arg6 : memref<128x384xf32, #tpu.memory_space<vmem>>)
    %mul3A_56 = arith.constant 512 : i32
    %mul3A_57 = arith.muli %add3A, %mul3A_56 : i32
    %add3A_58 = arith.constant 256 : i32
    %add3A_59 = arith.addi %mul3A_57, %add3A_58 : i32
    "tpu.region"() ({
      %run_scoped3A = tpu.sem_alloc : memref<!tpu.dma_semaphore, #tpu.memory_space<semaphore_mem>>
      %dma_start3A_71 = arith.constant 0 : i32
      %dma_start3A_72 = tpu.memref_slice %arg4[%add3A_59, %dma_start3A_71] : memref<16384x384xf32, #tpu.memory_space<hbm>> -> memref<128x384xf32, #tpu.memory_space<hbm>>
      %dma_start3A_73 = arith.constant 0 : i32
      %dma_start3A_74 = tpu.memref_slice %arg4[%add3A_59, %dma_start3A_73] : memref<16384x384xf32, #tpu.memory_space<hbm>> -> memref<128x384xf32, #tpu.memory_space<hbm>>
      tpu.enqueue_dma source(%arg6 : memref<128x384xf32, #tpu.memory_space<vmem>>) target(%dma_start3A_74 : memref<128x384xf32, #tpu.memory_space<hbm>>) target_semaphore(%run_scoped3A : memref<!tpu.dma_semaphore, #tpu.memory_space<semaphore_mem>>)
      %dma_wait3A_75 = arith.constant 0 : i32
      %dma_wait3A_76 = tpu.memref_slice %arg4[%add3A_59, %dma_wait3A_75] : memref<16384x384xf32, #tpu.memory_space<hbm>> -> memref<128x384xf32, #tpu.memory_space<hbm>>
      %dma_wait3A_77 = arith.constant 0 : i32
      %dma_wait3A_78 = tpu.memref_slice %arg4[%add3A_59, %dma_wait3A_77] : memref<16384x384xf32, #tpu.memory_space<hbm>> -> memref<128x384xf32, #tpu.memory_space<hbm>>
      tpu.wait_dma2 semaphore(%run_scoped3A : memref<!tpu.dma_semaphore, #tpu.memory_space<semaphore_mem>>) src(%arg6 : memref<128x384xf32, #tpu.memory_space<vmem>>) dst(%dma_wait3A_78 : memref<128x384xf32, #tpu.memory_space<hbm>>)
      tpu.yield
    }) : () -> ()
    %dma_wait3A_60 = arith.constant 3 : i32
    %dma_wait3A_61 = arith.constant 0 : i32
    %dma_wait3A_62 = tpu.memref_slice %arg5[%dma_wait3A_60, %dma_wait3A_61] : memref<4x128xi32, #tpu.memory_space<vmem>> -> memref<1x128xi32, #tpu.memory_space<vmem>>
    %dma_wait3A_63 = tpu.memref_squeeze %dma_wait3A_62 : memref<1x128xi32, #tpu.memory_space<vmem>> -> memref<128xi32, #tpu.memory_space<vmem>>
    %dma_wait3A_64 = arith.constant 0 : i32
    %dma_wait3A_65 = arith.constant 0 : i32
    %dma_wait3A_66 = tpu.memref_slice %arg2[%dma_wait3A_64, %dma_wait3A_65] : memref<21760x384xf32, #tpu.memory_space<hbm>> -> memref<21760x384xf32, #tpu.memory_space<hbm>>
    tpu.wait_indirect_dma semaphore(%arg9 : memref<!tpu.dma_semaphore, #tpu.memory_space<semaphore_mem>>) src(%dma_wait3A_66 : memref<21760x384xf32, #tpu.memory_space<hbm>>) dst(%arg7 : memref<128x384xf32, #tpu.memory_space<vmem>>)
    %mul3A_67 = arith.constant 512 : i32
    %mul3A_68 = arith.muli %add3A, %mul3A_67 : i32
    %add3A_69 = arith.constant 384 : i32
    %add3A_70 = arith.addi %mul3A_68, %add3A_69 : i32
    "tpu.region"() ({
      %run_scoped3A = tpu.sem_alloc : memref<!tpu.dma_semaphore, #tpu.memory_space<semaphore_mem>>
      %dma_start3A_71 = arith.constant 0 : i32
      %dma_start3A_72 = tpu.memref_slice %arg4[%add3A_70, %dma_start3A_71] : memref<16384x384xf32, #tpu.memory_space<hbm>> -> memref<128x384xf32, #tpu.memory_space<hbm>>
      %dma_start3A_73 = arith.constant 0 : i32
      %dma_start3A_74 = tpu.memref_slice %arg4[%add3A_70, %dma_start3A_73] : memref<16384x384xf32, #tpu.memory_space<hbm>> -> memref<128x384xf32, #tpu.memory_space<hbm>>
      tpu.enqueue_dma source(%arg7 : memref<128x384xf32, #tpu.memory_space<vmem>>) target(%dma_start3A_74 : memref<128x384xf32, #tpu.memory_space<hbm>>) target_semaphore(%run_scoped3A : memref<!tpu.dma_semaphore, #tpu.memory_space<semaphore_mem>>)
      %dma_wait3A_75 = arith.constant 0 : i32
      %dma_wait3A_76 = tpu.memref_slice %arg4[%add3A_70, %dma_wait3A_75] : memref<16384x384xf32, #tpu.memory_space<hbm>> -> memref<128x384xf32, #tpu.memory_space<hbm>>
      %dma_wait3A_77 = arith.constant 0 : i32
      %dma_wait3A_78 = tpu.memref_slice %arg4[%add3A_70, %dma_wait3A_77] : memref<16384x384xf32, #tpu.memory_space<hbm>> -> memref<128x384xf32, #tpu.memory_space<hbm>>
      tpu.wait_dma2 semaphore(%run_scoped3A : memref<!tpu.dma_semaphore, #tpu.memory_space<semaphore_mem>>) src(%arg7 : memref<128x384xf32, #tpu.memory_space<vmem>>) dst(%dma_wait3A_78 : memref<128x384xf32, #tpu.memory_space<hbm>>)
      tpu.yield
    }) : () -> ()
    return
  }
}

module attributes {stable_mosaic.version = 14 : i64} {
  func.func @_proj_t2t_body(%arg0: i32, %arg1: memref<680x768xf32, #tpu.memory_space<vmem>>, %arg2: memref<768x384xf32, #tpu.memory_space<vmem>>, %arg3: memref<1x384xf32, #tpu.memory_space<vmem>>, %arg4: memref<1x1x8xi32, #tpu.memory_space<smem>>, %arg5: memref<1x1x128xi32, #tpu.memory_space<vmem>>, %arg6: memref<680x384xf32, #tpu.memory_space<vmem>>, %arg7: memref<1x512x512xf32, #tpu.memory_space<vmem>>, %arg8: memref<1x1x128xi32, #tpu.memory_space<vmem>>) attributes {dimension_semantics = [#tpu.dimension_semantics<arbitrary>], iteration_bounds = array<i64: 32>, scalar_prefetch = 0 : i64, scratch_operands = 0 : i64, tpu.core_type = #tpu.core_type<tc>, window_params = [{transform_indices = @transform_0, window_bounds = array<i64: 680, 768>}, {pipeline_mode = #tpu.pipeline_mode<synchronous>, transform_indices = @transform_1, window_bounds = array<i64: 768, 384>}, {pipeline_mode = #tpu.pipeline_mode<synchronous>, transform_indices = @transform_2, window_bounds = array<i64: 1, 384>}, {transform_indices = @transform_3, window_bounds = array<i64: 1, 1, 8>}, {transform_indices = @transform_4, window_bounds = array<i64: 1, 1, 128>}, {transform_indices = @transform_5, window_bounds = array<i64: 680, 384>}, {transform_indices = @transform_6, window_bounds = array<i64: 1, 512, 512>}, {transform_indices = @transform_7, window_bounds = array<i64: 1, 1, 128>}]} {
    %get3A = arith.constant 0 : index
    %get3A_0 = arith.constant 0 : index
    %get3A_1 = vector.load %arg1[%get3A, %get3A_0] : memref<680x768xf32, #tpu.memory_space<vmem>>, vector<680x768xf32>
    %get3A_2 = arith.constant 0 : index
    %get3A_3 = arith.constant 0 : index
    %get3A_4 = vector.load %arg2[%get3A_2, %get3A_3] : memref<768x384xf32, #tpu.memory_space<vmem>>, vector<768x384xf32>
    %dot_general3A = arith.constant dense<0.000000e+00> : vector<680x384xf32>
    %dot_general3A_5 = tpu.matmul %get3A_1, %get3A_4, %dot_general3A {dimension_numbers = #tpu.dot_dimension_numbers<[1], [0], [0], [1], [0, 0, 1, 1], [], []>, transpose_lhs_hint = false} : vector<680x768xf32>, vector<768x384xf32>, vector<680x384xf32> -> vector<680x384xf32>
    %get3A_6 = arith.constant 0 : index
    %get3A_7 = arith.constant 0 : index
    %get3A_8 = vector.load %arg3[%get3A_6, %get3A_7] : memref<1x384xf32, #tpu.memory_space<vmem>>, vector<1x384xf32>
    %add3A = vector.broadcast %get3A_8 : vector<1x384xf32> to vector<680x384xf32>
    %add3A_9 = arith.addf %dot_general3A_5, %add3A : vector<680x384xf32>
    %swap3A = arith.constant 0 : index
    %swap3A_10 = arith.constant 0 : index
    %swap3A_11 = vector.load %arg6[%swap3A, %swap3A_10] : memref<680x384xf32, #tpu.memory_space<vmem>>, vector<680x384xf32>
    tpu.vector_store %arg6[%swap3A, %swap3A_10], %add3A_9 {strides = array<i32>} : memref<680x384xf32, #tpu.memory_space<vmem>>, vector<680x384xf32>,
    %iota3A = tpu.iota {dimensions = array<i32: 1>} : vector<1x512xi32>
    %broadcast_in_dim3A = arith.constant 0 : i32
    %broadcast_in_dim3A_12 = vector.broadcast %broadcast_in_dim3A : i32 to vector<1x512xi32>
    %get3A_13 = arith.constant 0 : index
    %get3A_14 = arith.constant 0 : index
    %get3A_15 = arith.constant 0 : index
    %get3A_16 = memref.load %arg4[%get3A_13, %get3A_14, %get3A_15] : memref<1x1x8xi32, #tpu.memory_space<smem>>
    %lt3A = vector.broadcast %get3A_16 : i32 to vector<1x512xi32>
    %lt3A_17 = arith.cmpi slt, %lt3A, %iota3A : vector<1x512xi32>
    %convert_element_type3A = arith.extui %lt3A_17 : vector<1x512xi1> to vector<1x512xi32>
    %add3A_18 = arith.addi %broadcast_in_dim3A_12, %convert_element_type3A : vector<1x512xi32>
    %get3A_19 = arith.constant 0 : index
    %get3A_20 = arith.constant 0 : index
    %get3A_21 = arith.constant 1 : index
    %get3A_22 = memref.load %arg4[%get3A_19, %get3A_20, %get3A_21] : memref<1x1x8xi32, #tpu.memory_space<smem>>
    %lt3A_23 = vector.broadcast %get3A_22 : i32 to vector<1x512xi32>
    %lt3A_24 = arith.cmpi slt, %lt3A_23, %iota3A : vector<1x512xi32>
    %convert_element_type3A_25 = arith.extui %lt3A_24 : vector<1x512xi1> to vector<1x512xi32>
    %add3A_26 = arith.addi %add3A_18, %convert_element_type3A_25 : vector<1x512xi32>
    %get3A_27 = arith.constant 0 : index
    %get3A_28 = arith.constant 0 : index
    %get3A_29 = arith.constant 2 : index
    %get3A_30 = memref.load %arg4[%get3A_27, %get3A_28, %get3A_29] : memref<1x1x8xi32, #tpu.memory_space<smem>>
    %lt3A_31 = vector.broadcast %get3A_30 : i32 to vector<1x512xi32>
    %lt3A_32 = arith.cmpi slt, %lt3A_31, %iota3A : vector<1x512xi32>
    %convert_element_type3A_33 = arith.extui %lt3A_32 : vector<1x512xi1> to vector<1x512xi32>
    %add3A_34 = arith.addi %add3A_26, %convert_element_type3A_33 : vector<1x512xi32>
    %get3A_35 = arith.constant 0 : index
    %get3A_36 = arith.constant 0 : index
    %get3A_37 = arith.constant 3 : index
    %get3A_38 = memref.load %arg4[%get3A_35, %get3A_36, %get3A_37] : memref<1x1x8xi32, #tpu.memory_space<smem>>
    %lt3A_39 = vector.broadcast %get3A_38 : i32 to vector<1x512xi32>
    %lt3A_40 = arith.cmpi slt, %lt3A_39, %iota3A : vector<1x512xi32>
    %convert_element_type3A_41 = arith.extui %lt3A_40 : vector<1x512xi1> to vector<1x512xi32>
    %add3A_42 = arith.addi %add3A_34, %convert_element_type3A_41 : vector<1x512xi32>
    %get3A_43 = arith.constant 0 : index
    %get3A_44 = arith.constant 0 : index
    %get3A_45 = arith.constant 4 : index
    %get3A_46 = memref.load %arg4[%get3A_43, %get3A_44, %get3A_45] : memref<1x1x8xi32, #tpu.memory_space<smem>>
    %lt3A_47 = vector.broadcast %get3A_46 : i32 to vector<1x512xi32>
    %lt3A_48 = arith.cmpi slt, %lt3A_47, %iota3A : vector<1x512xi32>
    %convert_element_type3A_49 = arith.extui %lt3A_48 : vector<1x512xi1> to vector<1x512xi32>
    %add3A_50 = arith.addi %add3A_42, %convert_element_type3A_49 : vector<1x512xi32>
    %get3A_51 = arith.constant 0 : index
    %get3A_52 = arith.constant 0 : index
    %get3A_53 = arith.constant 5 : index
    %get3A_54 = memref.load %arg4[%get3A_51, %get3A_52, %get3A_53] : memref<1x1x8xi32, #tpu.memory_space<smem>>
    %lt3A_55 = vector.broadcast %get3A_54 : i32 to vector<1x512xi32>
    %lt3A_56 = arith.cmpi slt, %lt3A_55, %iota3A : vector<1x512xi32>
    %convert_element_type3A_57 = arith.extui %lt3A_56 : vector<1x512xi1> to vector<1x512xi32>
    %add3A_58 = arith.addi %add3A_50, %convert_element_type3A_57 : vector<1x512xi32>
    %get3A_59 = arith.constant 0 : index
    %get3A_60 = arith.constant 0 : index
    %get3A_61 = arith.constant 6 : index
    %get3A_62 = memref.load %arg4[%get3A_59, %get3A_60, %get3A_61] : memref<1x1x8xi32, #tpu.memory_space<smem>>
    %lt3A_63 = vector.broadcast %get3A_62 : i32 to vector<1x512xi32>
    %lt3A_64 = arith.cmpi slt, %lt3A_63, %iota3A : vector<1x512xi32>
    %convert_element_type3A_65 = arith.extui %lt3A_64 : vector<1x512xi1> to vector<1x512xi32>
    %add3A_66 = arith.addi %add3A_58, %convert_element_type3A_65 : vector<1x512xi32>
    %get3A_67 = arith.constant 0 : index
    %get3A_68 = arith.constant 0 : index
    %get3A_69 = arith.constant 7 : index
    %get3A_70 = memref.load %arg4[%get3A_67, %get3A_68, %get3A_69] : memref<1x1x8xi32, #tpu.memory_space<smem>>
    %lt3A_71 = vector.broadcast %get3A_70 : i32 to vector<1x512xi32>
    %lt3A_72 = arith.cmpi slt, %lt3A_71, %iota3A : vector<1x512xi32>
    %convert_element_type3A_73 = arith.extui %lt3A_72 : vector<1x512xi1> to vector<1x512xi32>
    %add3A_74 = arith.addi %add3A_66, %convert_element_type3A_73 : vector<1x512xi32>
    %get3A_75 = arith.constant 0 : index
    %get3A_76 = arith.constant 0 : index
    %get3A_77 = arith.constant 7 : index
    %get3A_78 = memref.load %arg4[%get3A_75, %get3A_76, %get3A_77] : memref<1x1x8xi32, #tpu.memory_space<smem>>
    %ge3A = arith.constant 1 : i32
    %ge3A_79 = vector.broadcast %ge3A : i32 to vector<1x512xi32>
    %ge3A_80 = arith.cmpi sge, %add3A_74, %ge3A_79 : vector<1x512xi32>
    %le3A = vector.broadcast %get3A_78 : i32 to vector<1x512xi32>
    %le3A_81 = arith.cmpi sle, %iota3A, %le3A : vector<1x512xi32>
    %and3A = arith.andi %ge3A_80, %le3A_81 : vector<1x512xi1>
    %mul3A = arith.constant 1024 : i32
    %mul3A_82 = vector.broadcast %mul3A : i32 to vector<1x512xi32>
    %mul3A_83 = arith.muli %add3A_74, %mul3A_82 : vector<1x512xi32>
    %add3A_84 = arith.addi %mul3A_83, %iota3A : vector<1x512xi32>
    %convert_element_type3A_85 = arith.sitofp %add3A_84 : vector<1x512xi32> to vector<1x512xf32>
    %jit3A = arith.constant 1.000000e+06 : f32
    %broadcast_in_dim3A_86 = vector.broadcast %jit3A : f32 to vector<1x512xf32>
    %select_n3A = arith.select %and3A, %convert_element_type3A_85, %broadcast_in_dim3A_86 : vector<1x512xi1>, vector<1x512xf32>
    %mul3A_87 = arith.constant 1024 : i32
    %mul3A_88 = vector.broadcast %mul3A_87 : i32 to vector<1x512xi32>
    %mul3A_89 = arith.muli %add3A_74, %mul3A_88 : vector<1x512xi32>
    %add3A_90 = arith.addi %mul3A_89, %iota3A : vector<1x512xi32>
    %convert_element_type3A_91 = arith.sitofp %add3A_90 : vector<1x512xi32> to vector<1x512xf32>
    %jit3A_92 = arith.constant -1.000000e+06 : f32
    %broadcast_in_dim3A_93 = vector.broadcast %jit3A_92 : f32 to vector<1x512xf32>
    %select_n3A_94 = arith.select %and3A, %convert_element_type3A_91, %broadcast_in_dim3A_93 : vector<1x512xi1>, vector<1x512xf32>
    %transpose3A = tpu.transpose %select_n3A_94, [1, 0] : vector<1x512xf32> -> vector<512x1xf32>
    %sub3A = vector.broadcast %transpose3A : vector<512x1xf32> to vector<512x512xf32>
    %sub3A_95 = vector.broadcast %select_n3A : vector<1x512xf32> to vector<512x512xf32>
    %sub3A_96 = arith.subf %sub3A, %sub3A_95 : vector<512x512xf32>
    %abs3A = math.absf %sub3A_96 : vector<512x512xf32>
    %le3A_97 = arith.constant 1.600000e+01 : f32
    %le3A_98 = vector.broadcast %le3A_97 : f32 to vector<512x512xf32>
    %le3A_99 = arith.cmpf ole, %abs3A, %le3A_98 : vector<512x512xf32>
    %jit3A_100 = arith.constant 0.000000e+00 : f32
    %jit3A_101 = arith.constant 1.000000e+00 : f32
    %broadcast_in_dim3A_102 = vector.broadcast %jit3A_100 : f32 to vector<512x512xf32>
    %broadcast_in_dim3A_103 = vector.broadcast %jit3A_101 : f32 to vector<512x512xf32>
    %select_n3A_104 = arith.select %le3A_99, %broadcast_in_dim3A_102, %broadcast_in_dim3A_103 : vector<512x512xi1>, vector<512x512xf32>
    %swap3A_105 = arith.constant 0 : index
    %swap3A_106 = arith.constant 0 : index
    %swap3A_107 = arith.constant 0 : index
    %swap3A_108 = vector.load %arg7[%swap3A_105, %swap3A_106, %swap3A_107] : memref<1x512x512xf32, #tpu.memory_space<vmem>>, vector<1x512x512xf32>
    %swap3A_109 = vector.shape_cast %swap3A_108 : vector<1x512x512xf32> to vector<512x512xf32>
    %swap3A_110 = vector.shape_cast %select_n3A_104 : vector<512x512xf32> to vector<1x512x512xf32>
    tpu.vector_store %arg7[%swap3A_105, %swap3A_106, %swap3A_107], %swap3A_110 {strides = array<i32>} : memref<1x512x512xf32, #tpu.memory_space<vmem>>, vector<1x512x512xf32>,
    %get3A_111 = arith.constant 0 : index
    %get3A_112 = arith.constant 0 : index
    %get3A_113 = arith.constant 0 : index
    %get3A_114 = vector.load %arg5[%get3A_111, %get3A_112, %get3A_113] : memref<1x1x128xi32, #tpu.memory_space<vmem>>, vector<1x1x128xi32>
    %get3A_115 = vector.shape_cast %get3A_114 : vector<1x1x128xi32> to vector<1x128xi32>
    %eq3A = arith.constant 0 : i32
    %eq3A_116 = vector.broadcast %eq3A : i32 to vector<1x128xi32>
    %eq3A_117 = arith.cmpi eq, %get3A_115, %eq3A_116 : vector<1x128xi32>
    %swap3A_118 = arith.constant 0 : index
    %swap3A_119 = arith.constant 0 : index
    %swap3A_120 = arith.constant 0 : index
    %swap3A_121 = vector.load %arg8[%swap3A_118, %swap3A_119, %swap3A_120] : memref<1x1x128xi32, #tpu.memory_space<vmem>>, vector<1x1x128xi32>
    %swap3A_122 = arith.extui %eq3A_117 : vector<1x128xi1> to vector<1x128xi32>
    %swap3A_123 = vector.shape_cast %swap3A_121 : vector<1x1x128xi32> to vector<1x128xi32>
    %swap3A_124 = vector.shape_cast %swap3A_122 : vector<1x128xi32> to vector<1x1x128xi32>
    %swap3A_125 = arith.constant dense<0> : vector<1x128xi32>
    %swap3A_126 = arith.cmpi ne, %swap3A_123, %swap3A_125 : vector<1x128xi32>
    tpu.vector_store %arg8[%swap3A_118, %swap3A_119, %swap3A_120], %swap3A_124 {strides = array<i32>} : memref<1x1x128xi32, #tpu.memory_space<vmem>>, vector<1x1x128xi32>,
    return
  }
  func.func @transform_0(%arg0: i32) -> (i32, i32) {
    %c0_i32 = arith.constant 0 : i32
    %c0_i32_0 = arith.constant 0 : i32
    return %arg0, %c0_i32 : i32, i32
  }
  func.func @transform_1(%arg0: i32) -> (i32, i32) {
    %c0_i32 = arith.constant 0 : i32
    %c0_i32_0 = arith.constant 0 : i32
    %c0_i32_1 = arith.constant 0 : i32
    return %c0_i32, %c0_i32_0 : i32, i32
  }
  func.func @transform_2(%arg0: i32) -> (i32, i32) {
    %c0_i32 = arith.constant 0 : i32
    %c0_i32_0 = arith.constant 0 : i32
    %c0_i32_1 = arith.constant 0 : i32
    return %c0_i32, %c0_i32_0 : i32, i32
  }
  func.func @transform_3(%arg0: i32) -> (i32, i32, i32) {
    %c0_i32 = arith.constant 0 : i32
    %c0_i32_0 = arith.constant 0 : i32
    %c0_i32_1 = arith.constant 0 : i32
    return %arg0, %c0_i32, %c0_i32_0 : i32, i32, i32
  }
  func.func @transform_4(%arg0: i32) -> (i32, i32, i32) {
    %c0_i32 = arith.constant 0 : i32
    %c0_i32_0 = arith.constant 0 : i32
    %c0_i32_1 = arith.constant 0 : i32
    return %arg0, %c0_i32, %c0_i32_0 : i32, i32, i32
  }
  func.func @transform_5(%arg0: i32) -> (i32, i32) {
    %c0_i32 = arith.constant 0 : i32
    %c0_i32_0 = arith.constant 0 : i32
    return %arg0, %c0_i32 : i32, i32
  }
  func.func @transform_6(%arg0: i32) -> (i32, i32, i32) {
    %c0_i32 = arith.constant 0 : i32
    %c0_i32_0 = arith.constant 0 : i32
    %c0_i32_1 = arith.constant 0 : i32
    return %arg0, %c0_i32, %c0_i32_0 : i32, i32, i32
  }
  func.func @transform_7(%arg0: i32) -> (i32, i32, i32) {
    %c0_i32 = arith.constant 0 : i32
    %c0_i32_0 = arith.constant 0 : i32
    %c0_i32_1 = arith.constant 0 : i32
    return %arg0, %c0_i32, %c0_i32_0 : i32, i32, i32
  }
}

</mosaic_0001>

<sc_bundles>
// kernel: kernel.5.cloned.1.call-start
scs
__scs_entry_jumppad:
0x0: {  	(pc) =	sbr.rel $0x88, $3  }
0x1: {  	(tag) =	ssettag $0x0;
	lr =	simm.s32 $0x1  }
0x2: {  	[smem:$0x3F92] =	sst lr;
	_ =	strace $0xD0000000  }
0x3: {  	_ = 	snop  }
0x4: {  	_ = 	snop  }
0x5: {  	_ = 	snop  }
0x6: {  	_ = 	snop  }
0x7: {  	_ = 	snop  }
__scs_overlays_trampoline_lowered:
0x8: {  	[smem:$0x3FA1] =	sst s0  }
0x9: {  	[smem:$0x3FA2] =	sst s1  }
0xa: {  	[smem:$0x3FA3] =	sst s2  }
0xb: {  	[smem:$0x3FA4] =	sst s3  }
0xc: {  	[smem:$0x3FA5] =	sst s4  }
0xd: {  	[smem:$0x3FA6] =	sst s5  }
0xe: {  	[smem:$0x3FA7] =	sst s6  }
0xf: {  	[smem:$0x3FA8] =	sst s7  }
0x10: {  	[smem:$0x3FA9] =	sst s8  }
0x11: {  	[smem:$0x3FAA] =	sst s9;
	s0 =	simm.s32 @!p0 $0x0  }
0x12: {  	s1 =	sld [smem:$0x3F90];
	s0 =	simm.s32 @p0 $0x1  }
0x13: {  	[smem:$0x3FAB] =	sst s0;
	s0 =	simm.s32 @!p1 $0x0  }
0x14: {  	s2 =	sld [smem:$0x3F8F];
	s0 =	simm.s32 @p1 $0x1  }
0x15: {  	[smem:$0x3FAC] =	sst s0;
	s0 =	simm.s32 @!p2 $0x0  }
0x16: {  	s3 =	sld [smem:$0x3FDB];
	s0 =	simm.s32 @p2 $0x1  }
0x17: {  	s4 =	simm.s32 $0x1BF5;
	[smem:$0x3FAE] =	sst s0  }
0x18: {  	s0 =	sld [smem:$0x3F91];
	_ =	swait.ge [sflag:s4], $0x0  }
0x19: {  	s7 =	sld [smem:$0x3F92]  }
0x1a: {  	s8 =	sadd.s32 $0xFFFFE003, lr  }
0x1b: {  	s9 =	sadd.s32 $0xFFFFFEF7, lr;
	s5 =	simm.s32 $0xFFFFFFFF;
	p2 =	slt.u32 s8, $0xFFFFF086  }
0x1c: {  	p1 =	slt.u32 s9, $0xF7A;
	s5 =	simm.s32 @!p2 $0x0  }
0x1d: {  	s5 =	simm.s32 @p1 $0x1;
	p0 =	seq.s32 s7, s2  }
0x1e: {  	s7 =	smul.u32 @!p0 $0xF7A, s2;
	p2 =	seq.s32 @!p0 s5, $0x0  }
0x1f: {  	s9 =	smul.u32 $0xF7A, s1;
	s8 =	simm.s32 @!p0 $0x1BF5;
	p2 =	por !p2, p0  }
0x20: {  	[sflag:s8] =	ssyncset.s32 @!p0 $0xFFFFF086;
	s6 =	sadd.s32 @!p0 s3, s7;
	s7 =	simm.s32 @!p0 $0x108  }
0x21: {  	s3 =	sadd.s32 s3, s9;
	s6 =	sadd.s32 @!p0 $0x88, s6;
	s7 =	simm.s32 @p2 $0x1082  }
0x22: {  	[simem:s7], [sflag:s8] =	dma.local @!p0 [hbm:s6], $0xF7A  }
0x23: {  	s9 =	sor.u32 $0xD0000000, s2;
	s6 =	simm.s32 $0x108;
	_ =	swait.ge @!p0 [sflag:s8], $0x0  }
0x24: {  	s3 =	sadd.s32 $0x88, s3;
	s6 =	simm.s32 @!p1 $0x1082;
	[sflag:s4] =	ssyncset.s32 $0xFFFFF086  }
0x25: {  	[simem:s6], [sflag:s4] =	dma.local [hbm:s3], $0xF7A  }
0x26: {  	[smem:$0x3F92] =	sst s1;
	(tag) =	ssettag s2;
	_ =	strace s9  }
0x27: {  	s1 =	sld [smem:$0x3FA2]  }
0x28: {  	s2 =	sld [smem:$0x3FA3]  }
0x29: {  	s4 =	sld [smem:$0x3FA5]  }
0x2a: {  	p0 =	seq.s32 s5, $0x0;
	s5 =	sld [smem:$0x3FA6]  }
0x2b: {  	s6 =	sld [smem:$0x3FA7]  }
0x2c: {  	s7 =	sld [smem:$0x3FA8]  }
0x2d: {  	s3 =	simm.s32 $0x108;
	s8 =	sld [smem:$0x3FA9]  }
0x2e: {  	s3 =	simm.s32 @!p0 $0x1082;
	s9 =	sld [smem:$0x3FAA]  }
0x2f: {  	lr =	sadd.s32 s0, s3;
	s0 =	sld [smem:$0x3FA1]  }
0x30: {  	s3 =	sld [smem:$0x3FA4]  }
0x31: {  	[smem:$0x3FAD] =	sst s10  }
0x32: {  	s10 =	sld [smem:$0x3FAB];
	_ =	sdelay $0x3  }
0x33: {  	p0 =	seq.s32 s10, $0x1;
	s10 =	sld [smem:$0x3FAD];
	_ =	sdelay $0x3  }
0x34: {  	[smem:$0x3FAD] =	sst s10  }
0x35: {  	s10 =	sld [smem:$0x3FAC];
	_ =	sdelay $0x3  }
0x36: {  	p1 =	seq.s32 s10, $0x1;
	s10 =	sld [smem:$0x3FAD];
	_ =	sdelay $0x3  }
0x37: {  	[smem:$0x3FAD] =	sst s10  }
0x38: {  	s10 =	sld [smem:$0x3FAE]  }
0x39: {  	_ = 	snop;
	(pc) =	sbr.ind lr, $3  }
0x3a: {  	_ = 	snop  }
0x3b: {  	_ = 	snop  }
0x3c: {  	p2 =	seq.s32 s10, $0x1;
	s10 =	sld [smem:$0x3FAD]  }
0x3d: {  	_ =	shalt  }
0x3e: {  	_ =	shalt  }
0x3f: {  	_ =	shalt  }
0x40: {  	_ =	shalt  }
0x41: {  	_ =	shalt  }
0x42: {  	_ =	shalt  }
0x43: {  	_ =	shalt  }
0x44: {  	_ =	shalt  }
0x45: {  	_ =	shalt  }
0x46: {  	_ =	shalt  }
0x47: {  	_ =	shalt  }
0x48: {  	_ =	shalt  }
0x49: {  	_ =	shalt  }
0x4a: {  	_ =	shalt  }
0x4b: {  	_ =	shalt  }
0x4c: {  	_ =	shalt  }
0x4d: {  	_ =	shalt  }
0x4e: {  	_ =	shalt  }
0x4f: {  	_ =	shalt  }
0x50: {  	_ =	shalt  }
0x51: {  	_ =	shalt  }
0x52: {  	_ =	shalt  }
0x53: {  	_ =	shalt  }
0x54: {  	_ =	shalt  }
0x55: {  	_ =	shalt  }
0x56: {  	_ =	shalt  }
0x57: {  	_ =	shalt  }
0x58: {  	_ =	shalt  }
0x59: {  	_ =	shalt  }
0x5a: {  	_ =	shalt  }
0x5b: {  	_ =	shalt  }
0x5c: {  	_ =	shalt  }
0x5d: {  	_ =	shalt  }
0x5e: {  	_ =	shalt  }
0x5f: {  	_ =	shalt  }
0x60: {  	_ =	shalt  }
0x61: {  	_ =	shalt  }
0x62: {  	_ =	shalt  }
0x63: {  	_ =	shalt  }
0x64: {  	_ =	shalt  }
0x65: {  	_ =	shalt  }
0x66: {  	_ =	shalt  }
0x67: {  	_ =	shalt  }
0x68: {  	_ =	shalt  }
0x69: {  	_ =	shalt  }
0x6a: {  	_ =	shalt  }
0x6b: {  	_ =	shalt  }
0x6c: {  	_ =	shalt  }
0x6d: {  	_ =	shalt  }
0x6e: {  	_ =	shalt  }
0x6f: {  	_ =	shalt  }
0x70: {  	_ =	shalt  }
0x71: {  	_ =	shalt  }
0x72: {  	_ =	shalt  }
0x73: {  	_ =	shalt  }
0x74: {  	_ =	shalt  }
0x75: {  	_ =	shalt  }
0x76: {  	_ =	shalt  }
0x77: {  	_ =	shalt  }
0x78: {  	_ =	shalt  }
0x79: {  	_ =	shalt  }
0x7a: {  	_ =	shalt  }
0x7b: {  	_ =	shalt  }
0x7c: {  	_ =	shalt  }
0x7d: {  	_ =	shalt  }
0x7e: {  	_ =	shalt  }
0x7f: {  	_ =	shalt  }
0x80: {  	_ =	shalt  }
0x81: {  	_ =	shalt  }
0x82: {  	_ =	shalt  }
0x83: {  	_ =	shalt  }
0x84: {  	_ =	shalt  }
0x85: {  	_ =	shalt  }
0x86: {  	_ =	shalt  }
0x87: {  	_ =	shalt  }
.Lfunc_end0:
.L_simem_size_0:
called_computation_lowered:
.L_overlay_start_0:
0x88: {  	s2 =	sld [smem:$0x3FD9]  }
0x89: {  	s3 =	sld [smem:$0x3FFE];
	_ =	sdelay $0x1  }
0x8a: {  	s1 =	srdreg.scid  }
0x8b: {  	s0 =	sand.u32 $0x1, s1  }
0x8c: {  	s28 =	sshll.u32 s0, $0xA;
	s2 =	sadd.s32 s3, s2  }
0x8d: {  	s2 =	sadd.s32 s2, s28  }
0x8e: {  	[smem:$0x3FB9] =	sst s2  }
0x8f: {  	_ = 	snop  }
0x90: {  	s5 =	sld [smem:$0x3FC7]  }
0x91: {  	s3 =	sld [smem:$0x3FC6]  }
0x92: {  	s2 =	sld [smem:$0x3FC5]  }
0x93: {  	s4 =	sld [smem:$0x3FC4]  }
0x94: {  	s6 =	sld [smem:$0x3FC3]  }
0x95: {  	s7 =	sld [smem:$0x3FD0]  }
0x96: {  	s8 =	sld [smem:$0x3FC2]  }
0x97: {  	s9 =	sld [smem:$0x3FC0]  }
0x98: {  	s11 =	simm.s32 $0xB;
	s12 =	simm.s32 $0x10;
	s10 =	sld [smem:$0x3FBF]  }
0x99: {  	[smem:s12], [sflag:s11] =	dma.local [hbm:s7], $0x1  }
0x9a: {  	_ =	swait.eq [sflag:s11], $0x1  }
0x9b: {  	s29 =	sld [smem:$0x10]  }
0x9c: {  	s30 =	sld [smem:$0x12]  }
0x9d: {  	s13 =	sld [smem:$0x14];
	[sflag:s11] =	ssyncset.done $0x0  }
0x9e: {  	s14 =	sld [smem:$0x15];
	[sflag:s11] =	ssyncadd.s32 $0xFFFFFFFF  }
0x9f: {  	s31 =	sld [smem:$0x17];
	(tm) =	ssettm $0x1  }
0xa0: {  	s15 =	sld [smem:$0x3FFB];
	_ =	sdelay $0x3  }
0xa1: {  	_ =	strace s15  }
0xa2: {  	s15 =	sld [smem:$0x3FFC];
	_ =	sdelay $0x3  }
0xa3: {  	_ =	strace s15  }
0xa4: {  	s15 =	sld [smem:$0x3FFD];
	_ =	sdelay $0x3  }
0xa5: {  	_ =	strace s15  }
0xa6: {  	_ =	strace $0x8FFFFFFF  }
0xa7: {  	s20 =	sld [smem:$0x3FDB];
	_ =	sdelay $0x1  }
0xa8: {  	s16 =	simm.s32 $_scs_section_size  }
0xa9: {  	s17 =	simm.s32 $_size__tile_overlayer_lowered;
	s18 =	simm.s32 $_tile_overlayer_lowered  }
0xaa: {  	s23 =	simm.s32 $0x1BFF;
	s22 =	sshll.u32 s18, $0x1;
	s15 =	sadd.s32 s16, s20  }
0xab: {  	s19 =	simm.s32 $0x0;
	s21 =	sshll.u32 s17, $0x1;
	s17 =	sadd.s32 s22, s15  }
0xac: {  	[timem:s19], [sflag:s23] =	dma.local [hbm:s17], s21  }
0xad: {  	_ =	swait.ge [sflag:s23], s21  }
0xae: {  	s16 =	ssub.s32 $0x0, s21;
	[sflag:s23] =	ssyncset.done $0x0  }
0xaf: {  	[sflag:s23] =	ssyncadd.s32 s16;
	_ =	sdelay $0x1  }
0xb0: {  	s24 =	simm.s32 $0x1B8B  }
0xb1: {  	_ =	swait.ge [sflag:s24], $0x1  }
0xb2: {  	[sflag:s24] =	ssyncset.done $0x0  }
0xb3: {  	s25 =	simm.s32 $0x1B8E;
	[sflag:s24] =	ssyncadd.s32 $0xFFFFFFFF  }
0xb4: {  	s26 =	simm.s32 $execute0_lowered;
	[smem:$0x3FD2] =	sst s25  }
0xb5: {  	s16 =	sshll.u32 s26, $0x1;
	_ =	strace $0x80000046;
	[dreg:$0x1] =	wrdreg $0xFFFFFFFF  }
0xb6: {  	s28 =	simm.s32 $_size_execute0_lowered;
	s15 =	sadd.s32 s15, s16;
	[dreg:$0x0] =	wrdreg $0x0  }
0xb7: {  	s16 =	sshll.u32 s28, $0x1;
	[dreg:$0x2] =	wrdreg s15  }
0xb8: {  	[dreg:$0x3] =	wrdreg s16  }
0xb9: {  	[dreg:$0x4] =	wrdreg $0xC0  }
0xba: {  	_ =	task [dreg:s19], $0x5FFFF  }
0xbb: {  	[dreg:$0x1] =	wrdreg $0xFFFFFFFF  }
0xbc: {  	[dreg:$0x0] =	wrdreg $0x60  }
0xbd: {  	[dreg:$0x2] =	wrdreg s10  }
0xbe: {  	[dreg:$0x3] =	wrdreg s9  }
0xbf: {  	[dreg:$0x4] =	wrdreg s31  }
0xc0: {  	[dreg:$0x5] =	wrdreg s5  }
0xc1: {  	[dreg:$0x6] =	wrdreg s6  }
0xc2: {  	[dreg:$0x7] =	wrdreg s8  }
0xc3: {  	[dreg:$0x8] =	wrdreg s3  }
0xc4: {  	[dreg:$0x9] =	wrdreg s4  }
0xc5: {  	[dreg:$0xa] =	wrdreg s2  }
0xc6: {  	[dreg:$0xb] =	wrdreg s29  }
0xc7: {  	[dreg:$0xc] =	wrdreg s30  }
0xc8: {  	[dreg:$0xd] =	wrdreg s14  }
0xc9: {  	[dreg:$0xe] =	wrdreg s13  }
0xca: {  	[dreg:$0xf] =	wrdreg $0x9  }
0xcb: {  	_ =	task.clear_ibuf [dreg:s19], $0x10FFFF;
	_ =	strace $0x90000046  }
0xcc: {  	s29 =	simm.s32 $0x9;
	_ =	strace $0x80000048  }
0xcd: {  	_ =	swait.ge [sflag:s29], $0x1  }
0xce: {  	[sflag:s29] =	ssyncadd.s32 $0xFFFFFFFF  }
0xcf: {  	_ =	strace $0x90000048  }
0xd0: {  	_ =	sfence  }
0xd1: {  	s30 =	sld [smem:$0x0];
	_ =	sdelay $0x2  }
0xd2: {  	s31 =	sshll.u32 s1, $0xD;
	s1 =	sshrl.u32 s1, $0x2  }
0xd3: {  	s3 =	sand.u32 $0x4000, s31;
	s1 =	sadd.s32 s1, s30  }
0xd4: {  	s0 =	sor.u32 s3, s0;
	s1 =	sshll.u32 s1, $0x11  }
0xd5: {  	s0 =	sor.u32 s1, s0  }
0xd6: {  	s0 =	sadd.s32 $0x8F2B, s0  }
0xd7: {  	[sflag:s0] =	ssyncadd.remote.s32 $0x1  }
0xd8: {  	_ =	sfence.sel $0xFFFF  }
0xd9: {  	[dreg:$0x0] =	wrdreg $0xFFFFFFFF;
	(pc) =	sbr.abs _section_cstart, $3  }
0xda: {  	[dreg:$0x1] =	wrdreg $0xFFFFFFFF  }
0xdb: {  	_ =	task.clear_ibuf [dreg:s19], $0x2FFFF;
	_ =	strace $0x9FFFFFFF  }
0xdc: {  	(tm) =	ssettm $0x7FFFFFFF  }
0xdd: {  	_ =	shalt  }
tec
execute0_lowered:
.L_overlay_start_1:
0x0: {  	(tag) =	ssettag $0x1  }
0x1: {  	s17 =	rddreg [dreg:$0x0]  }
0x2: {  	s1 =	rddreg [dreg:$0x1]  }
0x3: {  	s0 =	rddreg [dreg:$0x2]  }
0x4: {  	s2 =	rddreg [dreg:$0x3]  }
0x5: {  	s3 =	rddreg [dreg:$0x4]  }
0x6: {  	s5 =	rddreg [dreg:$0x5]  }
0x7: {  	s6 =	rddreg [dreg:$0x6]  }
0x8: {  	s7 =	rddreg [dreg:$0x7]  }
0x9: {  	s8 =	rddreg [dreg:$0x8]  }
0xa: {  	s9 =	rddreg [dreg:$0x9]  }
0xb: {  	s10 =	rddreg [dreg:$0xa]  }
0xc: {  	s11 =	rddreg [dreg:$0xb]  }
0xd: {  	s14 =	rddreg [dreg:$0xc]  }
0xe: {  	s4 =	srdreg.scid;
	s15 =	stileid.u32;
	s28 =	simm.s32 $0x9300  }
0xf: {  	s30 =	simm.s32 $0x3100;
	s12 =	sand.u32 $0x1, s4;
	s15 =	sshll.u32 s15, $0x1  }
0x10: {  	s4 =	simm.s32 $0x0;
	s13 =	ssub.s32 $0x2, s12;
	s15 =	sor.u32 s12, s15  }
0x11: {  	[smem:$0x7FF] =	sst s4;
	s16 =	sshrl.u32 s13, $0x1;
	s19 =	smul.u32 $0x600, s15  }
0x12: {  	_ =	strace $0x80000047;
	s12 =	sshll.u32 s15, $0x4;
	s22 =	smul.u32 $0xC000, s15  }
0x13: {  	s23 =	sshll.u32 s15, $0xD;
	s24 =	sshll.u32 s15, $0xB;
	s25 =	smul.u32 $0x1800, s15  }
0x14: {  	s15 =	simm.s32 $0x8500;
	s16 =	ssub.s32 s13, s16;
	s0 =	sadd.s32 s0, s12  }
0x15: {  	s2 =	sadd.s32 s2, s12;
	s3 =	sadd.s32 s3, s12;
	[dreg:$0xe] =	wrdreg s0  }
0x16: {  	s13 =	sadd.s32 s5, s12;
	s18 =	sadd.s32 s6, s12;
	[dreg:$0xf] =	wrdreg s2  }
0x17: {  	s20 =	sadd.s32 s7, s12;
	s21 =	sadd.s32 s8, s12;
	[dreg:$0x10] =	wrdreg s3  }
0x18: {  	s12 =	sadd.s32 $0x100, s17;
	s26 =	sadd.s32 s14, s24;
	[dreg:$0x11] =	wrdreg s13  }
0x19: {  	s24 =	simm.s32 $0x9400;
	s5 =	simm.s32 $0x5500;
	[dreg:$0x12] =	wrdreg s18  }
0x1a: {  	s6 =	simm.s32 $0x5D00;
	s7 =	simm.s32 $0x6100;
	[dreg:$0x13] =	wrdreg s20  }
0x1b: {  	s8 =	simm.s32 $0x6900;
	s14 =	simm.s32 $0x8100;
	[dreg:$0x14] =	wrdreg s21  }
0x1c: {  	s13 =	sadd.s32 $0x200, s17;
	s0 =	sadd.s32 s9, s19;
	s2 =	sadd.s32 s11, s23  }
0x1d: {  	v0 =	vimm.s32 $0xFFEDCBA9;
	v1 =	vimm.s32 $0x87654321;
	[dreg:$0x17] =	wrdreg s26;
	s17 =	sadd.s32 $0x100, s1;
	s29 =	sadd.s32 s10, s25  }
0x1e: {  	v2 =	vunpack.c.l.s4.s8 v0;
	v1 =	vunpack.c.l.s4.s8 v1;
	s31 =	smax.u32 s16, $0x1;
	s21 =	simm.s32 $0x2;
	s23 =	simm.s32 $0x1  }
0x1f: {  	s25 =	simm.s32 $0x9380;
	s26 =	simm.s32 $0x19400;
	s3 =	simm.s32 $0x4500  }
0x20: {  	vm0 =	vmmov $0xffff;
	v4 =	vunpack.c.0.s8.s32 v2;
	v5 =	vunpack.c.0.s8.s32 v1;
	s9 =	simm.s32 $0x6D00;
	s11 =	simm.s32 $0x7900;
	[dreg:$0x15] =	wrdreg s0  }
0x21: {  	v6 =	vimm.s32 $0x0;
	vm1 =	vcmask $0x3F3C;
	v0 =	vlaneseq.u32;
	s16 =	simm.s32 $0x8D00;
	[dreg:$0x16] =	wrdreg s2;
	s0 =	sshrl.u32 s22, $0x3  }
0x22: {  	vm2 =	vmmov $0xff;
	v3 =	vshrl.u32 v0, $0x3;
	v7 =	vcombine.low v5, v4;
	s18 =	simm.s32 $0x0;
	[dreg:$0x18] =	wrdreg s29;
	s0 =	sadd.s32 s10, s0  }
0x23: {  	v1 =	vand.u32 $0x7, v0;
	v2 =	vmul.u32 $0x8, v3;
	v3 =	vor.u32 $0x8, v0;
	[dreg:$0x1a] =	wrdreg s31;
	s22 =	simm.s32 $0x4900;
	s0 =	sadd.s32 $0xC00, s0  }
0x24: {  	v4 =	vimm.f32 $1.000000000e+00;
	v5 =	vimm.f32 $0.0e+00;
	s10 =	simm.s32 $0x7500;
	v7 =	vand.u32 $0xF, v7;
	[dreg:$0x19] =	wrdreg s0;
	s0 =	simm.s32 $0x5100  }
.LBB2_1:
0x25: {  	s2 =	rddreg [dreg:$0xe]  }
0x26: {  	[tilespmem:s4], [sflag:$0x2] =	stream.linear.gather [hbm4b:s2+s4], $0x80, $0x38;
	[tilespmem:$0x1D400] =	vst v63  }
0x27: {  	_ =	swait.ge [sflag:s21], $0x80  }
0x28: {  	[sflag:s21] =	ssyncset.done $0x0  }
0x29: {  	s19 =	simm.s32 $0x80;
	s20 =	rddreg [dreg:$0xf];
	[sflag:s21] =	ssyncadd.s32 $0xFFFFFF80  }
0x2a: {  	[tilespmem:s19], [sflag:$0x2] =	stream.linear.gather [hbm4b:s20+s4], $0x80, $0x38;
	[tilespmem:$0x1D400] =	vst v63  }
0x2b: {  	_ =	swait.ge [sflag:s21], $0x80  }
0x2c: {  	[sflag:s21] =	ssyncset.done $0x0  }
0x2d: {  	s20 =	simm.s32 $0x9100;
	s19 =	rddreg [dreg:$0x10];
	[sflag:s21] =	ssyncadd.s32 $0xFFFFFF80  }
0x2e: {  	[tilespmem:s20], [sflag:$0x2] =	stream.linear.gather [hbm4b:s19+s4], $0x80, $0x38;
	[tilespmem:$0x1D400] =	vst v63  }
0x2f: {  	_ =	swait.ge [sflag:s21], $0x80  }
0x30: {  	[sflag:s21] =	ssyncset.done $0x0  }
0x31: {  	s20 =	simm.s32 $0x9180;
	s19 =	rddreg [dreg:$0x11];
	[sflag:s21] =	ssyncadd.s32 $0xFFFFFF80  }
0x32: {  	[tilespmem:s20], [sflag:$0x2] =	stream.linear.gather [hbm4b:s19+s4], $0x80, $0x38;
	[tilespmem:$0x1D400] =	vst v63  }
0x33: {  	_ =	swait.ge [sflag:s21], $0x80  }
0x34: {  	[sflag:s21] =	ssyncset.done $0x0  }
0x35: {  	s20 =	simm.s32 $0x9200;
	s19 =	rddreg [dreg:$0x12];
	[sflag:s21] =	ssyncadd.s32 $0xFFFFFF80  }
0x36: {  	[tilespmem:s20], [sflag:$0x2] =	stream.linear.gather [hbm4b:s19+s4], $0x80, $0x38;
	[tilespmem:$0x1D400] =	vst v63  }
0x37: {  	_ =	swait.ge [sflag:s21], $0x80  }
0x38: {  	[sflag:s21] =	ssyncset.done $0x0  }
0x39: {  	s20 =	simm.s32 $0x9280;
	s19 =	rddreg [dreg:$0x13];
	[sflag:s21] =	ssyncadd.s32 $0xFFFFFF80  }
0x3a: {  	[tilespmem:s20], [sflag:$0x2] =	stream.linear.gather [hbm4b:s19+s4], $0x80, $0x38;
	[tilespmem:$0x1D400] =	vst v63  }
0x3b: {  	_ =	swait.ge [sflag:s21], $0x80  }
0x3c: {  	[sflag:s21] =	ssyncset.done $0x0  }
0x3d: {  	s19 =	rddreg [dreg:$0x14];
	[sflag:s21] =	ssyncadd.s32 $0xFFFFFF80  }
0x3e: {  	[tilespmem:s28], [sflag:$0x2] =	stream.linear.gather [hbm4b:s19+s4], $0x80, $0x38;
	[tilespmem:$0x1D400] =	vst v63  }
0x3f: {  	_ =	swait.ge [sflag:s21], $0x80  }
0x40: {  	[sflag:s21] =	ssyncset.done $0x0  }
0x41: {  	[sflag:s21] =	ssyncadd.s32 $0xFFFFFF80  }
0x42: {  	v8 =	vld [tilespmem:$0x0];
	_ =	sdelay $0x4  }
0x43: {  	v9 =	vshrl.u32 v8, $0x3  }
0x44: {  	v9 =	vmul.u32 $0x30, v9  }
0x45: {  	v8 =	vand.u32 $0x7, v8  }
0x46: {  	v8 =	vor.u32 v8, v9  }
0x47: {  	v9 =	vperm.xlane v8, v1;
	_ =	sdelay $0x1  }
0x48: {  	v9 =	vadd.s32 v2, v9;
	_ =	sdelay $0x3  }
0x49: {  	s19 =	simm.s32 $0x100;
	s2 =	rddreg [dreg:$0x0];
	v8 =	vperm.xlane v8, v3  }
0x4a: {  	[tilespmem:s19], [sflag:$0x1] =	stream.indirect_vreg.gather [hbm4b:s2+s4], $0x80, v9, vm0, $0xb8;
	[tilespmem:$0x1D400] =	vst v63  }
0x4b: {  	s20 =	simm.s32 $0x900;
	v8 =	vadd.s32 v2, v8  }
0x4c: {  	[tilespmem:s20], [sflag:$0x1] =	stream.indirect_vreg.gather [hbm4b:s12+s4], $0x80, v9, vm0, $0xb8;
	[tilespmem:$0x1D400] =	vst v63  }
0x4d: {  	s20 =	simm.s32 $0x1100  }
0x4e: {  	[tilespmem:s20], [sflag:$0x1] =	stream.indirect_vreg.gather [hbm4b:s13+s4], $0x80, v9, vm0, $0xb8;
	[tilespmem:$0x1D400] =	vst v63  }
0x4f: {  	s20 =	simm.s32 $0x1900  }
0x50: {  	[tilespmem:s20], [sflag:$0x1] =	stream.indirect_vreg.gather [hbm4b:s2+s4], $0x80, v8, vm0, $0xb8;
	[tilespmem:$0x1D400] =	vst v63  }
0x51: {  	s20 =	simm.s32 $0x2100  }
0x52: {  	[tilespmem:s20], [sflag:$0x1] =	stream.indirect_vreg.gather [hbm4b:s12+s4], $0x80, v8, vm0, $0xb8;
	[tilespmem:$0x1D400] =	vst v63  }
0x53: {  	s20 =	simm.s32 $0x2900  }
0x54: {  	[tilespmem:s20], [sflag:$0x1] =	stream.indirect_vreg.gather [hbm4b:s13+s4], $0x80, v8, vm0, $0xb8;
	[tilespmem:$0x1D400] =	vst v63  }
0x55: {  	_ =	swait.ge [sflag:s23], $0x3000  }
0x56: {  	[sflag:s23] =	ssyncset.done $0x0  }
0x57: {  	s20 =	rddreg [dreg:$0x15];
	[sflag:s23] =	ssyncadd.s32 $0xFFFFD000  }
0x58: {  	[hbm4b:s20+s4] =	stream.linear.scatter [tilespmem:s19], [sflag:$0x2], $0x3000, $0x38;
	[tilespmem:$0x1D400] =	vst v63  }
0x59: {  	_ =	swait.ge [sflag:s21], $0x3000  }
0x5a: {  	s19 =	sand.u32 $0xF000, s4;
	s20 =	sand.u32 $0x380, s4;
	[sflag:s21] =	ssyncset.done $0x0  }
0x5b: {  	s29 =	sor.u32 s20, s19;
	[sflag:s21] =	ssyncadd.s32 $0xFFFFD000  }
0x5c: {  	[tilespmem:s29+$0xA070] =	vst v4  }
0x5d: {  	[tilespmem:s29+$0x9400] =	vst v4  }
0x5e: {  	[tilespmem:s29+$0x9410] =	vst v4  }
0x5f: {  	[tilespmem:s29+$0x9420] =	vst v4  }
0x60: {  	[tilespmem:s29+$0x9430] =	vst v4  }
0x61: {  	[tilespmem:s29+$0x9440] =	vst v4  }
0x62: {  	[tilespmem:s29+$0x9450] =	vst v4  }
0x63: {  	[tilespmem:s29+$0x9460] =	vst v4  }
0x64: {  	[tilespmem:s29+$0x9470] =	vst v4  }
0x65: {  	[tilespmem:s29+$0x9800] =	vst v4  }
0x66: {  	[tilespmem:s29+$0x9810] =	vst v4  }
0x67: {  	[tilespmem:s29+$0x9820] =	vst v4  }
0x68: {  	[tilespmem:s29+$0x9830] =	vst v4  }
0x69: {  	[tilespmem:s29+$0x9840] =	vst v4  }
0x6a: {  	[tilespmem:s29+$0x9850] =	vst v4  }
0x6b: {  	[tilespmem:s29+$0x9860] =	vst v4  }
0x6c: {  	[tilespmem:s29+$0x9870] =	vst v4  }
0x6d: {  	[tilespmem:s29+$0x9C00] =	vst v4  }
0x6e: {  	[tilespmem:s29+$0x9C10] =	vst v4  }
0x6f: {  	[tilespmem:s29+$0x9C20] =	vst v4  }
0x70: {  	[tilespmem:s29+$0x9C30] =	vst v4  }
0x71: {  	[tilespmem:s29+$0x9C40] =	vst v4  }
0x72: {  	[tilespmem:s29+$0x9C50] =	vst v4  }
0x73: {  	[tilespmem:s29+$0x9C60] =	vst v4  }
0x74: {  	[tilespmem:s29+$0x9C70] =	vst v4  }
0x75: {  	[tilespmem:s29+$0xA000] =	vst v4  }
0x76: {  	[tilespmem:s29+$0xA010] =	vst v4  }
0x77: {  	[tilespmem:s29+$0xA020] =	vst v4  }
0x78: {  	[tilespmem:s29+$0xA030] =	vst v4  }
0x79: {  	s20 =	simm.s32 $0x200;
	s19 =	simm.s32 $0x80;
	[tilespmem:s29+$0xA040] =	vst v4  }
0x7a: {  	s31 =	sand.u32 $0xF000, s20;
	s2 =	sand.u32 $0x380, s19;
	s20 =	simm.s32 $0x400;
	[tilespmem:s29+$0xA050] =	vst v4  }
.LBB2_2:
0x7b: {  	p0 =	sne.s32 s20, $0xFE00;
	[tilespmem:s29+$0xA060] =	vst v4;
	s29 =	sor.u32 s2, s31  }
0x7c: {  	[tilespmem:s29+$0xA070] =	vst v4  }
0x7d: {  	[tilespmem:s29+$0x9400] =	vst v4  }
0x7e: {  	[tilespmem:s29+$0x9410] =	vst v4  }
0x7f: {  	[tilespmem:s29+$0x9420] =	vst v4  }
0x80: {  	[tilespmem:s29+$0x9430] =	vst v4  }
0x81: {  	[tilespmem:s29+$0x9440] =	vst v4  }
0x82: {  	[tilespmem:s29+$0x9450] =	vst v4  }
0x83: {  	[tilespmem:s29+$0x9460] =	vst v4  }
0x84: {  	[tilespmem:s29+$0x9470] =	vst v4  }
0x85: {  	[tilespmem:s29+$0x9800] =	vst v4  }
0x86: {  	[tilespmem:s29+$0x9810] =	vst v4  }
0x87: {  	[tilespmem:s29+$0x9820] =	vst v4  }
0x88: {  	[tilespmem:s29+$0x9830] =	vst v4  }
0x89: {  	[tilespmem:s29+$0x9840] =	vst v4  }
0x8a: {  	[tilespmem:s29+$0x9850] =	vst v4  }
0x8b: {  	[tilespmem:s29+$0x9860] =	vst v4  }
0x8c: {  	[tilespmem:s29+$0x9870] =	vst v4  }
0x8d: {  	[tilespmem:s29+$0x9C00] =	vst v4  }
0x8e: {  	[tilespmem:s29+$0x9C10] =	vst v4  }
0x8f: {  	[tilespmem:s29+$0x9C20] =	vst v4  }
0x90: {  	[tilespmem:s29+$0x9C30] =	vst v4  }
0x91: {  	[tilespmem:s29+$0x9C40] =	vst v4  }
0x92: {  	[tilespmem:s29+$0x9C50] =	vst v4  }
0x93: {  	[tilespmem:s29+$0x9C60] =	vst v4  }
0x94: {  	[tilespmem:s29+$0x9C70] =	vst v4  }
0x95: {  	[tilespmem:s29+$0xA000] =	vst v4  }
.Ltmp0:
0x96: {  	[tilespmem:s29+$0xA010] =	vst v4;
	(pc) =	sbr.rel @p0 .LBB2_2-.Ltmp0, $4  }
0x97: {  	[tilespmem:s29+$0xA020] =	vst v4  }
0x98: {  	[tilespmem:s29+$0xA030] =	vst v4  }
0x99: {  	s19 =	sadd.s32 $0x80, s19;
	[tilespmem:s29+$0xA040] =	vst v4  }
0x9a: {  	s31 =	sand.u32 $0xF000, s20;
	s20 =	sadd.s32 $0x200, s20;
	s2 =	sand.u32 $0x380, s19;
	[tilespmem:s29+$0xA050] =	vst v4  }
0x9b: {  	s2 =	sor.u32 s2, s31;
	[tilespmem:s29+$0xA060] =	vst v4  }
0x9c: {  	[tilespmem:s2+$0xA070] =	vst v4  }
0x9d: {  	[tilespmem:s2+$0x9400] =	vst v4  }
0x9e: {  	[tilespmem:s2+$0x9410] =	vst v4  }
0x9f: {  	[tilespmem:s2+$0x9420] =	vst v4  }
0xa0: {  	[tilespmem:s2+$0x9430] =	vst v4  }
0xa1: {  	[tilespmem:s2+$0x9440] =	vst v4  }
0xa2: {  	[tilespmem:s2+$0x9450] =	vst v4  }
0xa3: {  	[tilespmem:s2+$0x9460] =	vst v4  }
0xa4: {  	[tilespmem:s2+$0x9470] =	vst v4  }
0xa5: {  	[tilespmem:s2+$0x9800] =	vst v4  }
0xa6: {  	[tilespmem:s2+$0x9810] =	vst v4  }
0xa7: {  	[tilespmem:s2+$0x9820] =	vst v4  }
0xa8: {  	[tilespmem:s2+$0x9830] =	vst v4  }
0xa9: {  	[tilespmem:s2+$0x9840] =	vst v4  }
0xaa: {  	[tilespmem:s2+$0x9850] =	vst v4  }
0xab: {  	[tilespmem:s2+$0x9860] =	vst v4  }
0xac: {  	[tilespmem:s2+$0x9870] =	vst v4  }
0xad: {  	[tilespmem:s2+$0x9C00] =	vst v4  }
0xae: {  	[tilespmem:s2+$0x9C10] =	vst v4  }
0xaf: {  	[tilespmem:s2+$0x9C20] =	vst v4  }
0xb0: {  	[tilespmem:s2+$0x9C30] =	vst v4  }
0xb1: {  	[tilespmem:s2+$0x9C40] =	vst v4  }
0xb2: {  	[tilespmem:s2+$0x9C50] =	vst v4  }
0xb3: {  	[tilespmem:s2+$0x9C60] =	vst v4  }
0xb4: {  	[tilespmem:s2+$0x9C70] =	vst v4  }
0xb5: {  	[tilespmem:s2+$0xA000] =	vst v4  }
0xb6: {  	[tilespmem:s2+$0xA010] =	vst v4  }
0xb7: {  	[tilespmem:s2+$0xA020] =	vst v4  }
0xb8: {  	[tilespmem:s2+$0xA030] =	vst v4  }
0xb9: {  	[tilespmem:s2+$0xA040] =	vst v4  }
0xba: {  	[tilespmem:s2+$0xA050] =	vst v4  }
0xbb: {  	[tilespmem:s2+$0xA060] =	vst v4  }
0xbc: {  	v8 =	vld [tilespmem:$0x9100]  }
0xbd: {  	v9 =	vld [tilespmem:$0x9180];
	_ =	sdelay $0x4  }
0xbe: {  	v10 =	vshll.u32 v8, $0x9;
	v11 =	vshll.u32 v9, $0x3  }
0xbf: {  	v8 =	vshll.u32 v8, $0x7;
	v10 =	vand.u32 $0xFFFFF000, v10;
	v11 =	vand.u32 $0xFFFFFC00, v11  }
0xc0: {  	v8 =	vand.u32 $0x380, v8;
	v10 =	vadd.s32 v10, v11  }
0xc1: {  	v9 =	vand.u32 $0x7F, v9;
	v8 =	vor.u32 v8, v10  }
0xc2: {  	v8 =	vor.u32 v9, v8;
	_ =	sdelay $0x4  }
0xc3: {  	[tilespmem:v8+s24+$0x0] =	vst.idx.msk $0xffff, v5  }
0xc4: {  	v8 =	vld [tilespmem:$0x9110]  }
0xc5: {  	v43 =	vld [tilespmem:$0x9190];
	_ =	sdelay $0x4  }
0xc6: {  	v44 =	vshll.u32 v8, $0x9;
	v45 =	vshll.u32 v43, $0x3  }
0xc7: {  	v8 =	vshll.u32 v8, $0x7;
	v10 =	vand.u32 $0xFFFFF000, v44;
	v11 =	vand.u32 $0xFFFFFC00, v45  }
0xc8: {  	v8 =	vand.u32 $0x380, v8;
	v10 =	vadd.s32 v10, v11  }
0xc9: {  	v9 =	vand.u32 $0x7F, v43;
	v8 =	vor.u32 v8, v10  }
0xca: {  	v8 =	vor.u32 v9, v8;
	_ =	sdelay $0x4  }
0xcb: {  	[tilespmem:v8+s24+$0x0] =	vst.idx.msk $0xffff, v5  }
0xcc: {  	v8 =	vld [tilespmem:$0x9120]  }
0xcd: {  	v46 =	vld [tilespmem:$0x91A0];
	_ =	sdelay $0x4  }
0xce: {  	v47 =	vshll.u32 v8, $0x9;
	v48 =	vshll.u32 v46, $0x3  }
0xcf: {  	v8 =	vshll.u32 v8, $0x7;
	v10 =	vand.u32 $0xFFFFF000, v47;
	v11 =	vand.u32 $0xFFFFFC00, v48  }
0xd0: {  	v8 =	vand.u32 $0x380, v8;
	v10 =	vadd.s32 v10, v11  }
0xd1: {  	v9 =	vand.u32 $0x7F, v46;
	v8 =	vor.u32 v8, v10  }
0xd2: {  	v8 =	vor.u32 v9, v8;
	_ =	sdelay $0x4  }
0xd3: {  	[tilespmem:v8+s24+$0x0] =	vst.idx.msk $0xffff, v5  }
0xd4: {  	v8 =	vld [tilespmem:$0x9130]  }
0xd5: {  	v49 =	vld [tilespmem:$0x91B0];
	_ =	sdelay $0x4  }
0xd6: {  	v50 =	vshll.u32 v8, $0x9;
	v51 =	vshll.u32 v49, $0x3  }
0xd7: {  	v8 =	vshll.u32 v8, $0x7;
	v10 =	vand.u32 $0xFFFFF000, v50;
	v11 =	vand.u32 $0xFFFFFC00, v51  }
0xd8: {  	v8 =	vand.u32 $0x380, v8;
	v10 =	vadd.s32 v10, v11  }
0xd9: {  	v9 =	vand.u32 $0x7F, v49;
	v8 =	vor.u32 v8, v10  }
0xda: {  	v8 =	vor.u32 v9, v8;
	_ =	sdelay $0x4  }
0xdb: {  	[tilespmem:v8+s24+$0x0] =	vst.idx.msk $0xffff, v5  }
0xdc: {  	v8 =	vld [tilespmem:$0x9140]  }
0xdd: {  	v52 =	vld [tilespmem:$0x91C0];
	_ =	sdelay $0x4  }
0xde: {  	v53 =	vshll.u32 v8, $0x9;
	v54 =	vshll.u32 v52, $0x3  }
0xdf: {  	v8 =	vshll.u32 v8, $0x7;
	v10 =	vand.u32 $0xFFFFF000, v53;
	v11 =	vand.u32 $0xFFFFFC00, v54  }
0xe0: {  	v8 =	vand.u32 $0x380, v8;
	v10 =	vadd.s32 v10, v11  }
0xe1: {  	v9 =	vand.u32 $0x7F, v52;
	v8 =	vor.u32 v8, v10  }
0xe2: {  	v8 =	vor.u32 v9, v8;
	_ =	sdelay $0x4  }
0xe3: {  	[tilespmem:v8+s24+$0x0] =	vst.idx.msk $0xffff, v5  }
0xe4: {  	v8 =	vld [tilespmem:$0x9150]  }
0xe5: {  	v55 =	vld [tilespmem:$0x91D0];
	_ =	sdelay $0x4  }
0xe6: {  	v56 =	vshll.u32 v8, $0x9;
	v57 =	vshll.u32 v55, $0x3  }
0xe7: {  	v8 =	vshll.u32 v8, $0x7;
	v10 =	vand.u32 $0xFFFFF000, v56;
	v11 =	vand.u32 $0xFFFFFC00, v57  }
0xe8: {  	v8 =	vand.u32 $0x380, v8;
	v10 =	vadd.s32 v10, v11  }
0xe9: {  	v9 =	vand.u32 $0x7F, v55;
	v8 =	vor.u32 v8, v10  }
0xea: {  	v8 =	vor.u32 v9, v8;
	_ =	sdelay $0x4  }
0xeb: {  	[tilespmem:v8+s24+$0x0] =	vst.idx.msk $0xffff, v5  }
0xec: {  	v8 =	vld [tilespmem:$0x9160]  }
0xed: {  	v58 =	vld [tilespmem:$0x91E0];
	_ =	sdelay $0x4  }
0xee: {  	v59 =	vshll.u32 v8, $0x9;
	v60 =	vshll.u32 v58, $0x3  }
0xef: {  	v8 =	vshll.u32 v8, $0x7;
	v10 =	vand.u32 $0xFFFFF000, v59;
	v11 =	vand.u32 $0xFFFFFC00, v60  }
0xf0: {  	v8 =	vand.u32 $0x380, v8;
	v10 =	vadd.s32 v10, v11  }
0xf1: {  	v9 =	vand.u32 $0x7F, v58;
	v8 =	vor.u32 v8, v10  }
0xf2: {  	v8 =	vor.u32 v9, v8;
	_ =	sdelay $0x4  }
0xf3: {  	[tilespmem:v8+s24+$0x0] =	vst.idx.msk $0xffff, v5  }
0xf4: {  	v8 =	vld [tilespmem:$0x9170]  }
0xf5: {  	v61 =	vld [tilespmem:$0x91F0];
	_ =	sdelay $0x4  }
0xf6: {  	v62 =	vshll.u32 v8, $0x9;
	v63 =	vshll.u32 v61, $0x3  }
0xf7: {  	v8 =	vshll.u32 v8, $0x7;
	v10 =	vand.u32 $0xFFFFF000, v62;
	v11 =	vand.u32 $0xFFFFFC00, v63  }
0xf8: {  	v8 =	vand.u32 $0x380, v8;
	v10 =	vadd.s32 v10, v11  }
0xf9: {  	v9 =	vand.u32 $0x7F, v61;
	v8 =	vor.u32 v8, v10  }
0xfa: {  	v8 =	vor.u32 v9, v8;
	_ =	sdelay $0x4  }
0xfb: {  	s31 =	simm.s32 $0x0;
	s19 =	rddreg [dreg:$0x16];
	[tilespmem:v8+s24+$0x0] =	vst.idx.msk $0xffff, v5  }
0xfc: {  	[hbm4b:s19+s31] =	stream.linear.scatter [tilespmem:s24], [sflag:$0x2], $0x10000, $0x38;
	[tilespmem:$0x1D400] =	vst v63  }
0xfd: {  	_ =	swait.ge [sflag:s21], $0x10000  }
0xfe: {  	[sflag:s21] =	ssyncset.done $0x0  }
0xff: {  	s20 =	simm.s32 $0x200;
	s19 =	simm.s32 $0x0;
	[sflag:s21] =	ssyncadd.s32 $0xFFFF0000  }
.LBB2_4:
0x100: {  	p0 =	sne.s32 s20, $0xFE00;
	[tilespmem:s19+$0x19470] =	vst v6  }
0x101: {  	[tilespmem:s19+$0x19400] =	vst v6  }
0x102: {  	[tilespmem:s19+$0x19410] =	vst v6  }
.Ltmp1:
0x103: {  	[tilespmem:s19+$0x19420] =	vst v6;
	(pc) =	sbr.rel @p0 .LBB2_4-.Ltmp1, $4  }
0x104: {  	[tilespmem:s19+$0x19430] =	vst v6  }
0x105: {  	[tilespmem:s19+$0x19440] =	vst v6  }
0x106: {  	[tilespmem:s19+$0x19450] =	vst v6  }
0x107: {  	[tilespmem:s19+$0x19460] =	vst v6;
	s19 =	sshra.s32 s20, $0x2;
	s20 =	sadd.s32 $0x200, s20  }
0x108: {  	[tilespmem:s19+$0x19470] =	vst v6  }
0x109: {  	[tilespmem:s19+$0x19400] =	vst v6  }
0x10a: {  	[tilespmem:s19+$0x19410] =	vst v6  }
0x10b: {  	[tilespmem:s19+$0x19420] =	vst v6  }
0x10c: {  	[tilespmem:s19+$0x19430] =	vst v6  }
0x10d: {  	[tilespmem:s19+$0x19440] =	vst v6  }
0x10e: {  	[tilespmem:s19+$0x19450] =	vst v6  }
0x10f: {  	[tilespmem:s19+$0x19460] =	vst v6  }
0x110: {  	v8 =	vld [tilespmem:$0x9200]  }
0x111: {  	v9 =	vld [tilespmem:$0x9280];
	_ =	sdelay $0x4  }
0x112: {  	v8 =	vshll.u32 v8, $0xB;
	v9 =	vshll.u32 v9, $0x4  }
0x113: {  	v8 =	vadd.s32 v8, v9  }
0x114: {  	v8 =	vor.u32 v0, v8  }
0x115: {  	(xrf1) =	vsort.ascd.msk.u32 $0xffff, v8, v8;
	_ =	sdelay $0xd  }
0x116: {  	v8, _, _ =	vpop (xrf1)  }
0x117: {  	[tilespmem:$0x9380] =	vst v8  }
0x118: {  	v56 =	vld.idx.msk [tilespmem:v7+s25+$0x0], $0xffff  }
0x119: {  	v12 =	vshra.s32 v8, $0x1F  }
0x11a: {  	v57 =	vshrl.u32 v12, $0x1C  }
0x11b: {  	v61 =	vand.u32 $0x7FF, v8;
	v58 =	vadd.s32 v57, v8  }
0x11c: {  	v60 =	vshrl.u32 v12, $0x15;
	vm5 =	vne.s32 v61, $0x0;
	v13 =	vand.u32 $0xFFFFFFF0, v58  }
0x11d: {  	vm14 =	vne.s32 v8, v13;
	v10 =	vshra.s32 v56, $0x1F;
	v11 =	vand.u32 $0xF, v56  }
0x11e: {  	vm3 =	vlt.s32 v56, $0x1;
	v10 =	vshrl.u32 v10, $0x1C;
	vm4 =	vne.s32 v11, $0x0  }
0x11f: {  	v11 =	vadd.s32 v60, v8;
	v9 =	vadd.s32 v10, v56;
	vm3 =	vmand vm3, vm4  }
0x120: {  	v10 =	vshra.s32 v58, $0x4;
	v59 =	vsel vm3, $0xFFFFFFFF, v6;
	vm3 =	vlt.s32 v8, $0x1  }
0x121: {  	v11 =	vshra.s32 v11, $0xB;
	v8 =	vand.u32 $0xF, v8;
	vm4 =	vmand vm3, vm14  }
0x122: {  	v9 =	vshra.s32 v9, $0x4;
	vm3 =	vmand vm3, vm5;
	v62 =	vsel vm4, $0xFFFFFFFF, v6  }
0x123: {  	v9 =	vadd.s32 v59, v9;
	v63 =	vsel vm3, $0xFFFFFFFF, v6;
	v10 =	vadd.s32 v62, v10  }
0x124: {  	v14 =	vadd.s32 v63, v11;
	vm3 =	vne.s32 v9, v10  }
0x125: {  	v10 =	vand.u32 $0x7F, v10;
	v9 =	vshll.u32 v14, $0x7;
	vm3 =	vmor vm3, vm1  }
0x126: {  	v8 =	vld.idx.msk [tilespmem:v8+s28+$0x0], $0xffff;
	v9 =	vor.u32 v10, v9;
	_ =	sdelay $0x4  }
0x127: {  	[tilespmem:v9+s26+$0x0] =	vst.idx.msk vm3, v8  }
0x128: {  	v8 =	vld [tilespmem:$0x9210]  }
0x129: {  	v9 =	vld [tilespmem:$0x9290];
	_ =	sdelay $0x4  }
0x12a: {  	v8 =	vshll.u32 v8, $0xB;
	v9 =	vshll.u32 v9, $0x4  }
0x12b: {  	v8 =	vadd.s32 v8, v9  }
0x12c: {  	v8 =	vor.u32 v0, v8  }
0x12d: {  	(xrf1) =	vsort.ascd.msk.u32 $0xffff, v8, v8;
	_ =	sdelay $0xd  }
0x12e: {  	v8, _, _ =	vpop (xrf1)  }
0x12f: {  	[tilespmem:$0x9380] =	vst v8  }
0x130: {  	v15 =	vld.idx.msk [tilespmem:v7+s25+$0x0], $0xffff;
	_ =	sdelay $0x2  }
0x131: {  	v18 =	vshra.s32 v8, $0x1F;
	v22 =	vand.u32 $0xF, v8  }
0x132: {  	v19 =	vshrl.u32 v18, $0x1C;
	v11 =	vshrl.u32 v18, $0x15;
	v12 =	vor.u32 $0x10, v22  }
0x133: {  	v11 =	vadd.s32 v11, v8;
	v16 =	vshra.s32 v15, $0x1F;
	v17 =	vand.u32 $0xF, v15  }
0x134: {  	vm3 =	vlt.s32 v15, $0x1;
	v10 =	vshrl.u32 v16, $0x1C;
	vm15 =	vne.s32 v17, $0x0  }
0x135: {  	v9 =	vadd.s32 v10, v15;
	vm3 =	vmand vm3, vm15;
	v10 =	vadd.s32 v19, v8  }
0x136: {  	v24 =	vshra.s32 v11, $0xB;
	v20 =	vsel vm3, $0xFFFFFFFF, v6;
	v21 =	vand.u32 $0xFFFFFFF0, v10  }
0x137: {  	vm3 =	vlt.s32 v8, $0x1;
	vm8 =	vne.s32 v8, v21;
	v8 =	vand.u32 $0x7FF, v8  }
0x138: {  	v9 =	vshra.s32 v9, $0x4;
	vm4 =	vmand vm3, vm8;
	vm9 =	vne.s32 v8, $0x0  }
0x139: {  	v8 =	vshra.s32 v10, $0x4;
	v23 =	vsel vm4, $0xFFFFFFFF, v6;
	vm3 =	vmand vm3, vm9  }
0x13a: {  	v9 =	vadd.s32 v20, v9;
	v8 =	vadd.s32 v23, v8;
	v25 =	vsel vm3, $0xFFFFFFFF, v6  }
0x13b: {  	vm3 =	vne.s32 v9, v8;
	v26 =	vadd.s32 v25, v24  }
0x13c: {  	v8 =	vand.u32 $0x7F, v8;
	vm3 =	vmor vm3, vm1;
	v9 =	vshll.u32 v26, $0x7  }
0x13d: {  	v27 =	vld.idx.msk [tilespmem:v12+s28+$0x0], $0xffff;
	v8 =	vor.u32 v8, v9;
	_ =	sdelay $0x4  }
0x13e: {  	[tilespmem:v8+s26+$0x0] =	vst.idx.msk vm3, v27  }
0x13f: {  	v8 =	vld [tilespmem:$0x9220]  }
0x140: {  	v28 =	vld [tilespmem:$0x92A0];
	_ =	sdelay $0x4  }
0x141: {  	v8 =	vshll.u32 v8, $0xB;
	v9 =	vshll.u32 v28, $0x4  }
0x142: {  	v8 =	vadd.s32 v8, v9  }
0x143: {  	v8 =	vor.u32 v0, v8  }
0x144: {  	(xrf1) =	vsort.ascd.msk.u32 $0xffff, v8, v8;
	_ =	sdelay $0xd  }
0x145: {  	v8, _, _ =	vpop (xrf1)  }
0x146: {  	[tilespmem:$0x9380] =	vst v8  }
0x147: {  	v29 =	vld.idx.msk [tilespmem:v7+s25+$0x0], $0xffff;
	_ =	sdelay $0x2  }
0x148: {  	v32 =	vshra.s32 v8, $0x1F;
	v36 =	vand.u32 $0xF, v8  }
0x149: {  	v33 =	vshrl.u32 v32, $0x1C;
	v11 =	vshrl.u32 v32, $0x15;
	v12 =	vor.u32 $0x20, v36  }
0x14a: {  	v11 =	vadd.s32 v11, v8;
	v30 =	vshra.s32 v29, $0x1F;
	v31 =	vand.u32 $0xF, v29  }
0x14b: {  	vm3 =	vlt.s32 v29, $0x1;
	v10 =	vshrl.u32 v30, $0x1C;
	vm10 =	vne.s32 v31, $0x0  }
0x14c: {  	v9 =	vadd.s32 v10, v29;
	vm3 =	vmand vm3, vm10;
	v10 =	vadd.s32 v33, v8  }
0x14d: {  	v38 =	vshra.s32 v11, $0xB;
	v34 =	vsel vm3, $0xFFFFFFFF, v6;
	v35 =	vand.u32 $0xFFFFFFF0, v10  }
0x14e: {  	vm3 =	vlt.s32 v8, $0x1;
	vm11 =	vne.s32 v8, v35;
	v8 =	vand.u32 $0x7FF, v8  }
0x14f: {  	v9 =	vshra.s32 v9, $0x4;
	vm4 =	vmand vm3, vm11;
	vm12 =	vne.s32 v8, $0x0  }
0x150: {  	v8 =	vshra.s32 v10, $0x4;
	v37 =	vsel vm4, $0xFFFFFFFF, v6;
	vm3 =	vmand vm3, vm12  }
0x151: {  	v9 =	vadd.s32 v34, v9;
	v8 =	vadd.s32 v37, v8;
	v39 =	vsel vm3, $0xFFFFFFFF, v6  }
0x152: {  	vm3 =	vne.s32 v9, v8;
	v40 =	vadd.s32 v39, v38  }
0x153: {  	v8 =	vand.u32 $0x7F, v8;
	vm3 =	vmor vm3, vm1;
	v9 =	vshll.u32 v40, $0x7  }
0x154: {  	v41 =	vld.idx.msk [tilespmem:v12+s28+$0x0], $0xffff;
	v8 =	vor.u32 v8, v9;
	_ =	sdelay $0x4  }
0x155: {  	[tilespmem:v8+s26+$0x0] =	vst.idx.msk vm3, v41  }
0x156: {  	v8 =	vld [tilespmem:$0x9230]  }
0x157: {  	v42 =	vld [tilespmem:$0x92B0];
	_ =	sdelay $0x4  }
0x158: {  	v8 =	vshll.u32 v8, $0xB;
	v9 =	vshll.u32 v42, $0x4  }
0x159: {  	v8 =	vadd.s32 v8, v9  }
0x15a: {  	v8 =	vor.u32 v0, v8  }
0x15b: {  	(xrf1) =	vsort.ascd.msk.u32 $0xffff, v8, v8;
	_ =	sdelay $0xd  }
0x15c: {  	v8, _, _ =	vpop (xrf1)  }
0x15d: {  	[tilespmem:$0x9380] =	vst v8  }
0x15e: {  	v43 =	vld.idx.msk [tilespmem:v7+s25+$0x0], $0xffff;
	_ =	sdelay $0x2  }
0x15f: {  	v46 =	vshra.s32 v8, $0x1F;
	v50 =	vand.u32 $0xF, v8  }
0x160: {  	v47 =	vshrl.u32 v46, $0x1C;
	v11 =	vshrl.u32 v46, $0x15;
	v12 =	vor.u32 $0x30, v50  }
0x161: {  	v11 =	vadd.s32 v11, v8;
	v44 =	vshra.s32 v43, $0x1F;
	v45 =	vand.u32 $0xF, v43  }
0x162: {  	vm3 =	vlt.s32 v43, $0x1;
	v10 =	vshrl.u32 v44, $0x1C;
	vm13 =	vne.s32 v45, $0x0  }
0x163: {  	v9 =	vadd.s32 v10, v43;
	vm3 =	vmand vm3, vm13;
	v10 =	vadd.s32 v47, v8  }
0x164: {  	v52 =	vshra.s32 v11, $0xB;
	v48 =	vsel vm3, $0xFFFFFFFF, v6;
	v49 =	vand.u32 $0xFFFFFFF0, v10  }
0x165: {  	vm3 =	vlt.s32 v8, $0x1;
	vm14 =	vne.s32 v8, v49;
	v8 =	vand.u32 $0x7FF, v8  }
0x166: {  	v9 =	vshra.s32 v9, $0x4;
	vm4 =	vmand vm3, vm14;
	vm15 =	vne.s32 v8, $0x0  }
0x167: {  	v8 =	vshra.s32 v10, $0x4;
	vm3 =	vmand vm3, vm15;
	v51 =	vsel vm4, $0xFFFFFFFF, v6  }
0x168: {  	v9 =	vadd.s32 v48, v9;
	v8 =	vadd.s32 v51, v8;
	v53 =	vsel vm3, $0xFFFFFFFF, v6  }
0x169: {  	vm3 =	vne.s32 v9, v8;
	v54 =	vadd.s32 v53, v52  }
0x16a: {  	v8 =	vand.u32 $0x7F, v8;
	vm3 =	vmor vm3, vm1;
	v9 =	vshll.u32 v54, $0x7  }
0x16b: {  	v55 =	vld.idx.msk [tilespmem:v12+s28+$0x0], $0xffff;
	v8 =	vor.u32 v8, v9;
	_ =	sdelay $0x4  }
0x16c: {  	s2 =	rddreg [dreg:$0x17];
	[tilespmem:v8+s26+$0x0] =	vst.idx.msk vm3, v55  }
0x16d: {  	[hbm4b:s2+s4] =	stream.linear.scatter [tilespmem:s26], [sflag:$0x2], $0x4000, $0x38;
	[tilespmem:$0x1D400] =	vst v63  }
0x16e: {  	_ =	swait.ge [sflag:s21], $0x4000  }
0x16f: {  	[sflag:s21] =	ssyncset.done $0x0  }
0x170: {  	[sflag:s21] =	ssyncadd.s32 $0xFFFFC000  }
0x171: {  	v8 =	vld [tilespmem:$0x80];
	_ =	sdelay $0x4  }
0x172: {  	v56 =	vshrl.u32 v8, $0x3  }
0x173: {  	v9 =	vmul.u32 $0x18, v56  }
0x174: {  	v8 =	vand.u32 $0x7, v8  }
0x175: {  	v8 =	vor.u32 v8, v9  }
0x176: {  	v9 =	vperm.xlane v8, v1;
	_ =	sdelay $0x1  }
0x177: {  	v9 =	vadd.s32 v2, v9;
	_ =	sdelay $0x1  }
0x178: {  	v8 =	vperm.xlane v8, v3;
	_ =	sdelay $0x1  }
0x179: {  	v8 =	vadd.s32 v2, v8  }
0x17a: {  	[tilespmem:s30], [sflag:$0x1] =	stream.indirect_vreg.gather [hbm4b:s1+s4], $0x80, v9, vm0, $0xb8;
	[tilespmem:$0x1D400] =	vst v63  }
0x17b: {  	s29 =	simm.s32 $0x3900  }
0x17c: {  	[tilespmem:s29], [sflag:$0x1] =	stream.indirect_vreg.gather [hbm4b:s17+s4], $0x80, v9, vm2, $0xb8;
	[tilespmem:$0x1D400] =	vst v63  }
0x17d: {  	s20 =	simm.s32 $0x3D00  }
0x17e: {  	[tilespmem:s20], [sflag:$0x1] =	stream.indirect_vreg.gather [hbm4b:s1+s4], $0x80, v8, vm0, $0xb8;
	[tilespmem:$0x1D400] =	vst v63  }
0x17f: {  	_ = 	snop  }
0x180: {  	[tilespmem:s3], [sflag:$0x1] =	stream.indirect_vreg.gather [hbm4b:s17+s4], $0x80, v8, vm2, $0xb8;
	[tilespmem:$0x1D400] =	vst v63  }
0x181: {  	v8 =	vld [tilespmem:$0x90];
	_ =	sdelay $0x4  }
0x182: {  	v57 =	vshrl.u32 v8, $0x3  }
0x183: {  	v9 =	vmul.u32 $0x18, v57  }
0x184: {  	v8 =	vand.u32 $0x7, v8  }
0x185: {  	v8 =	vor.u32 v8, v9  }
0x186: {  	v9 =	vperm.xlane v8, v1;
	_ =	sdelay $0x1  }
0x187: {  	v9 =	vadd.s32 v2, v9;
	_ =	sdelay $0x1  }
0x188: {  	v8 =	vperm.xlane v8, v3;
	_ =	sdelay $0x1  }
0x189: {  	v8 =	vadd.s32 v2, v8  }
0x18a: {  	[tilespmem:s22], [sflag:$0x1] =	stream.indirect_vreg.gather [hbm4b:s1+s4], $0x80, v9, vm0, $0xb8;
	[tilespmem:$0x1D400] =	vst v63  }
0x18b: {  	_ = 	snop  }
0x18c: {  	[tilespmem:s0], [sflag:$0x1] =	stream.indirect_vreg.gather [hbm4b:s17+s4], $0x80, v9, vm2, $0xb8;
	[tilespmem:$0x1D400] =	vst v63  }
0x18d: {  	_ = 	snop  }
0x18e: {  	[tilespmem:s5], [sflag:$0x1] =	stream.indirect_vreg.gather [hbm4b:s1+s4], $0x80, v8, vm0, $0xb8;
	[tilespmem:$0x1D400] =	vst v63  }
0x18f: {  	_ = 	snop  }
0x190: {  	[tilespmem:s6], [sflag:$0x1] =	stream.indirect_vreg.gather [hbm4b:s17+s4], $0x80, v8, vm2, $0xb8;
	[tilespmem:$0x1D400] =	vst v63  }
0x191: {  	v8 =	vld [tilespmem:$0xA0];
	_ =	sdelay $0x4  }
0x192: {  	v58 =	vshrl.u32 v8, $0x3  }
0x193: {  	v9 =	vmul.u32 $0x18, v58  }
0x194: {  	v8 =	vand.u32 $0x7, v8  }
0x195: {  	v8 =	vor.u32 v8, v9  }
0x196: {  	v9 =	vperm.xlane v8, v1;
	_ =	sdelay $0x1  }
0x197: {  	v9 =	vadd.s32 v2, v9;
	_ =	sdelay $0x1  }
0x198: {  	v8 =	vperm.xlane v8, v3;
	_ =	sdelay $0x1  }
0x199: {  	v8 =	vadd.s32 v2, v8  }
0x19a: {  	[tilespmem:s7], [sflag:$0x1] =	stream.indirect_vreg.gather [hbm4b:s1+s4], $0x80, v9, vm0, $0xb8;
	[tilespmem:$0x1D400] =	vst v63  }
0x19b: {  	_ = 	snop  }
0x19c: {  	[tilespmem:s8], [sflag:$0x1] =	stream.indirect_vreg.gather [hbm4b:s17+s4], $0x80, v9, vm2, $0xb8;
	[tilespmem:$0x1D400] =	vst v63  }
0x19d: {  	_ = 	snop  }
0x19e: {  	[tilespmem:s9], [sflag:$0x1] =	stream.indirect_vreg.gather [hbm4b:s1+s4], $0x80, v8, vm0, $0xb8;
	[tilespmem:$0x1D400] =	vst v63  }
0x19f: {  	_ = 	snop  }
0x1a0: {  	[tilespmem:s10], [sflag:$0x1] =	stream.indirect_vreg.gather [hbm4b:s17+s4], $0x80, v8, vm2, $0xb8;
	[tilespmem:$0x1D400] =	vst v63  }
0x1a1: {  	v8 =	vld [tilespmem:$0xB0];
	_ =	sdelay $0x4  }
0x1a2: {  	v59 =	vshrl.u32 v8, $0x3  }
0x1a3: {  	v9 =	vmul.u32 $0x18, v59  }
0x1a4: {  	v8 =	vand.u32 $0x7, v8  }
0x1a5: {  	v8 =	vor.u32 v8, v9  }
0x1a6: {  	v9 =	vperm.xlane v8, v1;
	_ =	sdelay $0x1  }
0x1a7: {  	v9 =	vadd.s32 v2, v9;
	_ =	sdelay $0x1  }
0x1a8: {  	v8 =	vperm.xlane v8, v3;
	_ =	sdelay $0x1  }
0x1a9: {  	v8 =	vadd.s32 v2, v8  }
0x1aa: {  	[tilespmem:s11], [sflag:$0x1] =	stream.indirect_vreg.gather [hbm4b:s1+s4], $0x80, v9, vm0, $0xb8;
	[tilespmem:$0x1D400] =	vst v63  }
0x1ab: {  	_ = 	snop  }
0x1ac: {  	[tilespmem:s14], [sflag:$0x1] =	stream.indirect_vreg.gather [hbm4b:s17+s4], $0x80, v9, vm2, $0xb8;
	[tilespmem:$0x1D400] =	vst v63  }
0x1ad: {  	_ = 	snop  }
0x1ae: {  	[tilespmem:s15], [sflag:$0x1] =	stream.indirect_vreg.gather [hbm4b:s1+s4], $0x80, v8, vm0, $0xb8;
	[tilespmem:$0x1D400] =	vst v63  }
0x1af: {  	_ = 	snop  }
0x1b0: {  	[tilespmem:s16], [sflag:$0x1] =	stream.indirect_vreg.gather [hbm4b:s17+s4], $0x80, v8, vm2, $0xb8;
	[tilespmem:$0x1D400] =	vst v63  }
0x1b1: {  	_ =	swait.ge [sflag:s23], $0x6000  }
0x1b2: {  	[sflag:s23] =	ssyncset.done $0x0  }
0x1b3: {  	s31 =	rddreg [dreg:$0x18];
	[sflag:s23] =	ssyncadd.s32 $0xFFFFA000  }
0x1b4: {  	[hbm4b:s31+s4] =	stream.linear.scatter [tilespmem:s30], [sflag:$0x2], $0x6000, $0x38;
	[tilespmem:$0x1D400] =	vst v63  }
0x1b5: {  	_ =	swait.ge [sflag:s21], $0x6000  }
0x1b6: {  	[sflag:s21] =	ssyncset.done $0x0  }
0x1b7: {  	[sflag:s21] =	ssyncadd.s32 $0xFFFFA000  }
0x1b8: {  	v8 =	vld [tilespmem:$0xC0];
	_ =	sdelay $0x4  }
0x1b9: {  	v60 =	vshrl.u32 v8, $0x3  }
0x1ba: {  	v9 =	vmul.u32 $0x18, v60  }
0x1bb: {  	v8 =	vand.u32 $0x7, v8  }
0x1bc: {  	v8 =	vor.u32 v8, v9  }
0x1bd: {  	v9 =	vperm.xlane v8, v1;
	_ =	sdelay $0x1  }
0x1be: {  	v9 =	vadd.s32 v2, v9;
	_ =	sdelay $0x1  }
0x1bf: {  	v8 =	vperm.xlane v8, v3;
	_ =	sdelay $0x1  }
0x1c0: {  	v8 =	vadd.s32 v2, v8  }
0x1c1: {  	[tilespmem:s30], [sflag:$0x1] =	stream.indirect_vreg.gather [hbm4b:s1+s4], $0x80, v9, vm0, $0xb8;
	[tilespmem:$0x1D400] =	vst v63  }
0x1c2: {  	_ = 	snop  }
0x1c3: {  	[tilespmem:s29], [sflag:$0x1] =	stream.indirect_vreg.gather [hbm4b:s17+s4], $0x80, v9, vm2, $0xb8;
	[tilespmem:$0x1D400] =	vst v63  }
0x1c4: {  	_ = 	snop  }
0x1c5: {  	[tilespmem:s20], [sflag:$0x1] =	stream.indirect_vreg.gather [hbm4b:s1+s4], $0x80, v8, vm0, $0xb8;
	[tilespmem:$0x1D400] =	vst v63  }
0x1c6: {  	_ = 	snop  }
0x1c7: {  	[tilespmem:s3], [sflag:$0x1] =	stream.indirect_vreg.gather [hbm4b:s17+s4], $0x80, v8, vm2, $0xb8;
	[tilespmem:$0x1D400] =	vst v63  }
0x1c8: {  	v8 =	vld [tilespmem:$0xD0];
	_ =	sdelay $0x4  }
0x1c9: {  	v61 =	vshrl.u32 v8, $0x3  }
0x1ca: {  	v9 =	vmul.u32 $0x18, v61  }
0x1cb: {  	v8 =	vand.u32 $0x7, v8  }
0x1cc: {  	v8 =	vor.u32 v8, v9  }
0x1cd: {  	v9 =	vperm.xlane v8, v1;
	_ =	sdelay $0x1  }
0x1ce: {  	v9 =	vadd.s32 v2, v9;
	_ =	sdelay $0x1  }
0x1cf: {  	v8 =	vperm.xlane v8, v3;
	_ =	sdelay $0x1  }
0x1d0: {  	v8 =	vadd.s32 v2, v8  }
0x1d1: {  	[tilespmem:s22], [sflag:$0x1] =	stream.indirect_vreg.gather [hbm4b:s1+s4], $0x80, v9, vm0, $0xb8;
	[tilespmem:$0x1D400] =	vst v63  }
0x1d2: {  	_ = 	snop  }
0x1d3: {  	[tilespmem:s0], [sflag:$0x1] =	stream.indirect_vreg.gather [hbm4b:s17+s4], $0x80, v9, vm2, $0xb8;
	[tilespmem:$0x1D400] =	vst v63  }
0x1d4: {  	_ = 	snop  }
0x1d5: {  	[tilespmem:s5], [sflag:$0x1] =	stream.indirect_vreg.gather [hbm4b:s1+s4], $0x80, v8, vm0, $0xb8;
	[tilespmem:$0x1D400] =	vst v63  }
0x1d6: {  	_ = 	snop  }
0x1d7: {  	[tilespmem:s6], [sflag:$0x1] =	stream.indirect_vreg.gather [hbm4b:s17+s4], $0x80, v8, vm2, $0xb8;
	[tilespmem:$0x1D400] =	vst v63  }
0x1d8: {  	v8 =	vld [tilespmem:$0xE0];
	_ =	sdelay $0x4  }
0x1d9: {  	v62 =	vshrl.u32 v8, $0x3  }
0x1da: {  	v9 =	vmul.u32 $0x18, v62  }
0x1db: {  	v8 =	vand.u32 $0x7, v8  }
0x1dc: {  	v8 =	vor.u32 v8, v9  }
0x1dd: {  	v9 =	vperm.xlane v8, v1;
	_ =	sdelay $0x1  }
0x1de: {  	v9 =	vadd.s32 v2, v9;
	_ =	sdelay $0x1  }
0x1df: {  	v8 =	vperm.xlane v8, v3;
	_ =	sdelay $0x1  }
0x1e0: {  	v8 =	vadd.s32 v2, v8  }
0x1e1: {  	[tilespmem:s7], [sflag:$0x1] =	stream.indirect_vreg.gather [hbm4b:s1+s4], $0x80, v9, vm0, $0xb8;
	[tilespmem:$0x1D400] =	vst v63  }
0x1e2: {  	_ = 	snop  }
0x1e3: {  	[tilespmem:s8], [sflag:$0x1] =	stream.indirect_vreg.gather [hbm4b:s17+s4], $0x80, v9, vm2, $0xb8;
	[tilespmem:$0x1D400] =	vst v63  }
0x1e4: {  	_ = 	snop  }
0x1e5: {  	[tilespmem:s9], [sflag:$0x1] =	stream.indirect_vreg.gather [hbm4b:s1+s4], $0x80, v8, vm0, $0xb8;
	[tilespmem:$0x1D400] =	vst v63  }
0x1e6: {  	_ = 	snop  }
0x1e7: {  	[tilespmem:s10], [sflag:$0x1] =	stream.indirect_vreg.gather [hbm4b:s17+s4], $0x80, v8, vm2, $0xb8;
	[tilespmem:$0x1D400] =	vst v63  }
0x1e8: {  	v8 =	vld [tilespmem:$0xF0];
	_ =	sdelay $0x4  }
0x1e9: {  	v63 =	vshrl.u32 v8, $0x3  }
0x1ea: {  	v9 =	vmul.u32 $0x18, v63  }
0x1eb: {  	v8 =	vand.u32 $0x7, v8  }
0x1ec: {  	v8 =	vor.u32 v8, v9  }
0x1ed: {  	v9 =	vperm.xlane v8, v1;
	_ =	sdelay $0x1  }
0x1ee: {  	v9 =	vadd.s32 v2, v9;
	_ =	sdelay $0x1  }
0x1ef: {  	v8 =	vperm.xlane v8, v3;
	_ =	sdelay $0x1  }
0x1f0: {  	v8 =	vadd.s32 v2, v8  }
0x1f1: {  	[tilespmem:s11], [sflag:$0x1] =	stream.indirect_vreg.gather [hbm4b:s1+s4], $0x80, v9, vm0, $0xb8;
	[tilespmem:$0x1D400] =	vst v63  }
0x1f2: {  	_ = 	snop  }
0x1f3: {  	[tilespmem:s14], [sflag:$0x1] =	stream.indirect_vreg.gather [hbm4b:s17+s4], $0x80, v9, vm2, $0xb8;
	[tilespmem:$0x1D400] =	vst v63  }
0x1f4: {  	_ = 	snop  }
0x1f5: {  	[tilespmem:s15], [sflag:$0x1] =	stream.indirect_vreg.gather [hbm4b:s1+s4], $0x80, v8, vm0, $0xb8;
	[tilespmem:$0x1D400] =	vst v63  }
0x1f6: {  	_ = 	snop  }
0x1f7: {  	[tilespmem:s16], [sflag:$0x1] =	stream.indirect_vreg.gather [hbm4b:s17+s4], $0x80, v8, vm2, $0xb8;
	[tilespmem:$0x1D400] =	vst v63  }
0x1f8: {  	_ =	swait.ge [sflag:s23], $0x6000  }
0x1f9: {  	[sflag:s23] =	ssyncset.done $0x0  }
0x1fa: {  	s29 =	rddreg [dreg:$0x19];
	[sflag:s23] =	ssyncadd.s32 $0xFFFFA000  }
0x1fb: {  	[hbm4b:s29+s4] =	stream.linear.scatter [tilespmem:s30], [sflag:$0x2], $0x6000, $0x38;
	[tilespmem:$0x1D400] =	vst v63  }
0x1fc: {  	_ =	swait.ge [sflag:s21], $0x6000  }
0x1fd: {  	s18 =	sadd.s32 $0x1, s18;
	s31 =	rddreg [dreg:$0x1a]  }
0x1fe: {  	p0 =	sne.s32 s18, s31  }
.Ltmp2:
0x1ff: {  	_ = 	snop;
	(pc) =	sbr.rel @p0 .LBB2_1-.Ltmp2, $3  }
0x200: {  	_ =	sdelay $0x1  }
0x201: {  	[sflag:s21] =	ssyncset.done $0x0  }
0x202: {  	[sflag:s21] =	ssyncadd.s32 $0xFFFFA000  }
0x203: {  	_ =	sfence.sel $0x180000  }
0x204: {  	[bflag:$0x0] =	sbarrier.arrive $0xFFFF  }
0x205: {  	_ =	strace $0x90000047  }
0x206: {  	s0 =	stileid.u32;
	[bflag:$0x2] =	sbarrier.arrive $0xFFFF  }
0x207: {  	p0 =	sne.s32 s0, $0x0;
	s0 =	rddreg [dreg:$0xd]  }
0x208: {  	s0 =	sadd.s32 @!p0 $0x100000, s0  }
0x209: {  	[sflag:s0] =	ssyncadd.tile.s32 @!p0 $0x1;
	_ =	shalt  }
.Lfunc_end2:
_tile_overlayer_lowered:
.L_overlay_start_2:
0x20a: {  	(tag) =	ssettag $0x2  }
0x20b: {  	s0 =	rddreg [dreg:$0x0];
	s2 =	stileid.u32  }
0x20c: {  	s1 =	rddreg [dreg:$0x1];
	p0 =	sne.s32 s2, $0x0  }
0x20d: {  	s3 =	rddreg [dreg:$0x2];
	[bflag:$0x3] =	sbarrier.arrive $0xFFFF;
	s2 =	simm.s32 @!p0 $0x1C02  }
0x20e: {  	[timem:s3], [sflag:s2] =	dma.local @!p0 [hbm:s0], s1  }
0x20f: {  	s0 =	simm.s32 @!p0 $0x2  }
0x210: {  	_ =	swait.ge @!p0 [sflag:s0], s1  }
0x211: {  	s1 =	ssub.s32 @!p0 $0x0, s1;
	[sflag:s0] =	ssyncset.done @!p0 $0x0  }
0x212: {  	[sflag:s0] =	ssyncadd.s32 @!p0 s1  }
0x213: {  	[bflag:$0x3] =	sbarrier.arrive $0xFFFF  }
0x214: {  	_ =	shalt  }

// kernel: kernel.8.cloned.1.call-start
scs
__scs_entry_jumppad:
0x0: {  	(pc) =	sbr.rel $0x88, $3  }
0x1: {  	(tag) =	ssettag $0x0;
	lr =	simm.s32 $0x1  }
0x2: {  	[smem:$0x3F92] =	sst lr;
	_ =	strace $0xD0000000  }
0x3: {  	_ = 	snop  }
0x4: {  	_ = 	snop  }
0x5: {  	_ = 	snop  }
0x6: {  	_ = 	snop  }
0x7: {  	_ = 	snop  }
__scs_overlays_trampoline_lowered:
0x8: {  	[smem:$0x3FA1] =	sst s0  }
0x9: {  	[smem:$0x3FA2] =	sst s1  }
0xa: {  	[smem:$0x3FA3] =	sst s2  }
0xb: {  	[smem:$0x3FA4] =	sst s3  }
0xc: {  	[smem:$0x3FA5] =	sst s4  }
0xd: {  	[smem:$0x3FA6] =	sst s5  }
0xe: {  	[smem:$0x3FA7] =	sst s6  }
0xf: {  	[smem:$0x3FA8] =	sst s7  }
0x10: {  	[smem:$0x3FA9] =	sst s8  }
0x11: {  	[smem:$0x3FAA] =	sst s9;
	s0 =	simm.s32 @!p0 $0x0  }
0x12: {  	s1 =	sld [smem:$0x3F90];
	s0 =	simm.s32 @p0 $0x1  }
0x13: {  	[smem:$0x3FAB] =	sst s0;
	s0 =	simm.s32 @!p1 $0x0  }
0x14: {  	s2 =	sld [smem:$0x3F8F];
	s0 =	simm.s32 @p1 $0x1  }
0x15: {  	[smem:$0x3FAC] =	sst s0;
	s0 =	simm.s32 @!p2 $0x0  }
0x16: {  	s3 =	sld [smem:$0x3FDB];
	s0 =	simm.s32 @p2 $0x1  }
0x17: {  	s4 =	simm.s32 $0x1BF5;
	[smem:$0x3FAE] =	sst s0  }
0x18: {  	s0 =	sld [smem:$0x3F91];
	_ =	swait.ge [sflag:s4], $0x0  }
0x19: {  	s7 =	sld [smem:$0x3F92]  }
0x1a: {  	s8 =	sadd.s32 $0xFFFFE003, lr  }
0x1b: {  	s9 =	sadd.s32 $0xFFFFFEF7, lr;
	s5 =	simm.s32 $0xFFFFFFFF;
	p2 =	slt.u32 s8, $0xFFFFF086  }
0x1c: {  	p1 =	slt.u32 s9, $0xF7A;
	s5 =	simm.s32 @!p2 $0x0  }
0x1d: {  	s5 =	simm.s32 @p1 $0x1;
	p0 =	seq.s32 s7, s2  }
0x1e: {  	s7 =	smul.u32 @!p0 $0xF7A, s2;
	p2 =	seq.s32 @!p0 s5, $0x0  }
0x1f: {  	s9 =	smul.u32 $0xF7A, s1;
	s8 =	simm.s32 @!p0 $0x1BF5;
	p2 =	por !p2, p0  }
0x20: {  	[sflag:s8] =	ssyncset.s32 @!p0 $0xFFFFF086;
	s6 =	sadd.s32 @!p0 s3, s7;
	s7 =	simm.s32 @!p0 $0x108  }
0x21: {  	s3 =	sadd.s32 s3, s9;
	s6 =	sadd.s32 @!p0 $0x88, s6;
	s7 =	simm.s32 @p2 $0x1082  }
0x22: {  	[simem:s7], [sflag:s8] =	dma.local @!p0 [hbm:s6], $0xF7A  }
0x23: {  	s9 =	sor.u32 $0xD0000000, s2;
	s6 =	simm.s32 $0x108;
	_ =	swait.ge @!p0 [sflag:s8], $0x0  }
0x24: {  	s3 =	sadd.s32 $0x88, s3;
	s6 =	simm.s32 @!p1 $0x1082;
	[sflag:s4] =	ssyncset.s32 $0xFFFFF086  }
0x25: {  	[simem:s6], [sflag:s4] =	dma.local [hbm:s3], $0xF7A  }
0x26: {  	[smem:$0x3F92] =	sst s1;
	(tag) =	ssettag s2;
	_ =	strace s9  }
0x27: {  	s1 =	sld [smem:$0x3FA2]  }
0x28: {  	s2 =	sld [smem:$0x3FA3]  }
0x29: {  	s4 =	sld [smem:$0x3FA5]  }
0x2a: {  	p0 =	seq.s32 s5, $0x0;
	s5 =	sld [smem:$0x3FA6]  }
0x2b: {  	s6 =	sld [smem:$0x3FA7]  }
0x2c: {  	s7 =	sld [smem:$0x3FA8]  }
0x2d: {  	s3 =	simm.s32 $0x108;
	s8 =	sld [smem:$0x3FA9]  }
0x2e: {  	s3 =	simm.s32 @!p0 $0x1082;
	s9 =	sld [smem:$0x3FAA]  }
0x2f: {  	lr =	sadd.s32 s0, s3;
	s0 =	sld [smem:$0x3FA1]  }
0x30: {  	s3 =	sld [smem:$0x3FA4]  }
0x31: {  	[smem:$0x3FAD] =	sst s10  }
0x32: {  	s10 =	sld [smem:$0x3FAB];
	_ =	sdelay $0x3  }
0x33: {  	p0 =	seq.s32 s10, $0x1;
	s10 =	sld [smem:$0x3FAD];
	_ =	sdelay $0x3  }
0x34: {  	[smem:$0x3FAD] =	sst s10  }
0x35: {  	s10 =	sld [smem:$0x3FAC];
	_ =	sdelay $0x3  }
0x36: {  	p1 =	seq.s32 s10, $0x1;
	s10 =	sld [smem:$0x3FAD];
	_ =	sdelay $0x3  }
0x37: {  	[smem:$0x3FAD] =	sst s10  }
0x38: {  	s10 =	sld [smem:$0x3FAE]  }
0x39: {  	_ = 	snop;
	(pc) =	sbr.ind lr, $3  }
0x3a: {  	_ = 	snop  }
0x3b: {  	_ = 	snop  }
0x3c: {  	p2 =	seq.s32 s10, $0x1;
	s10 =	sld [smem:$0x3FAD]  }
0x3d: {  	_ =	shalt  }
0x3e: {  	_ =	shalt  }
0x3f: {  	_ =	shalt  }
0x40: {  	_ =	shalt  }
0x41: {  	_ =	shalt  }
0x42: {  	_ =	shalt  }
0x43: {  	_ =	shalt  }
0x44: {  	_ =	shalt  }
0x45: {  	_ =	shalt  }
0x46: {  	_ =	shalt  }
0x47: {  	_ =	shalt  }
0x48: {  	_ =	shalt  }
0x49: {  	_ =	shalt  }
0x4a: {  	_ =	shalt  }
0x4b: {  	_ =	shalt  }
0x4c: {  	_ =	shalt  }
0x4d: {  	_ =	shalt  }
0x4e: {  	_ =	shalt  }
0x4f: {  	_ =	shalt  }
0x50: {  	_ =	shalt  }
0x51: {  	_ =	shalt  }
0x52: {  	_ =	shalt  }
0x53: {  	_ =	shalt  }
0x54: {  	_ =	shalt  }
0x55: {  	_ =	shalt  }
0x56: {  	_ =	shalt  }
0x57: {  	_ =	shalt  }
0x58: {  	_ =	shalt  }
0x59: {  	_ =	shalt  }
0x5a: {  	_ =	shalt  }
0x5b: {  	_ =	shalt  }
0x5c: {  	_ =	shalt  }
0x5d: {  	_ =	shalt  }
0x5e: {  	_ =	shalt  }
0x5f: {  	_ =	shalt  }
0x60: {  	_ =	shalt  }
0x61: {  	_ =	shalt  }
0x62: {  	_ =	shalt  }
0x63: {  	_ =	shalt  }
0x64: {  	_ =	shalt  }
0x65: {  	_ =	shalt  }
0x66: {  	_ =	shalt  }
0x67: {  	_ =	shalt  }
0x68: {  	_ =	shalt  }
0x69: {  	_ =	shalt  }
0x6a: {  	_ =	shalt  }
0x6b: {  	_ =	shalt  }
0x6c: {  	_ =	shalt  }
0x6d: {  	_ =	shalt  }
0x6e: {  	_ =	shalt  }
0x6f: {  	_ =	shalt  }
0x70: {  	_ =	shalt  }
0x71: {  	_ =	shalt  }
0x72: {  	_ =	shalt  }
0x73: {  	_ =	shalt  }
0x74: {  	_ =	shalt  }
0x75: {  	_ =	shalt  }
0x76: {  	_ =	shalt  }
0x77: {  	_ =	shalt  }
0x78: {  	_ =	shalt  }
0x79: {  	_ =	shalt  }
0x7a: {  	_ =	shalt  }
0x7b: {  	_ =	shalt  }
0x7c: {  	_ =	shalt  }
0x7d: {  	_ =	shalt  }
0x7e: {  	_ =	shalt  }
0x7f: {  	_ =	shalt  }
0x80: {  	_ =	shalt  }
0x81: {  	_ =	shalt  }
0x82: {  	_ =	shalt  }
0x83: {  	_ =	shalt  }
0x84: {  	_ =	shalt  }
0x85: {  	_ =	shalt  }
0x86: {  	_ =	shalt  }
0x87: {  	_ =	shalt  }
.Lfunc_end0:
.L_simem_size_0:
called_computation.1_lowered:
.L_overlay_start_0:
0x88: {  	s2 =	sld [smem:$0x3FD9]  }
0x89: {  	s3 =	sld [smem:$0x3FFE];
	_ =	sdelay $0x1  }
0x8a: {  	s1 =	srdreg.scid  }
0x8b: {  	s0 =	sand.u32 $0x1, s1  }
0x8c: {  	s15 =	sshll.u32 s0, $0xA;
	s2 =	sadd.s32 s3, s2  }
0x8d: {  	s2 =	sadd.s32 s2, s15  }
0x8e: {  	[smem:$0x3FB9] =	sst s2  }
0x8f: {  	_ = 	snop  }
0x90: {  	s2 =	sld [smem:$0x3FD0];
	_ =	sdelay $0x2  }
0x91: {  	s16 =	simm.s32 $0xB;
	s4 =	simm.s32 $0x10  }
0x92: {  	[smem:s4], [sflag:s16] =	dma.local [hbm:s2], $0x1  }
0x93: {  	_ =	swait.eq [sflag:s16], $0x1  }
0x94: {  	[sflag:s16] =	ssyncset.done $0x0  }
0x95: {  	[sflag:s16] =	ssyncadd.s32 $0xFFFFFFFF  }
0x96: {  	s17 =	sld [smem:$0x11];
	(tm) =	ssettm $0x1  }
0x97: {  	s18 =	sld [smem:$0x3FFB];
	_ =	sdelay $0x3  }
0x98: {  	_ =	strace s18  }
0x99: {  	s2 =	sld [smem:$0x3FFC];
	_ =	sdelay $0x3  }
0x9a: {  	_ =	strace s2  }
0x9b: {  	s2 =	sld [smem:$0x3FFD];
	_ =	sdelay $0x3  }
0x9c: {  	_ =	strace s2  }
0x9d: {  	_ =	strace $0x8FFFFFFF  }
0x9e: {  	s19 =	sld [smem:$0x3FDB];
	_ =	sdelay $0x1  }
0x9f: {  	s20 =	simm.s32 $_scs_section_size  }
0xa0: {  	s5 =	simm.s32 $_size__tile_overlayer_lowered;
	s6 =	simm.s32 $_tile_overlayer_lowered  }
0xa1: {  	s7 =	simm.s32 $0x1BFF;
	s21 =	sshll.u32 s6, $0x1;
	s4 =	sadd.s32 s20, s19  }
0xa2: {  	s22 =	simm.s32 $0x0;
	s5 =	sshll.u32 s5, $0x1;
	s6 =	sadd.s32 s21, s4  }
0xa3: {  	[timem:s22], [sflag:s7] =	dma.local [hbm:s6], s5  }
0xa4: {  	_ =	swait.ge [sflag:s7], s5  }
0xa5: {  	s5 =	ssub.s32 $0x0, s5;
	[sflag:s7] =	ssyncset.done $0x0  }
0xa6: {  	[sflag:s7] =	ssyncadd.s32 s5;
	_ =	sdelay $0x1  }
0xa7: {  	s23 =	simm.s32 $0x1B8B  }
0xa8: {  	_ =	swait.ge [sflag:s23], $0x1  }
0xa9: {  	[sflag:s23] =	ssyncset.done $0x0  }
0xaa: {  	[sflag:s23] =	ssyncadd.s32 $0xFFFFFFFF  }
0xab: {  	s5 =	sld [smem:$0x0]  }
0xac: {  	s6 =	sand.u32 $0xFFFFFFFE, s1  }
0xad: {  	p0 =	sne.s32 s1, s6  }
0xae: {  	s6 =	sshll.u32 @p0 s6, $0xE  }
0xaf: {  	s6 =	sadd.s32 @p0 $0x11B8D, s6;
	s7 =	sshll.u32 @p0 s5, $0x11  }
0xb0: {  	s6 =	sor.u32 @p0 s7, s6  }
0xb1: {  	[sflag:s6] =	ssyncadd.remote.s32 @p0 $0x1;
	_ =	sdelay $0x1  }
0xb2: {  	s6 =	simm.s32 @p0 $0x1B8D  }
0xb3: {  	_ =	swait.eq @p0 [sflag:s6], $0x1  }
0xb4: {  	[sflag:s6] =	ssyncadd.s32 @p0 $0xFFFFFFFF  }
0xb5: {  	s7 =	sshll.u32 @!p0 s1, $0xE  }
0xb6: {  	s7 =	sor.u32 @!p0 $0x4000, s7;
	s6 =	simm.s32 @!p0 $0x1B8D  }
0xb7: {  	s5 =	sshll.u32 @!p0 s5, $0x11;
	s7 =	sadd.s32 @!p0 $0x11B8D, s7;
	_ =	swait.eq @!p0 [sflag:s6], $0x1  }
0xb8: {  	s5 =	sor.u32 @!p0 s5, s7;
	[sflag:s6] =	ssyncadd.s32 @!p0 $0xFFFFFFFF  }
0xb9: {  	s25 =	simm.s32 $0x1B8E;
	s24 =	sld [smem:$0x3FFE];
	[sflag:s5] =	ssyncadd.remote.s32 @!p0 $0x1  }
0xba: {  	s26 =	simm.s32 $execute0_lowered;
	[smem:$0x3FD2] =	sst s25  }
0xbb: {  	s6 =	sshll.u32 s26, $0x1;
	_ =	strace $0x80000049;
	[dreg:$0x1] =	wrdreg $0xFFFFFFFF  }
0xbc: {  	s28 =	simm.s32 $_size_execute0_lowered;
	s4 =	sadd.s32 s4, s6;
	[dreg:$0x0] =	wrdreg $0x0  }
0xbd: {  	s6 =	sshll.u32 s28, $0x1;
	[dreg:$0x2] =	wrdreg s4  }
0xbe: {  	[dreg:$0x3] =	wrdreg s6  }
0xbf: {  	[dreg:$0x4] =	wrdreg $0xC0  }
0xc0: {  	_ =	task [dreg:s22], $0x5FFFF  }
0xc1: {  	[dreg:$0x1] =	wrdreg $0xFFFFFFFF  }
0xc2: {  	[dreg:$0x0] =	wrdreg $0x60  }
0xc3: {  	[dreg:$0x2] =	wrdreg s24  }
0xc4: {  	[dreg:$0x3] =	wrdreg s17  }
0xc5: {  	[dreg:$0x4] =	wrdreg $0xA  }
0xc6: {  	_ =	task.clear_ibuf [dreg:s22], $0x5FFFF;
	_ =	strace $0x90000049  }
0xc7: {  	s29 =	simm.s32 $0xA;
	_ =	strace $0x8000004B  }
0xc8: {  	_ =	swait.ge [sflag:s29], $0x1  }
0xc9: {  	[sflag:s29] =	ssyncadd.s32 $0xFFFFFFFF  }
0xca: {  	_ =	strace $0x9000004B  }
0xcb: {  	_ =	sfence  }
0xcc: {  	s30 =	sld [smem:$0x0];
	_ =	sdelay $0x2  }
0xcd: {  	s31 =	sshll.u32 s1, $0xD;
	s1 =	sshrl.u32 s1, $0x2  }
0xce: {  	s4 =	sand.u32 $0x4000, s31;
	s1 =	sadd.s32 s1, s30  }
0xcf: {  	s0 =	sor.u32 s4, s0;
	s1 =	sshll.u32 s1, $0x11  }
0xd0: {  	s0 =	sor.u32 s1, s0  }
0xd1: {  	s0 =	sadd.s32 $0x8F2B, s0  }
0xd2: {  	[sflag:s0] =	ssyncadd.remote.s32 $0x1  }
0xd3: {  	_ =	sfence.sel $0xFFFF  }
0xd4: {  	[dreg:$0x0] =	wrdreg $0xFFFFFFFF;
	(pc) =	sbr.abs _section_cstart, $3  }
0xd5: {  	[dreg:$0x1] =	wrdreg $0xFFFFFFFF  }
0xd6: {  	_ =	task.clear_ibuf [dreg:s22], $0x2FFFF;
	_ =	strace $0x9FFFFFFF  }
0xd7: {  	(tm) =	ssettm $0x7FFFFFFF  }
tec
execute0_lowered:
.L_overlay_start_1:
0x0: {  	(tag) =	ssettag $0x1  }
0x1: {  	s0 =	srdreg.scid;
	s1 =	rddreg [dreg:$0x0]  }
0x2: {  	s2 =	stileid.u32;
	s4 =	rddreg [dreg:$0x1];
	s28 =	simm.s32 $0xE00  }
0x3: {  	s29 =	simm.s32 $0x1600;
	s30 =	simm.s32 $0x1A00;
	s31 =	simm.s32 $0x2200  }
0x4: {  	s10 =	simm.s32 $0x3A00;
	s11 =	simm.s32 $0x3E00;
	s12 =	simm.s32 $0x4600  }
0x5: {  	s13 =	simm.s32 $0x4A00;
	s14 =	simm.s32 $0x5200;
	s15 =	simm.s32 $0x5600  }
0x6: {  	s17 =	simm.s32 $0x5E00;
	s18 =	simm.s32 $0x6200;
	s19 =	simm.s32 $0x6A00  }
0x7: {  	s20 =	simm.s32 $0x7600;
	s21 =	simm.s32 $0x7A00;
	s22 =	simm.s32 $0x8200  }
0x8: {  	s16 =	simm.s32 $0x8E00;
	s23 =	simm.s32 $0x9200;
	s0 =	sand.u32 $0x1, s0  }
0x9: {  	s3 =	sshll.u32 s2, $0x7;
	s2 =	simm.s32 $0x0;
	s5 =	sshll.u32 s0, $0x6  }
0xa: {  	[smem:$0x7FF] =	sst s2;
	s0 =	ssub.s32 $0x2, s0;
	s5 =	sor.u32 s5, s3  }
0xb: {  	_ =	strace $0x8000004A;
	s3 =	sadd.s32 $0x2400, s1;
	s6 =	smul.u32 $0x180, s5  }
0xc: {  	s8 =	sshrl.u32 s0, $0x1;
	s7 =	smul.u32 $0xC00, s5;
	s5 =	sadd.s32 s5, s1  }
0xd: {  	s0 =	ssub.s32 s0, s8;
	s8 =	simm.s32 $0x8600;
	s5 =	sadd.s32 $0x1C00, s5  }
0xe: {  	s9 =	sadd.s32 s4, s6;
	s24 =	sshrl.u32 s7, $0x3;
	[dreg:$0x3] =	wrdreg s5  }
0xf: {  	s5 =	sadd.s32 $0x2500, s1;
	s7 =	simm.s32 $0x3;
	[dreg:$0x7] =	wrdreg s9  }
0x10: {  	s25 =	sadd.s32 $0x1800, s9;
	s4 =	sadd.s32 s4, s24;
	s9 =	simm.s32 $0x3200  }
0x11: {  	v2 =	vlaneseq.u32;
	s24 =	simm.s32 $0x1;
	[dreg:$0x4] =	wrdreg s25;
	s6 =	sadd.s32 $0x3000, s4  }
0x12: {  	vm0 =	vmmov $0xffff;
	vm1 =	vmmov $0xff;
	v1 =	vshrl.u32 v2, $0x3;
	s26 =	sadd.s32 $0x4800, s4;
	s4 =	simm.s32 $0x2;
	[dreg:$0x5] =	wrdreg s6  }
0x13: {  	v0 =	vand.u32 $0x7, v2;
	v2 =	vor.u32 $0x8, v2;
	v1 =	vmul.u32 $0x8, v1;
	[dreg:$0x6] =	wrdreg s26;
	s6 =	smax.u32 s0, $0x1;
	s26 =	simm.s32 $0xA00  }
.LBB2_1:
0x14: {  	s25 =	rddreg [dreg:$0x3]  }
0x15: {  	[tilespmem:s2], [sflag:$0x3] =	stream.linear.gather [hbm4b:s25+s2], $0x200, $0x38;
	[tilespmem:$0x18200] =	vst v63  }
0x16: {  	_ =	swait.ge [sflag:s7], $0x200  }
0x17: {  	[sflag:s7] =	ssyncset.done $0x0  }
0x18: {  	[sflag:s7] =	ssyncadd.s32 $0xFFFFFE00  }
0x19: {  	v3 =	vld [tilespmem:$0x0];
	_ =	sdelay $0x4  }
0x1a: {  	v4 =	vshrl.u32 v3, $0x3  }
0x1b: {  	v4 =	vmul.u32 $0x18, v4  }
0x1c: {  	v3 =	vand.u32 $0x7, v3  }
0x1d: {  	v3 =	vor.u32 v3, v4  }
0x1e: {  	v4 =	vperm.xlane v3, v0;
	_ =	sdelay $0x1  }
0x1f: {  	v4 =	vadd.s32 v1, v4;
	_ =	sdelay $0x1  }
0x20: {  	v3 =	vperm.xlane v3, v2;
	_ =	sdelay $0x1  }
0x21: {  	s0 =	simm.s32 $0x200;
	v3 =	vadd.s32 v1, v3  }
0x22: {  	[tilespmem:s0], [sflag:$0x1] =	stream.indirect_vreg.gather [hbm4b:s3+s2], $0x80, v4, vm0, $0xb8;
	[tilespmem:$0x18200] =	vst v63  }
0x23: {  	_ = 	snop  }
0x24: {  	[tilespmem:s26], [sflag:$0x1] =	stream.indirect_vreg.gather [hbm4b:s5+s2], $0x80, v4, vm1, $0xb8;
	[tilespmem:$0x18200] =	vst v63  }
0x25: {  	_ = 	snop  }
0x26: {  	[tilespmem:s28], [sflag:$0x1] =	stream.indirect_vreg.gather [hbm4b:s3+s2], $0x80, v3, vm0, $0xb8;
	[tilespmem:$0x18200] =	vst v63  }
0x27: {  	_ = 	snop  }
0x28: {  	[tilespmem:s29], [sflag:$0x1] =	stream.indirect_vreg.gather [hbm4b:s5+s2], $0x80, v3, vm1, $0xb8;
	[tilespmem:$0x18200] =	vst v63  }
0x29: {  	v3 =	vld [tilespmem:$0x10];
	_ =	sdelay $0x4  }
0x2a: {  	v33 =	vshrl.u32 v3, $0x3  }
0x2b: {  	v4 =	vmul.u32 $0x18, v33  }
0x2c: {  	v3 =	vand.u32 $0x7, v3  }
0x2d: {  	v3 =	vor.u32 v3, v4  }
0x2e: {  	v4 =	vperm.xlane v3, v0;
	_ =	sdelay $0x1  }
0x2f: {  	v4 =	vadd.s32 v1, v4;
	_ =	sdelay $0x1  }
0x30: {  	v3 =	vperm.xlane v3, v2;
	_ =	sdelay $0x1  }
0x31: {  	v3 =	vadd.s32 v1, v3  }
0x32: {  	[tilespmem:s30], [sflag:$0x1] =	stream.indirect_vreg.gather [hbm4b:s3+s2], $0x80, v4, vm0, $0xb8;
	[tilespmem:$0x18200] =	vst v63  }
0x33: {  	_ = 	snop  }
0x34: {  	[tilespmem:s31], [sflag:$0x1] =	stream.indirect_vreg.gather [hbm4b:s5+s2], $0x80, v4, vm1, $0xb8;
	[tilespmem:$0x18200] =	vst v63  }
0x35: {  	s25 =	simm.s32 $0x2600  }
0x36: {  	[tilespmem:s25], [sflag:$0x1] =	stream.indirect_vreg.gather [hbm4b:s3+s2], $0x80, v3, vm0, $0xb8;
	[tilespmem:$0x18200] =	vst v63  }
0x37: {  	s1 =	simm.s32 $0x2E00  }
0x38: {  	[tilespmem:s1], [sflag:$0x1] =	stream.indirect_vreg.gather [hbm4b:s5+s2], $0x80, v3, vm1, $0xb8;
	[tilespmem:$0x18200] =	vst v63  }
0x39: {  	v3 =	vld [tilespmem:$0x20];
	_ =	sdelay $0x4  }
0x3a: {  	v34 =	vshrl.u32 v3, $0x3  }
0x3b: {  	v4 =	vmul.u32 $0x18, v34  }
0x3c: {  	v3 =	vand.u32 $0x7, v3  }
0x3d: {  	v3 =	vor.u32 v3, v4  }
0x3e: {  	v4 =	vperm.xlane v3, v0;
	_ =	sdelay $0x1  }
0x3f: {  	v4 =	vadd.s32 v1, v4;
	_ =	sdelay $0x1  }
0x40: {  	v3 =	vperm.xlane v3, v2;
	_ =	sdelay $0x1  }
0x41: {  	v3 =	vadd.s32 v1, v3  }
0x42: {  	[tilespmem:s9], [sflag:$0x1] =	stream.indirect_vreg.gather [hbm4b:s3+s2], $0x80, v4, vm0, $0xb8;
	[tilespmem:$0x18200] =	vst v63  }
0x43: {  	_ = 	snop  }
0x44: {  	[tilespmem:s10], [sflag:$0x1] =	stream.indirect_vreg.gather [hbm4b:s5+s2], $0x80, v4, vm1, $0xb8;
	[tilespmem:$0x18200] =	vst v63  }
0x45: {  	_ = 	snop  }
0x46: {  	[tilespmem:s11], [sflag:$0x1] =	stream.indirect_vreg.gather [hbm4b:s3+s2], $0x80, v3, vm0, $0xb8;
	[tilespmem:$0x18200] =	vst v63  }
0x47: {  	_ = 	snop  }
0x48: {  	[tilespmem:s12], [sflag:$0x1] =	stream.indirect_vreg.gather [hbm4b:s5+s2], $0x80, v3, vm1, $0xb8;
	[tilespmem:$0x18200] =	vst v63  }
0x49: {  	v3 =	vld [tilespmem:$0x30];
	_ =	sdelay $0x4  }
0x4a: {  	v35 =	vshrl.u32 v3, $0x3  }
0x4b: {  	v4 =	vmul.u32 $0x18, v35  }
0x4c: {  	v3 =	vand.u32 $0x7, v3  }
0x4d: {  	v3 =	vor.u32 v3, v4  }
0x4e: {  	v4 =	vperm.xlane v3, v0;
	_ =	sdelay $0x1  }
0x4f: {  	v4 =	vadd.s32 v1, v4;
	_ =	sdelay $0x1  }
0x50: {  	v3 =	vperm.xlane v3, v2;
	_ =	sdelay $0x1  }
0x51: {  	v3 =	vadd.s32 v1, v3  }
0x52: {  	[tilespmem:s13], [sflag:$0x1] =	stream.indirect_vreg.gather [hbm4b:s3+s2], $0x80, v4, vm0, $0xb8;
	[tilespmem:$0x18200] =	vst v63  }
0x53: {  	_ = 	snop  }
0x54: {  	[tilespmem:s14], [sflag:$0x1] =	stream.indirect_vreg.gather [hbm4b:s5+s2], $0x80, v4, vm1, $0xb8;
	[tilespmem:$0x18200] =	vst v63  }
0x55: {  	_ = 	snop  }
0x56: {  	[tilespmem:s15], [sflag:$0x1] =	stream.indirect_vreg.gather [hbm4b:s3+s2], $0x80, v3, vm0, $0xb8;
	[tilespmem:$0x18200] =	vst v63  }
0x57: {  	_ = 	snop  }
0x58: {  	[tilespmem:s17], [sflag:$0x1] =	stream.indirect_vreg.gather [hbm4b:s5+s2], $0x80, v3, vm1, $0xb8;
	[tilespmem:$0x18200] =	vst v63  }
0x59: {  	v3 =	vld [tilespmem:$0x40];
	_ =	sdelay $0x4  }
0x5a: {  	v36 =	vshrl.u32 v3, $0x3  }
0x5b: {  	v4 =	vmul.u32 $0x18, v36  }
0x5c: {  	v3 =	vand.u32 $0x7, v3  }
0x5d: {  	v3 =	vor.u32 v3, v4  }
0x5e: {  	v4 =	vperm.xlane v3, v0;
	_ =	sdelay $0x1  }
0x5f: {  	v4 =	vadd.s32 v1, v4;
	_ =	sdelay $0x1  }
0x60: {  	v3 =	vperm.xlane v3, v2;
	_ =	sdelay $0x1  }
0x61: {  	v3 =	vadd.s32 v1, v3  }
0x62: {  	[tilespmem:s18], [sflag:$0x1] =	stream.indirect_vreg.gather [hbm4b:s3+s2], $0x80, v4, vm0, $0xb8;
	[tilespmem:$0x18200] =	vst v63  }
0x63: {  	_ = 	snop  }
0x64: {  	[tilespmem:s19], [sflag:$0x1] =	stream.indirect_vreg.gather [hbm4b:s5+s2], $0x80, v4, vm1, $0xb8;
	[tilespmem:$0x18200] =	vst v63  }
0x65: {  	s25 =	simm.s32 $0x6E00  }
0x66: {  	[tilespmem:s25], [sflag:$0x1] =	stream.indirect_vreg.gather [hbm4b:s3+s2], $0x80, v3, vm0, $0xb8;
	[tilespmem:$0x18200] =	vst v63  }
0x67: {  	_ = 	snop  }
0x68: {  	[tilespmem:s20], [sflag:$0x1] =	stream.indirect_vreg.gather [hbm4b:s5+s2], $0x80, v3, vm1, $0xb8;
	[tilespmem:$0x18200] =	vst v63  }
0x69: {  	v3 =	vld [tilespmem:$0x50];
	_ =	sdelay $0x4  }
0x6a: {  	v37 =	vshrl.u32 v3, $0x3  }
0x6b: {  	v4 =	vmul.u32 $0x18, v37  }
0x6c: {  	v3 =	vand.u32 $0x7, v3  }
0x6d: {  	v3 =	vor.u32 v3, v4  }
0x6e: {  	v4 =	vperm.xlane v3, v0;
	_ =	sdelay $0x1  }
0x6f: {  	v4 =	vadd.s32 v1, v4;
	_ =	sdelay $0x1  }
0x70: {  	v3 =	vperm.xlane v3, v2;
	_ =	sdelay $0x1  }
0x71: {  	v3 =	vadd.s32 v1, v3  }
0x72: {  	[tilespmem:s21], [sflag:$0x1] =	stream.indirect_vreg.gather [hbm4b:s3+s2], $0x80, v4, vm0, $0xb8;
	[tilespmem:$0x18200] =	vst v63  }
0x73: {  	_ = 	snop  }
0x74: {  	[tilespmem:s22], [sflag:$0x1] =	stream.indirect_vreg.gather [hbm4b:s5+s2], $0x80, v4, vm1, $0xb8;
	[tilespmem:$0x18200] =	vst v63  }
0x75: {  	_ = 	snop  }
0x76: {  	[tilespmem:s8], [sflag:$0x1] =	stream.indirect_vreg.gather [hbm4b:s3+s2], $0x80, v3, vm0, $0xb8;
	[tilespmem:$0x18200] =	vst v63  }
0x77: {  	_ = 	snop  }
0x78: {  	[tilespmem:s16], [sflag:$0x1] =	stream.indirect_vreg.gather [hbm4b:s5+s2], $0x80, v3, vm1, $0xb8;
	[tilespmem:$0x18200] =	vst v63  }
0x79: {  	v3 =	vld [tilespmem:$0x60];
	_ =	sdelay $0x4  }
0x7a: {  	v38 =	vshrl.u32 v3, $0x3  }
0x7b: {  	v4 =	vmul.u32 $0x18, v38  }
0x7c: {  	v3 =	vand.u32 $0x7, v3  }
0x7d: {  	v3 =	vor.u32 v3, v4  }
0x7e: {  	v4 =	vperm.xlane v3, v0;
	_ =	sdelay $0x1  }
0x7f: {  	v4 =	vadd.s32 v1, v4;
	_ =	sdelay $0x1  }
0x80: {  	v3 =	vperm.xlane v3, v2;
	_ =	sdelay $0x1  }
0x81: {  	v3 =	vadd.s32 v1, v3  }
0x82: {  	[tilespmem:s23], [sflag:$0x1] =	stream.indirect_vreg.gather [hbm4b:s3+s2], $0x80, v4, vm0, $0xb8;
	[tilespmem:$0x18200] =	vst v63  }
0x83: {  	s1 =	simm.s32 $0x9A00  }
0x84: {  	[tilespmem:s1], [sflag:$0x1] =	stream.indirect_vreg.gather [hbm4b:s5+s2], $0x80, v4, vm1, $0xb8;
	[tilespmem:$0x18200] =	vst v63  }
0x85: {  	s25 =	simm.s32 $0x9E00  }
0x86: {  	[tilespmem:s25], [sflag:$0x1] =	stream.indirect_vreg.gather [hbm4b:s3+s2], $0x80, v3, vm0, $0xb8;
	[tilespmem:$0x18200] =	vst v63  }
0x87: {  	s1 =	simm.s32 $0xA600  }
0x88: {  	[tilespmem:s1], [sflag:$0x1] =	stream.indirect_vreg.gather [hbm4b:s5+s2], $0x80, v3, vm1, $0xb8;
	[tilespmem:$0x18200] =	vst v63  }
0x89: {  	v3 =	vld [tilespmem:$0x70];
	_ =	sdelay $0x4  }
0x8a: {  	v39 =	vshrl.u32 v3, $0x3  }
0x8b: {  	v4 =	vmul.u32 $0x18, v39  }
0x8c: {  	v3 =	vand.u32 $0x7, v3  }
0x8d: {  	v3 =	vor.u32 v3, v4  }
0x8e: {  	v4 =	vperm.xlane v3, v0;
	_ =	sdelay $0x1  }
0x8f: {  	v4 =	vadd.s32 v1, v4;
	_ =	sdelay $0x1  }
0x90: {  	v3 =	vperm.xlane v3, v2;
	_ =	sdelay $0x1  }
0x91: {  	s25 =	simm.s32 $0xAA00;
	v3 =	vadd.s32 v1, v3  }
0x92: {  	[tilespmem:s25], [sflag:$0x1] =	stream.indirect_vreg.gather [hbm4b:s3+s2], $0x80, v4, vm0, $0xb8;
	[tilespmem:$0x18200] =	vst v63  }
0x93: {  	s1 =	simm.s32 $0xB200  }
0x94: {  	[tilespmem:s1], [sflag:$0x1] =	stream.indirect_vreg.gather [hbm4b:s5+s2], $0x80, v4, vm1, $0xb8;
	[tilespmem:$0x18200] =	vst v63  }
0x95: {  	s25 =	simm.s32 $0xB600  }
0x96: {  	[tilespmem:s25], [sflag:$0x1] =	stream.indirect_vreg.gather [hbm4b:s3+s2], $0x80, v3, vm0, $0xb8;
	[tilespmem:$0x18200] =	vst v63  }
0x97: {  	s1 =	simm.s32 $0xBE00  }
0x98: {  	[tilespmem:s1], [sflag:$0x1] =	stream.indirect_vreg.gather [hbm4b:s5+s2], $0x80, v3, vm1, $0xb8;
	[tilespmem:$0x18200] =	vst v63  }
0x99: {  	v3 =	vld [tilespmem:$0x80];
	_ =	sdelay $0x4  }
0x9a: {  	v40 =	vshrl.u32 v3, $0x3  }
0x9b: {  	v4 =	vmul.u32 $0x18, v40  }
0x9c: {  	v3 =	vand.u32 $0x7, v3  }
0x9d: {  	v3 =	vor.u32 v3, v4  }
0x9e: {  	v4 =	vperm.xlane v3, v0;
	_ =	sdelay $0x1  }
0x9f: {  	v4 =	vadd.s32 v1, v4;
	_ =	sdelay $0x1  }
0xa0: {  	v3 =	vperm.xlane v3, v2;
	_ =	sdelay $0x1  }
0xa1: {  	s0 =	simm.s32 $0xC200;
	v3 =	vadd.s32 v1, v3  }
0xa2: {  	[tilespmem:s0], [sflag:$0x2] =	stream.indirect_vreg.gather [hbm4b:s3+s2], $0x80, v4, vm0, $0xb8;
	[tilespmem:$0x18200] =	vst v63  }
0xa3: {  	s1 =	simm.s32 $0xCA00  }
0xa4: {  	[tilespmem:s1], [sflag:$0x2] =	stream.indirect_vreg.gather [hbm4b:s5+s2], $0x80, v4, vm1, $0xb8;
	[tilespmem:$0x18200] =	vst v63  }
0xa5: {  	s25 =	simm.s32 $0xCE00  }
0xa6: {  	[tilespmem:s25], [sflag:$0x2] =	stream.indirect_vreg.gather [hbm4b:s3+s2], $0x80, v3, vm0, $0xb8;
	[tilespmem:$0x18200] =	vst v63  }
0xa7: {  	s25 =	simm.s32 $0xD600  }
0xa8: {  	[tilespmem:s25], [sflag:$0x2] =	stream.indirect_vreg.gather [hbm4b:s5+s2], $0x80, v3, vm1, $0xb8;
	[tilespmem:$0x18200] =	vst v63  }
0xa9: {  	v3 =	vld [tilespmem:$0x90];
	_ =	sdelay $0x4  }
0xaa: {  	v41 =	vshrl.u32 v3, $0x3  }
0xab: {  	v4 =	vmul.u32 $0x18, v41  }
0xac: {  	v3 =	vand.u32 $0x7, v3  }
0xad: {  	v3 =	vor.u32 v3, v4  }
0xae: {  	v4 =	vperm.xlane v3, v0;
	_ =	sdelay $0x1  }
0xaf: {  	v4 =	vadd.s32 v1, v4;
	_ =	sdelay $0x1  }
0xb0: {  	v3 =	vperm.xlane v3, v2;
	_ =	sdelay $0x1  }
0xb1: {  	s25 =	simm.s32 $0xDA00;
	v3 =	vadd.s32 v1, v3  }
0xb2: {  	[tilespmem:s25], [sflag:$0x2] =	stream.indirect_vreg.gather [hbm4b:s3+s2], $0x80, v4, vm0, $0xb8;
	[tilespmem:$0x18200] =	vst v63  }
0xb3: {  	s25 =	simm.s32 $0xE200  }
0xb4: {  	[tilespmem:s25], [sflag:$0x2] =	stream.indirect_vreg.gather [hbm4b:s5+s2], $0x80, v4, vm1, $0xb8;
	[tilespmem:$0x18200] =	vst v63  }
0xb5: {  	s25 =	simm.s32 $0xE600  }
0xb6: {  	[tilespmem:s25], [sflag:$0x2] =	stream.indirect_vreg.gather [hbm4b:s3+s2], $0x80, v3, vm0, $0xb8;
	[tilespmem:$0x18200] =	vst v63  }
0xb7: {  	s25 =	simm.s32 $0xEE00  }
0xb8: {  	[tilespmem:s25], [sflag:$0x2] =	stream.indirect_vreg.gather [hbm4b:s5+s2], $0x80, v3, vm1, $0xb8;
	[tilespmem:$0x18200] =	vst v63  }
0xb9: {  	v3 =	vld [tilespmem:$0xA0];
	_ =	sdelay $0x4  }
0xba: {  	v42 =	vshrl.u32 v3, $0x3  }
0xbb: {  	v4 =	vmul.u32 $0x18, v42  }
0xbc: {  	v3 =	vand.u32 $0x7, v3  }
0xbd: {  	v3 =	vor.u32 v3, v4  }
0xbe: {  	v4 =	vperm.xlane v3, v0;
	_ =	sdelay $0x1  }
0xbf: {  	v4 =	vadd.s32 v1, v4;
	_ =	sdelay $0x1  }
0xc0: {  	v3 =	vperm.xlane v3, v2;
	_ =	sdelay $0x1  }
0xc1: {  	s25 =	simm.s32 $0xF200;
	v3 =	vadd.s32 v1, v3  }
0xc2: {  	[tilespmem:s25], [sflag:$0x2] =	stream.indirect_vreg.gather [hbm4b:s3+s2], $0x80, v4, vm0, $0xb8;
	[tilespmem:$0x18200] =	vst v63  }
0xc3: {  	s25 =	simm.s32 $0xFA00  }
0xc4: {  	[tilespmem:s25], [sflag:$0x2] =	stream.indirect_vreg.gather [hbm4b:s5+s2], $0x80, v4, vm1, $0xb8;
	[tilespmem:$0x18200] =	vst v63  }
0xc5: {  	s25 =	simm.s32 $0xFE00  }
0xc6: {  	[tilespmem:s25], [sflag:$0x2] =	stream.indirect_vreg.gather [hbm4b:s3+s2], $0x80, v3, vm0, $0xb8;
	[tilespmem:$0x18200] =	vst v63  }
0xc7: {  	s25 =	simm.s32 $0x10600  }
0xc8: {  	[tilespmem:s25], [sflag:$0x2] =	stream.indirect_vreg.gather [hbm4b:s5+s2], $0x80, v3, vm1, $0xb8;
	[tilespmem:$0x18200] =	vst v63  }
0xc9: {  	v3 =	vld [tilespmem:$0xB0];
	_ =	sdelay $0x4  }
0xca: {  	v43 =	vshrl.u32 v3, $0x3  }
0xcb: {  	v4 =	vmul.u32 $0x18, v43  }
0xcc: {  	v3 =	vand.u32 $0x7, v3  }
0xcd: {  	v3 =	vor.u32 v3, v4  }
0xce: {  	v4 =	vperm.xlane v3, v0;
	_ =	sdelay $0x1  }
0xcf: {  	v4 =	vadd.s32 v1, v4;
	_ =	sdelay $0x1  }
0xd0: {  	v3 =	vperm.xlane v3, v2;
	_ =	sdelay $0x1  }
0xd1: {  	s25 =	simm.s32 $0x10A00;
	v3 =	vadd.s32 v1, v3  }
0xd2: {  	[tilespmem:s25], [sflag:$0x2] =	stream.indirect_vreg.gather [hbm4b:s3+s2], $0x80, v4, vm0, $0xb8;
	[tilespmem:$0x18200] =	vst v63  }
0xd3: {  	s25 =	simm.s32 $0x11200  }
0xd4: {  	[tilespmem:s25], [sflag:$0x2] =	stream.indirect_vreg.gather [hbm4b:s5+s2], $0x80, v4, vm1, $0xb8;
	[tilespmem:$0x18200] =	vst v63  }
0xd5: {  	s25 =	simm.s32 $0x11600  }
0xd6: {  	[tilespmem:s25], [sflag:$0x2] =	stream.indirect_vreg.gather [hbm4b:s3+s2], $0x80, v3, vm0, $0xb8;
	[tilespmem:$0x18200] =	vst v63  }
0xd7: {  	s25 =	simm.s32 $0x11E00  }
0xd8: {  	[tilespmem:s25], [sflag:$0x2] =	stream.indirect_vreg.gather [hbm4b:s5+s2], $0x80, v3, vm1, $0xb8;
	[tilespmem:$0x18200] =	vst v63  }
0xd9: {  	v3 =	vld [tilespmem:$0xC0];
	_ =	sdelay $0x4  }
0xda: {  	v44 =	vshrl.u32 v3, $0x3  }
0xdb: {  	v4 =	vmul.u32 $0x18, v44  }
0xdc: {  	v3 =	vand.u32 $0x7, v3  }
0xdd: {  	v3 =	vor.u32 v3, v4  }
0xde: {  	v4 =	vperm.xlane v3, v0;
	_ =	sdelay $0x1  }
0xdf: {  	v4 =	vadd.s32 v1, v4;
	_ =	sdelay $0x1  }
0xe0: {  	v3 =	vperm.xlane v3, v2;
	_ =	sdelay $0x1  }
0xe1: {  	s25 =	simm.s32 $0x12200;
	v3 =	vadd.s32 v1, v3  }
0xe2: {  	[tilespmem:s25], [sflag:$0x2] =	stream.indirect_vreg.gather [hbm4b:s3+s2], $0x80, v4, vm0, $0xb8;
	[tilespmem:$0x18200] =	vst v63  }
0xe3: {  	s25 =	simm.s32 $0x12A00  }
0xe4: {  	[tilespmem:s25], [sflag:$0x2] =	stream.indirect_vreg.gather [hbm4b:s5+s2], $0x80, v4, vm1, $0xb8;
	[tilespmem:$0x18200] =	vst v63  }
0xe5: {  	s25 =	simm.s32 $0x12E00  }
0xe6: {  	[tilespmem:s25], [sflag:$0x2] =	stream.indirect_vreg.gather [hbm4b:s3+s2], $0x80, v3, vm0, $0xb8;
	[tilespmem:$0x18200] =	vst v63  }
0xe7: {  	s25 =	simm.s32 $0x13600  }
0xe8: {  	[tilespmem:s25], [sflag:$0x2] =	stream.indirect_vreg.gather [hbm4b:s5+s2], $0x80, v3, vm1, $0xb8;
	[tilespmem:$0x18200] =	vst v63  }
0xe9: {  	v3 =	vld [tilespmem:$0xD0];
	_ =	sdelay $0x4  }
0xea: {  	v45 =	vshrl.u32 v3, $0x3  }
0xeb: {  	v4 =	vmul.u32 $0x18, v45  }
0xec: {  	v3 =	vand.u32 $0x7, v3  }
0xed: {  	v3 =	vor.u32 v3, v4  }
0xee: {  	v4 =	vperm.xlane v3, v0;
	_ =	sdelay $0x1  }
0xef: {  	v4 =	vadd.s32 v1, v4;
	_ =	sdelay $0x1  }
0xf0: {  	v3 =	vperm.xlane v3, v2;
	_ =	sdelay $0x1  }
0xf1: {  	s25 =	simm.s32 $0x13A00;
	v3 =	vadd.s32 v1, v3  }
0xf2: {  	[tilespmem:s25], [sflag:$0x2] =	stream.indirect_vreg.gather [hbm4b:s3+s2], $0x80, v4, vm0, $0xb8;
	[tilespmem:$0x18200] =	vst v63  }
0xf3: {  	s25 =	simm.s32 $0x14200  }
0xf4: {  	[tilespmem:s25], [sflag:$0x2] =	stream.indirect_vreg.gather [hbm4b:s5+s2], $0x80, v4, vm1, $0xb8;
	[tilespmem:$0x18200] =	vst v63  }
0xf5: {  	s25 =	simm.s32 $0x14600  }
0xf6: {  	[tilespmem:s25], [sflag:$0x2] =	stream.indirect_vreg.gather [hbm4b:s3+s2], $0x80, v3, vm0, $0xb8;
	[tilespmem:$0x18200] =	vst v63  }
0xf7: {  	s25 =	simm.s32 $0x14E00  }
0xf8: {  	[tilespmem:s25], [sflag:$0x2] =	stream.indirect_vreg.gather [hbm4b:s5+s2], $0x80, v3, vm1, $0xb8;
	[tilespmem:$0x18200] =	vst v63  }
0xf9: {  	v3 =	vld [tilespmem:$0xE0];
	_ =	sdelay $0x4  }
0xfa: {  	v46 =	vshrl.u32 v3, $0x3  }
0xfb: {  	v4 =	vmul.u32 $0x18, v46  }
0xfc: {  	v3 =	vand.u32 $0x7, v3  }
0xfd: {  	v3 =	vor.u32 v3, v4  }
0xfe: {  	v4 =	vperm.xlane v3, v0;
	_ =	sdelay $0x1  }
0xff: {  	v4 =	vadd.s32 v1, v4;
	_ =	sdelay $0x1  }
0x100: {  	v3 =	vperm.xlane v3, v2;
	_ =	sdelay $0x1  }
0x101: {  	s25 =	simm.s32 $0x15200;
	v3 =	vadd.s32 v1, v3  }
0x102: {  	[tilespmem:s25], [sflag:$0x2] =	stream.indirect_vreg.gather [hbm4b:s3+s2], $0x80, v4, vm0, $0xb8;
	[tilespmem:$0x18200] =	vst v63  }
0x103: {  	s25 =	simm.s32 $0x15A00  }
0x104: {  	[tilespmem:s25], [sflag:$0x2] =	stream.indirect_vreg.gather [hbm4b:s5+s2], $0x80, v4, vm1, $0xb8;
	[tilespmem:$0x18200] =	vst v63  }
0x105: {  	s25 =	simm.s32 $0x15E00  }
0x106: {  	[tilespmem:s25], [sflag:$0x2] =	stream.indirect_vreg.gather [hbm4b:s3+s2], $0x80, v3, vm0, $0xb8;
	[tilespmem:$0x18200] =	vst v63  }
0x107: {  	s25 =	simm.s32 $0x16600  }
0x108: {  	[tilespmem:s25], [sflag:$0x2] =	stream.indirect_vreg.gather [hbm4b:s5+s2], $0x80, v3, vm1, $0xb8;
	[tilespmem:$0x18200] =	vst v63  }
0x109: {  	v3 =	vld [tilespmem:$0xF0];
	_ =	sdelay $0x4  }
0x10a: {  	v47 =	vshrl.u32 v3, $0x3  }
0x10b: {  	v4 =	vmul.u32 $0x18, v47  }
0x10c: {  	v3 =	vand.u32 $0x7, v3  }
0x10d: {  	v3 =	vor.u32 v3, v4  }
0x10e: {  	v4 =	vperm.xlane v3, v0;
	_ =	sdelay $0x1  }
0x10f: {  	v4 =	vadd.s32 v1, v4;
	_ =	sdelay $0x1  }
0x110: {  	v3 =	vperm.xlane v3, v2;
	_ =	sdelay $0x1  }
0x111: {  	s25 =	simm.s32 $0x16A00;
	v3 =	vadd.s32 v1, v3  }
0x112: {  	[tilespmem:s25], [sflag:$0x2] =	stream.indirect_vreg.gather [hbm4b:s3+s2], $0x80, v4, vm0, $0xb8;
	[tilespmem:$0x18200] =	vst v63  }
0x113: {  	s25 =	simm.s32 $0x17200  }
0x114: {  	[tilespmem:s25], [sflag:$0x2] =	stream.indirect_vreg.gather [hbm4b:s5+s2], $0x80, v4, vm1, $0xb8;
	[tilespmem:$0x18200] =	vst v63  }
0x115: {  	s25 =	simm.s32 $0x17600  }
0x116: {  	[tilespmem:s25], [sflag:$0x2] =	stream.indirect_vreg.gather [hbm4b:s3+s2], $0x80, v3, vm0, $0xb8;
	[tilespmem:$0x18200] =	vst v63  }
0x117: {  	s25 =	simm.s32 $0x17E00  }
0x118: {  	[tilespmem:s25], [sflag:$0x2] =	stream.indirect_vreg.gather [hbm4b:s5+s2], $0x80, v3, vm1, $0xb8;
	[tilespmem:$0x18200] =	vst v63  }
0x119: {  	_ =	swait.ge [sflag:s24], $0xC000  }
0x11a: {  	[sflag:s24] =	ssyncset.done $0x0  }
0x11b: {  	s1 =	simm.s32 $0x200;
	s25 =	rddreg [dreg:$0x7];
	[sflag:s24] =	ssyncadd.s32 $0xFFFF4000  }
0x11c: {  	[hbm4b:s25+s2] =	stream.linear.scatter [tilespmem:s1], [sflag:$0x3], $0xC000, $0x38;
	[tilespmem:$0x18200] =	vst v63  }
0x11d: {  	_ =	swait.ge [sflag:s7], $0xC000  }
0x11e: {  	[sflag:s7] =	ssyncset.done $0x0  }
0x11f: {  	[sflag:s7] =	ssyncadd.s32 $0xFFFF4000  }
0x120: {  	v3 =	vld [tilespmem:$0x100];
	_ =	sdelay $0x4  }
0x121: {  	v48 =	vshrl.u32 v3, $0x3  }
0x122: {  	v4 =	vmul.u32 $0x18, v48  }
0x123: {  	v3 =	vand.u32 $0x7, v3  }
0x124: {  	v3 =	vor.u32 v3, v4  }
0x125: {  	v4 =	vperm.xlane v3, v0;
	_ =	sdelay $0x1  }
0x126: {  	v4 =	vadd.s32 v1, v4;
	_ =	sdelay $0x1  }
0x127: {  	v3 =	vperm.xlane v3, v2;
	_ =	sdelay $0x1  }
0x128: {  	v3 =	vadd.s32 v1, v3  }
0x129: {  	[tilespmem:s1], [sflag:$0x1] =	stream.indirect_vreg.gather [hbm4b:s3+s2], $0x80, v4, vm0, $0xb8;
	[tilespmem:$0x18200] =	vst v63  }
0x12a: {  	_ = 	snop  }
0x12b: {  	[tilespmem:s26], [sflag:$0x1] =	stream.indirect_vreg.gather [hbm4b:s5+s2], $0x80, v4, vm1, $0xb8;
	[tilespmem:$0x18200] =	vst v63  }
0x12c: {  	_ = 	snop  }
0x12d: {  	[tilespmem:s28], [sflag:$0x1] =	stream.indirect_vreg.gather [hbm4b:s3+s2], $0x80, v3, vm0, $0xb8;
	[tilespmem:$0x18200] =	vst v63  }
0x12e: {  	_ = 	snop  }
0x12f: {  	[tilespmem:s29], [sflag:$0x1] =	stream.indirect_vreg.gather [hbm4b:s5+s2], $0x80, v3, vm1, $0xb8;
	[tilespmem:$0x18200] =	vst v63  }
0x130: {  	v3 =	vld [tilespmem:$0x110];
	_ =	sdelay $0x4  }
0x131: {  	v49 =	vshrl.u32 v3, $0x3  }
0x132: {  	v4 =	vmul.u32 $0x18, v49  }
0x133: {  	v3 =	vand.u32 $0x7, v3  }
0x134: {  	v3 =	vor.u32 v3, v4  }
0x135: {  	v4 =	vperm.xlane v3, v0;
	_ =	sdelay $0x1  }
0x136: {  	v4 =	vadd.s32 v1, v4;
	_ =	sdelay $0x1  }
0x137: {  	v3 =	vperm.xlane v3, v2;
	_ =	sdelay $0x1  }
0x138: {  	v3 =	vadd.s32 v1, v3  }
0x139: {  	[tilespmem:s30], [sflag:$0x1] =	stream.indirect_vreg.gather [hbm4b:s3+s2], $0x80, v4, vm0, $0xb8;
	[tilespmem:$0x18200] =	vst v63  }
0x13a: {  	_ = 	snop  }
0x13b: {  	[tilespmem:s31], [sflag:$0x1] =	stream.indirect_vreg.gather [hbm4b:s5+s2], $0x80, v4, vm1, $0xb8;
	[tilespmem:$0x18200] =	vst v63  }
0x13c: {  	s25 =	simm.s32 $0x2600  }
0x13d: {  	[tilespmem:s25], [sflag:$0x1] =	stream.indirect_vreg.gather [hbm4b:s3+s2], $0x80, v3, vm0, $0xb8;
	[tilespmem:$0x18200] =	vst v63  }
0x13e: {  	s25 =	simm.s32 $0x2E00  }
0x13f: {  	[tilespmem:s25], [sflag:$0x1] =	stream.indirect_vreg.gather [hbm4b:s5+s2], $0x80, v3, vm1, $0xb8;
	[tilespmem:$0x18200] =	vst v63  }
0x140: {  	v3 =	vld [tilespmem:$0x120];
	_ =	sdelay $0x4  }
0x141: {  	v50 =	vshrl.u32 v3, $0x3  }
0x142: {  	v4 =	vmul.u32 $0x18, v50  }
0x143: {  	v3 =	vand.u32 $0x7, v3  }
0x144: {  	v3 =	vor.u32 v3, v4  }
0x145: {  	v4 =	vperm.xlane v3, v0;
	_ =	sdelay $0x1  }
0x146: {  	v4 =	vadd.s32 v1, v4;
	_ =	sdelay $0x1  }
0x147: {  	v3 =	vperm.xlane v3, v2;
	_ =	sdelay $0x1  }
0x148: {  	v3 =	vadd.s32 v1, v3  }
0x149: {  	[tilespmem:s9], [sflag:$0x1] =	stream.indirect_vreg.gather [hbm4b:s3+s2], $0x80, v4, vm0, $0xb8;
	[tilespmem:$0x18200] =	vst v63  }
0x14a: {  	_ = 	snop  }
0x14b: {  	[tilespmem:s10], [sflag:$0x1] =	stream.indirect_vreg.gather [hbm4b:s5+s2], $0x80, v4, vm1, $0xb8;
	[tilespmem:$0x18200] =	vst v63  }
0x14c: {  	_ = 	snop  }
0x14d: {  	[tilespmem:s11], [sflag:$0x1] =	stream.indirect_vreg.gather [hbm4b:s3+s2], $0x80, v3, vm0, $0xb8;
	[tilespmem:$0x18200] =	vst v63  }
0x14e: {  	_ = 	snop  }
0x14f: {  	[tilespmem:s12], [sflag:$0x1] =	stream.indirect_vreg.gather [hbm4b:s5+s2], $0x80, v3, vm1, $0xb8;
	[tilespmem:$0x18200] =	vst v63  }
0x150: {  	v3 =	vld [tilespmem:$0x130];
	_ =	sdelay $0x4  }
0x151: {  	v51 =	vshrl.u32 v3, $0x3  }
0x152: {  	v4 =	vmul.u32 $0x18, v51  }
0x153: {  	v3 =	vand.u32 $0x7, v3  }
0x154: {  	v3 =	vor.u32 v3, v4  }
0x155: {  	v4 =	vperm.xlane v3, v0;
	_ =	sdelay $0x1  }
0x156: {  	v4 =	vadd.s32 v1, v4;
	_ =	sdelay $0x1  }
0x157: {  	v3 =	vperm.xlane v3, v2;
	_ =	sdelay $0x1  }
0x158: {  	v3 =	vadd.s32 v1, v3  }
0x159: {  	[tilespmem:s13], [sflag:$0x1] =	stream.indirect_vreg.gather [hbm4b:s3+s2], $0x80, v4, vm0, $0xb8;
	[tilespmem:$0x18200] =	vst v63  }
0x15a: {  	_ = 	snop  }
0x15b: {  	[tilespmem:s14], [sflag:$0x1] =	stream.indirect_vreg.gather [hbm4b:s5+s2], $0x80, v4, vm1, $0xb8;
	[tilespmem:$0x18200] =	vst v63  }
0x15c: {  	_ = 	snop  }
0x15d: {  	[tilespmem:s15], [sflag:$0x1] =	stream.indirect_vreg.gather [hbm4b:s3+s2], $0x80, v3, vm0, $0xb8;
	[tilespmem:$0x18200] =	vst v63  }
0x15e: {  	_ = 	snop  }
0x15f: {  	[tilespmem:s17], [sflag:$0x1] =	stream.indirect_vreg.gather [hbm4b:s5+s2], $0x80, v3, vm1, $0xb8;
	[tilespmem:$0x18200] =	vst v63  }
0x160: {  	v3 =	vld [tilespmem:$0x140];
	_ =	sdelay $0x4  }
0x161: {  	v52 =	vshrl.u32 v3, $0x3  }
0x162: {  	v4 =	vmul.u32 $0x18, v52  }
0x163: {  	v3 =	vand.u32 $0x7, v3  }
0x164: {  	v3 =	vor.u32 v3, v4  }
0x165: {  	v4 =	vperm.xlane v3, v0;
	_ =	sdelay $0x1  }
0x166: {  	v4 =	vadd.s32 v1, v4;
	_ =	sdelay $0x1  }
0x167: {  	v3 =	vperm.xlane v3, v2;
	_ =	sdelay $0x1  }
0x168: {  	v3 =	vadd.s32 v1, v3  }
0x169: {  	[tilespmem:s18], [sflag:$0x1] =	stream.indirect_vreg.gather [hbm4b:s3+s2], $0x80, v4, vm0, $0xb8;
	[tilespmem:$0x18200] =	vst v63  }
0x16a: {  	_ = 	snop  }
0x16b: {  	[tilespmem:s19], [sflag:$0x1] =	stream.indirect_vreg.gather [hbm4b:s5+s2], $0x80, v4, vm1, $0xb8;
	[tilespmem:$0x18200] =	vst v63  }
0x16c: {  	s25 =	simm.s32 $0x6E00  }
0x16d: {  	[tilespmem:s25], [sflag:$0x1] =	stream.indirect_vreg.gather [hbm4b:s3+s2], $0x80, v3, vm0, $0xb8;
	[tilespmem:$0x18200] =	vst v63  }
0x16e: {  	_ = 	snop  }
0x16f: {  	[tilespmem:s20], [sflag:$0x1] =	stream.indirect_vreg.gather [hbm4b:s5+s2], $0x80, v3, vm1, $0xb8;
	[tilespmem:$0x18200] =	vst v63  }
0x170: {  	v3 =	vld [tilespmem:$0x150];
	_ =	sdelay $0x4  }
0x171: {  	v53 =	vshrl.u32 v3, $0x3  }
0x172: {  	v4 =	vmul.u32 $0x18, v53  }
0x173: {  	v3 =	vand.u32 $0x7, v3  }
0x174: {  	v3 =	vor.u32 v3, v4  }
0x175: {  	v4 =	vperm.xlane v3, v0;
	_ =	sdelay $0x1  }
0x176: {  	v4 =	vadd.s32 v1, v4;
	_ =	sdelay $0x1  }
0x177: {  	v3 =	vperm.xlane v3, v2;
	_ =	sdelay $0x1  }
0x178: {  	v3 =	vadd.s32 v1, v3  }
0x179: {  	[tilespmem:s21], [sflag:$0x1] =	stream.indirect_vreg.gather [hbm4b:s3+s2], $0x80, v4, vm0, $0xb8;
	[tilespmem:$0x18200] =	vst v63  }
0x17a: {  	_ = 	snop  }
0x17b: {  	[tilespmem:s22], [sflag:$0x1] =	stream.indirect_vreg.gather [hbm4b:s5+s2], $0x80, v4, vm1, $0xb8;
	[tilespmem:$0x18200] =	vst v63  }
0x17c: {  	_ = 	snop  }
0x17d: {  	[tilespmem:s8], [sflag:$0x1] =	stream.indirect_vreg.gather [hbm4b:s3+s2], $0x80, v3, vm0, $0xb8;
	[tilespmem:$0x18200] =	vst v63  }
0x17e: {  	_ = 	snop  }
0x17f: {  	[tilespmem:s16], [sflag:$0x1] =	stream.indirect_vreg.gather [hbm4b:s5+s2], $0x80, v3, vm1, $0xb8;
	[tilespmem:$0x18200] =	vst v63  }
0x180: {  	v3 =	vld [tilespmem:$0x160];
	_ =	sdelay $0x4  }
0x181: {  	v54 =	vshrl.u32 v3, $0x3  }
0x182: {  	v4 =	vmul.u32 $0x18, v54  }
0x183: {  	v3 =	vand.u32 $0x7, v3  }
0x184: {  	v3 =	vor.u32 v3, v4  }
0x185: {  	v4 =	vperm.xlane v3, v0;
	_ =	sdelay $0x1  }
0x186: {  	v4 =	vadd.s32 v1, v4;
	_ =	sdelay $0x1  }
0x187: {  	v3 =	vperm.xlane v3, v2;
	_ =	sdelay $0x1  }
0x188: {  	v3 =	vadd.s32 v1, v3  }
0x189: {  	[tilespmem:s23], [sflag:$0x1] =	stream.indirect_vreg.gather [hbm4b:s3+s2], $0x80, v4, vm0, $0xb8;
	[tilespmem:$0x18200] =	vst v63  }
0x18a: {  	s25 =	simm.s32 $0x9A00  }
0x18b: {  	[tilespmem:s25], [sflag:$0x1] =	stream.indirect_vreg.gather [hbm4b:s5+s2], $0x80, v4, vm1, $0xb8;
	[tilespmem:$0x18200] =	vst v63  }
0x18c: {  	s25 =	simm.s32 $0x9E00  }
0x18d: {  	[tilespmem:s25], [sflag:$0x1] =	stream.indirect_vreg.gather [hbm4b:s3+s2], $0x80, v3, vm0, $0xb8;
	[tilespmem:$0x18200] =	vst v63  }
0x18e: {  	s25 =	simm.s32 $0xA600  }
0x18f: {  	[tilespmem:s25], [sflag:$0x1] =	stream.indirect_vreg.gather [hbm4b:s5+s2], $0x80, v3, vm1, $0xb8;
	[tilespmem:$0x18200] =	vst v63  }
0x190: {  	v3 =	vld [tilespmem:$0x170];
	_ =	sdelay $0x4  }
0x191: {  	v55 =	vshrl.u32 v3, $0x3  }
0x192: {  	v4 =	vmul.u32 $0x18, v55  }
0x193: {  	v3 =	vand.u32 $0x7, v3  }
0x194: {  	v3 =	vor.u32 v3, v4  }
0x195: {  	v4 =	vperm.xlane v3, v0;
	_ =	sdelay $0x1  }
0x196: {  	v4 =	vadd.s32 v1, v4;
	_ =	sdelay $0x1  }
0x197: {  	v3 =	vperm.xlane v3, v2;
	_ =	sdelay $0x1  }
0x198: {  	s25 =	simm.s32 $0xAA00;
	v3 =	vadd.s32 v1, v3  }
0x199: {  	[tilespmem:s25], [sflag:$0x1] =	stream.indirect_vreg.gather [hbm4b:s3+s2], $0x80, v4, vm0, $0xb8;
	[tilespmem:$0x18200] =	vst v63  }
0x19a: {  	s25 =	simm.s32 $0xB200  }
0x19b: {  	[tilespmem:s25], [sflag:$0x1] =	stream.indirect_vreg.gather [hbm4b:s5+s2], $0x80, v4, vm1, $0xb8;
	[tilespmem:$0x18200] =	vst v63  }
0x19c: {  	s25 =	simm.s32 $0xB600  }
0x19d: {  	[tilespmem:s25], [sflag:$0x1] =	stream.indirect_vreg.gather [hbm4b:s3+s2], $0x80, v3, vm0, $0xb8;
	[tilespmem:$0x18200] =	vst v63  }
0x19e: {  	s25 =	simm.s32 $0xBE00  }
0x19f: {  	[tilespmem:s25], [sflag:$0x1] =	stream.indirect_vreg.gather [hbm4b:s5+s2], $0x80, v3, vm1, $0xb8;
	[tilespmem:$0x18200] =	vst v63  }
0x1a0: {  	_ =	swait.ge [sflag:s4], $0xC000  }
0x1a1: {  	[sflag:s4] =	ssyncset.done $0x0  }
0x1a2: {  	s1 =	rddreg [dreg:$0x4];
	[sflag:s4] =	ssyncadd.s32 $0xFFFF4000  }
0x1a3: {  	[hbm4b:s1+s2] =	stream.linear.scatter [tilespmem:s0], [sflag:$0x3], $0xC000, $0x38;
	[tilespmem:$0x18200] =	vst v63  }
0x1a4: {  	_ =	swait.ge [sflag:s7], $0xC000  }
0x1a5: {  	[sflag:s7] =	ssyncset.done $0x0  }
0x1a6: {  	[sflag:s7] =	ssyncadd.s32 $0xFFFF4000  }
0x1a7: {  	v3 =	vld [tilespmem:$0x180];
	_ =	sdelay $0x4  }
0x1a8: {  	v56 =	vshrl.u32 v3, $0x3  }
0x1a9: {  	v4 =	vmul.u32 $0x18, v56  }
0x1aa: {  	v3 =	vand.u32 $0x7, v3  }
0x1ab: {  	v3 =	vor.u32 v3, v4  }
0x1ac: {  	v4 =	vperm.xlane v3, v0;
	_ =	sdelay $0x1  }
0x1ad: {  	v4 =	vadd.s32 v1, v4;
	_ =	sdelay $0x1  }
0x1ae: {  	v3 =	vperm.xlane v3, v2;
	_ =	sdelay $0x1  }
0x1af: {  	v3 =	vadd.s32 v1, v3  }
0x1b0: {  	[tilespmem:s0], [sflag:$0x2] =	stream.indirect_vreg.gather [hbm4b:s3+s2], $0x80, v4, vm0, $0xb8;
	[tilespmem:$0x18200] =	vst v63  }
0x1b1: {  	s25 =	simm.s32 $0xCA00  }
0x1b2: {  	[tilespmem:s25], [sflag:$0x2] =	stream.indirect_vreg.gather [hbm4b:s5+s2], $0x80, v4, vm1, $0xb8;
	[tilespmem:$0x18200] =	vst v63  }
0x1b3: {  	s25 =	simm.s32 $0xCE00  }
0x1b4: {  	[tilespmem:s25], [sflag:$0x2] =	stream.indirect_vreg.gather [hbm4b:s3+s2], $0x80, v3, vm0, $0xb8;
	[tilespmem:$0x18200] =	vst v63  }
0x1b5: {  	s25 =	simm.s32 $0xD600  }
0x1b6: {  	[tilespmem:s25], [sflag:$0x2] =	stream.indirect_vreg.gather [hbm4b:s5+s2], $0x80, v3, vm1, $0xb8;
	[tilespmem:$0x18200] =	vst v63  }
0x1b7: {  	v3 =	vld [tilespmem:$0x190];
	_ =	sdelay $0x4  }
0x1b8: {  	v57 =	vshrl.u32 v3, $0x3  }
0x1b9: {  	v4 =	vmul.u32 $0x18, v57  }
0x1ba: {  	v3 =	vand.u32 $0x7, v3  }
0x1bb: {  	v3 =	vor.u32 v3, v4  }
0x1bc: {  	v4 =	vperm.xlane v3, v0;
	_ =	sdelay $0x1  }
0x1bd: {  	v4 =	vadd.s32 v1, v4;
	_ =	sdelay $0x1  }
0x1be: {  	v3 =	vperm.xlane v3, v2;
	_ =	sdelay $0x1  }
0x1bf: {  	s25 =	simm.s32 $0xDA00;
	v3 =	vadd.s32 v1, v3  }
0x1c0: {  	[tilespmem:s25], [sflag:$0x2] =	stream.indirect_vreg.gather [hbm4b:s3+s2], $0x80, v4, vm0, $0xb8;
	[tilespmem:$0x18200] =	vst v63  }
0x1c1: {  	s25 =	simm.s32 $0xE200  }
0x1c2: {  	[tilespmem:s25], [sflag:$0x2] =	stream.indirect_vreg.gather [hbm4b:s5+s2], $0x80, v4, vm1, $0xb8;
	[tilespmem:$0x18200] =	vst v63  }
0x1c3: {  	s25 =	simm.s32 $0xE600  }
0x1c4: {  	[tilespmem:s25], [sflag:$0x2] =	stream.indirect_vreg.gather [hbm4b:s3+s2], $0x80, v3, vm0, $0xb8;
	[tilespmem:$0x18200] =	vst v63  }
0x1c5: {  	s25 =	simm.s32 $0xEE00  }
0x1c6: {  	[tilespmem:s25], [sflag:$0x2] =	stream.indirect_vreg.gather [hbm4b:s5+s2], $0x80, v3, vm1, $0xb8;
	[tilespmem:$0x18200] =	vst v63  }
0x1c7: {  	v3 =	vld [tilespmem:$0x1A0];
	_ =	sdelay $0x4  }
0x1c8: {  	v58 =	vshrl.u32 v3, $0x3  }
0x1c9: {  	v4 =	vmul.u32 $0x18, v58  }
0x1ca: {  	v3 =	vand.u32 $0x7, v3  }
0x1cb: {  	v3 =	vor.u32 v3, v4  }
0x1cc: {  	v4 =	vperm.xlane v3, v0;
	_ =	sdelay $0x1  }
0x1cd: {  	v4 =	vadd.s32 v1, v4;
	_ =	sdelay $0x1  }
0x1ce: {  	v3 =	vperm.xlane v3, v2;
	_ =	sdelay $0x1  }
0x1cf: {  	s25 =	simm.s32 $0xF200;
	v3 =	vadd.s32 v1, v3  }
0x1d0: {  	[tilespmem:s25], [sflag:$0x2] =	stream.indirect_vreg.gather [hbm4b:s3+s2], $0x80, v4, vm0, $0xb8;
	[tilespmem:$0x18200] =	vst v63  }
0x1d1: {  	s25 =	simm.s32 $0xFA00  }
0x1d2: {  	[tilespmem:s25], [sflag:$0x2] =	stream.indirect_vreg.gather [hbm4b:s5+s2], $0x80, v4, vm1, $0xb8;
	[tilespmem:$0x18200] =	vst v63  }
0x1d3: {  	s25 =	simm.s32 $0xFE00  }
0x1d4: {  	[tilespmem:s25], [sflag:$0x2] =	stream.indirect_vreg.gather [hbm4b:s3+s2], $0x80, v3, vm0, $0xb8;
	[tilespmem:$0x18200] =	vst v63  }
0x1d5: {  	s25 =	simm.s32 $0x10600  }
0x1d6: {  	[tilespmem:s25], [sflag:$0x2] =	stream.indirect_vreg.gather [hbm4b:s5+s2], $0x80, v3, vm1, $0xb8;
	[tilespmem:$0x18200] =	vst v63  }
0x1d7: {  	v3 =	vld [tilespmem:$0x1B0];
	_ =	sdelay $0x4  }
0x1d8: {  	v59 =	vshrl.u32 v3, $0x3  }
0x1d9: {  	v4 =	vmul.u32 $0x18, v59  }
0x1da: {  	v3 =	vand.u32 $0x7, v3  }
0x1db: {  	v3 =	vor.u32 v3, v4  }
0x1dc: {  	v4 =	vperm.xlane v3, v0;
	_ =	sdelay $0x1  }
0x1dd: {  	v4 =	vadd.s32 v1, v4;
	_ =	sdelay $0x1  }
0x1de: {  	v3 =	vperm.xlane v3, v2;
	_ =	sdelay $0x1  }
0x1df: {  	s25 =	simm.s32 $0x10A00;
	v3 =	vadd.s32 v1, v3  }
0x1e0: {  	[tilespmem:s25], [sflag:$0x2] =	stream.indirect_vreg.gather [hbm4b:s3+s2], $0x80, v4, vm0, $0xb8;
	[tilespmem:$0x18200] =	vst v63  }
0x1e1: {  	s25 =	simm.s32 $0x11200  }
0x1e2: {  	[tilespmem:s25], [sflag:$0x2] =	stream.indirect_vreg.gather [hbm4b:s5+s2], $0x80, v4, vm1, $0xb8;
	[tilespmem:$0x18200] =	vst v63  }
0x1e3: {  	s25 =	simm.s32 $0x11600  }
0x1e4: {  	[tilespmem:s25], [sflag:$0x2] =	stream.indirect_vreg.gather [hbm4b:s3+s2], $0x80, v3, vm0, $0xb8;
	[tilespmem:$0x18200] =	vst v63  }
0x1e5: {  	s25 =	simm.s32 $0x11E00  }
0x1e6: {  	[tilespmem:s25], [sflag:$0x2] =	stream.indirect_vreg.gather [hbm4b:s5+s2], $0x80, v3, vm1, $0xb8;
	[tilespmem:$0x18200] =	vst v63  }
0x1e7: {  	v3 =	vld [tilespmem:$0x1C0];
	_ =	sdelay $0x4  }
0x1e8: {  	v60 =	vshrl.u32 v3, $0x3  }
0x1e9: {  	v4 =	vmul.u32 $0x18, v60  }
0x1ea: {  	v3 =	vand.u32 $0x7, v3  }
0x1eb: {  	v3 =	vor.u32 v3, v4  }
0x1ec: {  	v4 =	vperm.xlane v3, v0;
	_ =	sdelay $0x1  }
0x1ed: {  	v4 =	vadd.s32 v1, v4;
	_ =	sdelay $0x1  }
0x1ee: {  	v3 =	vperm.xlane v3, v2;
	_ =	sdelay $0x1  }
0x1ef: {  	s25 =	simm.s32 $0x12200;
	v3 =	vadd.s32 v1, v3  }
0x1f0: {  	[tilespmem:s25], [sflag:$0x2] =	stream.indirect_vreg.gather [hbm4b:s3+s2], $0x80, v4, vm0, $0xb8;
	[tilespmem:$0x18200] =	vst v63  }
0x1f1: {  	s25 =	simm.s32 $0x12A00  }
0x1f2: {  	[tilespmem:s25], [sflag:$0x2] =	stream.indirect_vreg.gather [hbm4b:s5+s2], $0x80, v4, vm1, $0xb8;
	[tilespmem:$0x18200] =	vst v63  }
0x1f3: {  	s25 =	simm.s32 $0x12E00  }
0x1f4: {  	[tilespmem:s25], [sflag:$0x2] =	stream.indirect_vreg.gather [hbm4b:s3+s2], $0x80, v3, vm0, $0xb8;
	[tilespmem:$0x18200] =	vst v63  }
0x1f5: {  	s25 =	simm.s32 $0x13600  }
0x1f6: {  	[tilespmem:s25], [sflag:$0x2] =	stream.indirect_vreg.gather [hbm4b:s5+s2], $0x80, v3, vm1, $0xb8;
	[tilespmem:$0x18200] =	vst v63  }
0x1f7: {  	v3 =	vld [tilespmem:$0x1D0];
	_ =	sdelay $0x4  }
0x1f8: {  	v61 =	vshrl.u32 v3, $0x3  }
0x1f9: {  	v4 =	vmul.u32 $0x18, v61  }
0x1fa: {  	v3 =	vand.u32 $0x7, v3  }
0x1fb: {  	v3 =	vor.u32 v3, v4  }
0x1fc: {  	v4 =	vperm.xlane v3, v0;
	_ =	sdelay $0x1  }
0x1fd: {  	v4 =	vadd.s32 v1, v4;
	_ =	sdelay $0x1  }
0x1fe: {  	v3 =	vperm.xlane v3, v2;
	_ =	sdelay $0x1  }
0x1ff: {  	s25 =	simm.s32 $0x13A00;
	v3 =	vadd.s32 v1, v3  }
0x200: {  	[tilespmem:s25], [sflag:$0x2] =	stream.indirect_vreg.gather [hbm4b:s3+s2], $0x80, v4, vm0, $0xb8;
	[tilespmem:$0x18200] =	vst v63  }
0x201: {  	s25 =	simm.s32 $0x14200  }
0x202: {  	[tilespmem:s25], [sflag:$0x2] =	stream.indirect_vreg.gather [hbm4b:s5+s2], $0x80, v4, vm1, $0xb8;
	[tilespmem:$0x18200] =	vst v63  }
0x203: {  	s25 =	simm.s32 $0x14600  }
0x204: {  	[tilespmem:s25], [sflag:$0x2] =	stream.indirect_vreg.gather [hbm4b:s3+s2], $0x80, v3, vm0, $0xb8;
	[tilespmem:$0x18200] =	vst v63  }
0x205: {  	s25 =	simm.s32 $0x14E00  }
0x206: {  	[tilespmem:s25], [sflag:$0x2] =	stream.indirect_vreg.gather [hbm4b:s5+s2], $0x80, v3, vm1, $0xb8;
	[tilespmem:$0x18200] =	vst v63  }
0x207: {  	v3 =	vld [tilespmem:$0x1E0];
	_ =	sdelay $0x4  }
0x208: {  	v62 =	vshrl.u32 v3, $0x3  }
0x209: {  	v4 =	vmul.u32 $0x18, v62  }
0x20a: {  	v3 =	vand.u32 $0x7, v3  }
0x20b: {  	v3 =	vor.u32 v3, v4  }
0x20c: {  	v4 =	vperm.xlane v3, v0;
	_ =	sdelay $0x1  }
0x20d: {  	v4 =	vadd.s32 v1, v4;
	_ =	sdelay $0x1  }
0x20e: {  	v3 =	vperm.xlane v3, v2;
	_ =	sdelay $0x1  }
0x20f: {  	s25 =	simm.s32 $0x15200;
	v3 =	vadd.s32 v1, v3  }
0x210: {  	[tilespmem:s25], [sflag:$0x2] =	stream.indirect_vreg.gather [hbm4b:s3+s2], $0x80, v4, vm0, $0xb8;
	[tilespmem:$0x18200] =	vst v63  }
0x211: {  	s25 =	simm.s32 $0x15A00  }
0x212: {  	[tilespmem:s25], [sflag:$0x2] =	stream.indirect_vreg.gather [hbm4b:s5+s2], $0x80, v4, vm1, $0xb8;
	[tilespmem:$0x18200] =	vst v63  }
0x213: {  	s25 =	simm.s32 $0x15E00  }
0x214: {  	[tilespmem:s25], [sflag:$0x2] =	stream.indirect_vreg.gather [hbm4b:s3+s2], $0x80, v3, vm0, $0xb8;
	[tilespmem:$0x18200] =	vst v63  }
0x215: {  	s25 =	simm.s32 $0x16600  }
0x216: {  	[tilespmem:s25], [sflag:$0x2] =	stream.indirect_vreg.gather [hbm4b:s5+s2], $0x80, v3, vm1, $0xb8;
	[tilespmem:$0x18200] =	vst v63  }
0x217: {  	v3 =	vld [tilespmem:$0x1F0];
	_ =	sdelay $0x4  }
0x218: {  	v63 =	vshrl.u32 v3, $0x3  }
0x219: {  	v4 =	vmul.u32 $0x18, v63  }
0x21a: {  	v3 =	vand.u32 $0x7, v3  }
0x21b: {  	v3 =	vor.u32 v3, v4  }
0x21c: {  	v4 =	vperm.xlane v3, v0;
	_ =	sdelay $0x1  }
0x21d: {  	v4 =	vadd.s32 v1, v4;
	_ =	sdelay $0x1  }
0x21e: {  	v3 =	vperm.xlane v3, v2;
	_ =	sdelay $0x1  }
0x21f: {  	s25 =	simm.s32 $0x16A00;
	v3 =	vadd.s32 v1, v3  }
0x220: {  	[tilespmem:s25], [sflag:$0x2] =	stream.indirect_vreg.gather [hbm4b:s3+s2], $0x80, v4, vm0, $0xb8;
	[tilespmem:$0x18200] =	vst v63  }
0x221: {  	s25 =	simm.s32 $0x17200  }
0x222: {  	[tilespmem:s25], [sflag:$0x2] =	stream.indirect_vreg.gather [hbm4b:s5+s2], $0x80, v4, vm1, $0xb8;
	[tilespmem:$0x18200] =	vst v63  }
0x223: {  	s25 =	simm.s32 $0x17600  }
0x224: {  	[tilespmem:s25], [sflag:$0x2] =	stream.indirect_vreg.gather [hbm4b:s3+s2], $0x80, v3, vm0, $0xb8;
	[tilespmem:$0x18200] =	vst v63  }
0x225: {  	s25 =	simm.s32 $0x17E00  }
0x226: {  	[tilespmem:s25], [sflag:$0x2] =	stream.indirect_vreg.gather [hbm4b:s5+s2], $0x80, v3, vm1, $0xb8;
	[tilespmem:$0x18200] =	vst v63  }
0x227: {  	_ =	swait.ge [sflag:s24], $0xC000  }
0x228: {  	[sflag:s24] =	ssyncset.done $0x0  }
0x229: {  	s1 =	simm.s32 $0x200;
	s25 =	rddreg [dreg:$0x5];
	[sflag:s24] =	ssyncadd.s32 $0xFFFF4000  }
0x22a: {  	[hbm4b:s25+s2] =	stream.linear.scatter [tilespmem:s1], [sflag:$0x3], $0xC000, $0x38;
	[tilespmem:$0x18200] =	vst v63  }
0x22b: {  	_ =	swait.ge [sflag:s7], $0xC000  }
0x22c: {  	[sflag:s7] =	ssyncset.done $0x0  }
0x22d: {  	[sflag:s7] =	ssyncadd.s32 $0xFFFF4000  }
0x22e: {  	_ =	swait.ge [sflag:s4], $0xC000  }
0x22f: {  	p0 =	sne.s32 s6, $0x1;
	[sflag:s4] =	ssyncset.done $0x0  }
.Ltmp0:
0x230: {  	s1 =	rddreg [dreg:$0x6];
	[sflag:s4] =	ssyncadd.s32 $0xFFFF4000;
	(pc) =	sbr.rel @p0 .LBB2_1-.Ltmp0, $4  }
0x231: {  	[hbm4b:s1+s2] =	stream.linear.scatter [tilespmem:s0], [sflag:$0x3], $0xC000, $0x38;
	[tilespmem:$0x18200] =	vst v63  }
0x232: {  	_ =	swait.ge [sflag:s7], $0xC000  }
0x233: {  	[sflag:s7] =	ssyncset.done $0x0  }
0x234: {  	s6 =	sadd.s32 $0xFFFFFFFF, s6;
	[sflag:s7] =	ssyncadd.s32 $0xFFFF4000  }
0x235: {  	_ =	sfence.sel $0x180000  }
0x236: {  	[bflag:$0x0] =	sbarrier.arrive $0xFFFF  }
0x237: {  	_ =	strace $0x9000004A  }
0x238: {  	s0 =	stileid.u32;
	[bflag:$0x2] =	sbarrier.arrive $0xFFFF  }
0x239: {  	p0 =	sne.s32 s0, $0x0;
	s0 =	rddreg [dreg:$0x2]  }
0x23a: {  	s0 =	sadd.s32 @!p0 $0x100000, s0  }
0x23b: {  	[sflag:s0] =	ssyncadd.tile.s32 @!p0 $0x1;
	_ =	shalt  }
.Lfunc_end2:
_tile_overlayer_lowered:
.L_overlay_start_2:
0x23c: {  	(tag) =	ssettag $0x2  }
0x23d: {  	s0 =	rddreg [dreg:$0x0];
	s2 =	stileid.u32  }
0x23e: {  	s1 =	rddreg [dreg:$0x1];
	p0 =	sne.s32 s2, $0x0  }
0x23f: {  	s3 =	rddreg [dreg:$0x2];
	[bflag:$0x3] =	sbarrier.arrive $0xFFFF;
	s2 =	simm.s32 @!p0 $0x1C03  }
0x240: {  	[timem:s3], [sflag:s2] =	dma.local @!p0 [hbm:s0], s1  }
0x241: {  	s0 =	simm.s32 @!p0 $0x3  }
0x242: {  	_ =	swait.ge @!p0 [sflag:s0], s1  }
0x243: {  	s1 =	ssub.s32 @!p0 $0x0, s1;
	[sflag:s0] =	ssyncset.done @!p0 $0x0  }
0x244: {  	[sflag:s0] =	ssyncadd.s32 @!p0 s1  }
0x245: {  	[bflag:$0x3] =	sbarrier.arrive $0xFFFF  }
0x246: {  	_ =	shalt  }

</sc_bundles>
